<compile_context>
chip_gen: v7x
topology: tpu7x:2x2x1
jax: 0.10.2.dev20260603
libtpu: 0.0.44.dev20260713+nightly
codegen_flags: <defaults>
</compile_context>

<pallas_src>
import functools

import jax
import jax.numpy as jnp
from jax import lax
from jax.experimental import pallas as pl
from jax.experimental.pallas import tpu as pltpu
from jax.experimental.pallas import tpu_sc as plsc

N = 10000
E = 320000
HID = 128
OUT_C = 64

NC = 2
NS = 16
NW = NC * NS
FH = HID // NC
CH = 128
NCH = 80
NCHP = 160
EWP = NCH * CH
E_PAD = NW * EWP
N_ACC = 10240
RPS = N_ACC // NS
ZR = 32
NB = 5
LB = 3

_mesh = plsc.VectorSubcoreMesh(core_axis_name="c", subcore_axis_name="s")



@functools.partial(
    pl.kernel,
    out_type=jax.ShapeDtypeStruct((NC, N_ACC), jnp.float32),
    mesh=_mesh,
    scratch_types=[
        pltpu.VMEM((NCH, CH), jnp.int32),
        pltpu.VMEM((CH,), jnp.float32),
        pltpu.VMEM((RPS,), jnp.float32),
        pltpu.VMEM_SHARED((N_ACC,), jnp.float32),
    ],
)
def _sc_deg(dst_hbm, out_hbm, dst_v, ones_v, zb, acc_sh):
    c = lax.axis_index("c")
    s = lax.axis_index("s")
    pltpu.sync_copy(dst_hbm.at[c, s], dst_v)

    ones16 = jnp.ones((16,), jnp.float32)
    for k in range(CH // 16):
        ones_v[pl.ds(k * 16, 16)] = ones16

    zero16 = jnp.zeros((16,), jnp.float32)

    def zbody(i, carry):
        zb[pl.ds(i * 16, 16)] = zero16
        return carry

    lax.fori_loop(0, RPS // 16, zbody, 0)
    row0 = s * RPS
    pltpu.sync_copy(zb, acc_sh.at[pl.ds(row0, RPS)])
    plsc.subcore_barrier()

    def body(ch, carry):
        pltpu.sync_copy(ones_v, acc_sh.at[dst_v.at[ch]], add=True)
        return carry

    lax.fori_loop(0, NCH, body, 0)
    plsc.subcore_barrier()
    pltpu.sync_copy(acc_sh.at[pl.ds(row0, RPS)],
                    out_hbm.at[c, pl.ds(row0, RPS)])


@functools.partial(
    pl.kernel,
    out_type=jax.ShapeDtypeStruct((NC, N_ACC, FH), jnp.float32),
    mesh=_mesh,
    scratch_types=[
        pltpu.VMEM((NCHP, CH), jnp.int32),
        pltpu.VMEM((NCHP, CH), jnp.int32),
        [pltpu.VMEM((CH, FH), jnp.float32) for _ in range(NB)],
        pltpu.VMEM((ZR, FH), jnp.float32),
        pltpu.VMEM_SHARED((N_ACC, FH), jnp.float32),
        [pltpu.SemaphoreType.DMA for _ in range(NB)],
        [pltpu.SemaphoreType.DMA for _ in range(NB)],
    ],
    compiler_params=pltpu.CompilerParams(use_tc_tiling_on_sc=False),
)
def _sc_prop(y_hbm, src_hbm, dst_hbm, out_hbm,
             src_v, dst_v, rows, zb, acc_sh, sem_g, sem_s):
    c = lax.axis_index("c")
    s = lax.axis_index("s")
    pltpu.sync_copy(src_hbm.at[s], src_v)
    pltpu.sync_copy(dst_hbm.at[s], dst_v)

    zero16 = jnp.zeros((16,), jnp.float32)

    def zb_body(r, carry):
        for k in range(FH // 16):
            zb[r, pl.ds(k * 16, 16)] = zero16
        return carry

    lax.fori_loop(0, ZR, zb_body, 0)

    row0 = s * RPS

    def zc_body(j, carry):
        pltpu.sync_copy(zb, acc_sh.at[pl.ds(row0 + j * ZR, ZR)])
        return carry

    lax.fori_loop(0, RPS // ZR, zc_body, 0)
    plsc.subcore_barrier()

    yh = y_hbm.at[c]

    def group(g, carry):
        for b in range(NB):
            i = g * NB + b

            @pl.when(jnp.logical_and(i >= NB, i - NB < NCHP))
            def _():
                pltpu.make_async_copy(
                    rows[b], acc_sh.at[dst_v.at[0]], sem_s[b]).wait()

            @pl.when(i < NCHP)
            def _():
                pltpu.async_copy(yh.at[src_v.at[i]], rows[b], sem_g[b])

            j = i - LB
            bj = (b - LB) % NB

            @pl.when(jnp.logical_and(j >= 0, j < NCHP))
            def _():
                pltpu.make_async_copy(
                    yh.at[src_v.at[0]], rows[bj], sem_g[bj]).wait()
                pltpu.async_copy(
                    rows[bj], acc_sh.at[dst_v.at[j]], sem_s[bj], add=True)
        return carry

    lax.fori_loop(0, (NCHP + NB) // NB, group, 0)
    plsc.subcore_barrier()
    pltpu.sync_copy(acc_sh.at[pl.ds(row0, RPS)],
                    out_hbm.at[c, pl.ds(row0, RPS)])



_PREC = lax.Precision.HIGHEST
_TC_PARAMS = pltpu.CompilerParams(vmem_limit_bytes=100 * 1024 * 1024)


def _split(o_ref, v):
    o_ref[0] = v[:, :FH]
    o_ref[1] = v[:, FH:]


def _unsplit(ref):
    return jnp.concatenate([ref[0, :N, :], ref[1, :N, :]], axis=1)


def _mm_body(x_ref, w_ref, o_ref):
    o_ref[...] = jnp.dot(x_ref[...], w_ref[...],
                         preferred_element_type=jnp.float32, precision=_PREC)


def _tc_mm(x, w):
    return pl.pallas_call(
        _mm_body,
        out_shape=jax.ShapeDtypeStruct((x.shape[0], w.shape[1]), jnp.float32),
        compiler_params=_TC_PARAMS,
    )(x, w)


def _finish_deg_body(degp_ref, xw_ref, dinv_ref, y1_ref):
    deg = degp_ref[0, :] + degp_ref[1, :] + 1.0
    dinv = lax.rsqrt(deg)[:N][:, None]
    dinv_ref[...] = dinv
    _split(y1_ref, dinv * xw_ref[...])


def _tc_finish_deg(deg_parts, xw1):
    return pl.pallas_call(
        _finish_deg_body,
        out_shape=(
            jax.ShapeDtypeStruct((N, 1), jnp.float32),
            jax.ShapeDtypeStruct((NC, N, FH), jnp.float32),
        ),
        compiler_params=_TC_PARAMS,
    )(deg_parts, xw1)


def _layer_body(p_ref, y_ref, dinv_ref, b_ref, w_ref, o_ref):
    dinv = dinv_ref[...]
    h = jax.nn.relu(dinv * (_unsplit(p_ref) + _unsplit(y_ref)) + b_ref[...])
    _split(o_ref, dinv * jnp.dot(h, w_ref[...],
                                 preferred_element_type=jnp.float32,
                                 precision=_PREC))


def _tc_layer(p_parts, y, dinv, b, w):
    return pl.pallas_call(
        _layer_body,
        out_shape=jax.ShapeDtypeStruct((NC, N, FH), jnp.float32),
        compiler_params=_TC_PARAMS,
    )(p_parts, y, dinv, b[None, :], w)


def _lstm_body(p_ref, y_ref, dinv_ref, b2_ref, wih_ref, bb_ref, o_ref):
    dinv = dinv_ref[...]
    h2 = jax.nn.relu(dinv * (_unsplit(p_ref) + _unsplit(y_ref)) + b2_ref[...])
    ge = jnp.mean(h2, axis=0, keepdims=True)
    gates = lax.dot_general(ge, wih_ref[...], (((1,), (1,)), ((), ())),
                            preferred_element_type=jnp.float32,
                            precision=_PREC) + bb_ref[...]
    i = gates[:, 0:HID]
    g = gates[:, 2 * HID:3 * HID]
    o = gates[:, 3 * HID:4 * HID]
    cell = jax.nn.sigmoid(i) * jnp.tanh(g)
    hn = jax.nn.sigmoid(o) * jnp.tanh(cell)
    _split(o_ref, dinv * (h2 + hn))


def _tc_lstm(p_parts, y2, dinv, b2, Wih, bih, bhh):
    return pl.pallas_call(
        _lstm_body,
        out_shape=jax.ShapeDtypeStruct((NC, N, FH), jnp.float32),
        compiler_params=_TC_PARAMS,
    )(p_parts, y2, dinv, b2[None, :], Wih, (bih + bhh)[None, :])


def _head_body(p_ref, y_ref, dinv_ref, wmu_ref, bmu_ref, wls_ref, bls_ref,
               mu_ref, ls_ref):
    q = dinv_ref[...] * (_unsplit(p_ref) + _unsplit(y_ref))
    mu_ref[...] = jnp.dot(q, wmu_ref[...],
                          preferred_element_type=jnp.float32,
                          precision=_PREC) + bmu_ref[...]
    ls_ref[...] = jnp.minimum(
        jnp.dot(q, wls_ref[...], preferred_element_type=jnp.float32,
                precision=_PREC) + bls_ref[...], 10.0)


def _tc_heads(p_parts, y3, dinv, Wmu, bmu, Wls, bls):
    return pl.pallas_call(
        _head_body,
        out_shape=(
            jax.ShapeDtypeStruct((N, OUT_C), jnp.float32),
            jax.ShapeDtypeStruct((N, OUT_C), jnp.float32),
        ),
        compiler_params=_TC_PARAMS,
    )(p_parts, y3, dinv, Wmu, bmu[None, :], Wls, bls[None, :])



def kernel(x, edge_index, W1, b1, W2, b2, Wih, Whh, bih, bhh,
           Wmu, bmu, Wls, bls):
    pad = E_PAD - E
    src_flat = jnp.concatenate([edge_index[0], jnp.zeros((pad,), jnp.int32)])
    dst_flat = jnp.concatenate([edge_index[1], jnp.full((pad,), N, jnp.int32)])
    src = src_flat.reshape(NS, NCHP, CH)
    dst = dst_flat.reshape(NS, NCHP, CH)

    deg_parts = _sc_deg(dst_flat.reshape(NC, NS, NCH, CH))
    xw1 = _tc_mm(x, W1)
    dinv, y1 = _tc_finish_deg(deg_parts, xw1)

    p1 = _sc_prop(y1, src, dst)
    y2 = _tc_layer(p1, y1, dinv, b1, W2)
    p2 = _sc_prop(y2, src, dst)
    y3 = _tc_lstm(p2, y2, dinv, b2, Wih, bih, bhh)
    p3 = _sc_prop(y3, src, dst)
    return _tc_heads(p3, y3, dinv, Wmu, bmu, Wls, bls)

# --- scband reference (transcript-rebuilt; emitter-appended) ---
"""Pipeline reference for scband-temporal-gnnencoder-28355374088213 (READ-ONLY COPY).

The authoritative reference and input builder live on the scoring server;
editing this copy changes nothing except your own understanding.
"""

import jax, jax.numpy as jnp
import numpy as np

N = 10000
E = 320000
IN_C = 128
HID = 128
OUT_C = 64


def _gcn(x, W, b, src, dst, n):
    # PyG GCNConv: linear transform, symmetric normalization with self-loops, scatter-add
    xw = x @ W
    deg = jax.ops.segment_sum(jnp.ones_like(dst, dtype=xw.dtype), dst, num_segments=n)
    dinv = jnp.where(deg > 0, 1.0 / jnp.sqrt(deg), 0.0)
    norm = dinv[src] * dinv[dst]
    msg = xw[src] * norm[:, None]
    out = jax.ops.segment_sum(msg, dst, num_segments=n)
    return out + b


def setup_inputs(seed: int = 0):
    key = jax.random.key(seed)
    ks = jax.random.split(key, 16)

    def glorot(k, shape):
        lim = float(np.sqrt(6.0 / (shape[0] + shape[1])))
        return jax.random.uniform(k, shape, minval=-lim, maxval=lim, dtype=jnp.float32)

    x = jax.random.normal(ks[0], (N, IN_C), dtype=jnp.float32)
    edge_index = jax.random.randint(ks[1], (2, E), 0, N, dtype=jnp.int32)

    lim = float(1.0 / np.sqrt(HID))
    inp = {
        "x": x,
        "edge_index": edge_index,
        "W1": glorot(ks[2], (IN_C, HID)),
        "b1": jnp.zeros((HID,), jnp.float32),
        "W2": glorot(ks[3], (HID, HID)),
        "b2": jnp.zeros((HID,), jnp.float32),
        "Wih": jax.random.uniform(ks[4], (4 * HID, HID), minval=-lim, maxval=lim, dtype=jnp.float32),
        "Whh": jax.random.uniform(ks[5], (4 * HID, HID), minval=-lim, maxval=lim, dtype=jnp.float32),
        "bih": jax.random.uniform(ks[6], (4 * HID,), minval=-lim, maxval=lim, dtype=jnp.float32),
        "bhh": jax.random.uniform(ks[7], (4 * HID,), minval=-lim, maxval=lim, dtype=jnp.float32),
        "Wmu": glorot(ks[8], (HID, OUT_C)),
        "bmu": jnp.zeros((OUT_C,), jnp.float32),
        "Wls": glorot(ks[9], (HID, OUT_C)),
        "bls": jnp.zeros((OUT_C,), jnp.float32),
    }
    return inp


def reference(x, edge_index, W1, b1, W2, b2, Wih, Whh, bih, bhh, Wmu, bmu, Wls, bls):
    loop = jnp.arange(N, dtype=edge_index.dtype)
    src = jnp.concatenate([edge_index[0], loop])
    dst = jnp.concatenate([edge_index[1], loop])

    h = jax.nn.relu(_gcn(x, W1, b1, src, dst, N))
    h = jax.nn.relu(_gcn(h, W2, b2, src, dst, N))

    # batch is None path: graph-mean embedding -> single LSTM step (h0 = c0 = 0)
    ge = jnp.mean(h, axis=0, keepdims=True)  # [1, HID]
    h0 = jnp.zeros((1, HID), jnp.float32)
    c0 = jnp.zeros((1, HID), jnp.float32)
    gates = ge @ Wih.T + h0 @ Whh.T + bih + bhh
    i, f, g, o = jnp.split(gates, 4, axis=-1)
    i = jax.nn.sigmoid(i)
    f = jax.nn.sigmoid(f)
    g = jnp.tanh(g)
    o = jax.nn.sigmoid(o)
    c = f * c0 + i * g
    hn = o * jnp.tanh(c)  # [1, HID] == lstm_out.squeeze(0)

    h = h + hn  # expand over N nodes

    mu = _gcn(h, Wmu, bmu, src, dst, N)
    logstd = jnp.minimum(_gcn(h, Wls, bls, src, dst, N), 10.0)
    return (mu, logstd)

if __name__ == "__main__":
    import jax
    _d = setup_inputs()
    print(jax.jit(kernel)(*tuple(_d.values())))

</pallas_src>

<mosaic_0001>
#map = affine_map<(d0, d1) -> (0, 0, 0)>
module attributes {stable_mosaic.version = 14 : i64} {
  func.func @_sc_prop(%arg0: i32, %arg1: i32, %arg2: memref<2x10000x64xf32, #tpu.memory_space<hbm>>, %arg3: memref<16x160x128xi32, #tpu.memory_space<hbm>>, %arg4: memref<16x160x128xi32, #tpu.memory_space<hbm>>, %arg5: memref<2x10240x64xf32, #tpu.memory_space<hbm>>, %arg6: memref<160x128xi32, #tpu.memory_space<vmem>>, %arg7: memref<160x128xi32, #tpu.memory_space<vmem>>, %arg8: memref<128x64xf32, #tpu.memory_space<vmem>>, %arg9: memref<128x64xf32, #tpu.memory_space<vmem>>, %arg10: memref<128x64xf32, #tpu.memory_space<vmem>>, %arg11: memref<128x64xf32, #tpu.memory_space<vmem>>, %arg12: memref<128x64xf32, #tpu.memory_space<vmem>>, %arg13: memref<32x64xf32, #tpu.memory_space<vmem>>, %arg14: memref<10240x64xf32, #tpu.memory_space<vmem_shared>>, %arg15: memref<!tpu.dma_semaphore, #tpu.memory_space<semaphore_mem>>, %arg16: memref<!tpu.dma_semaphore, #tpu.memory_space<semaphore_mem>>, %arg17: memref<!tpu.dma_semaphore, #tpu.memory_space<semaphore_mem>>, %arg18: memref<!tpu.dma_semaphore, #tpu.memory_space<semaphore_mem>>, %arg19: memref<!tpu.dma_semaphore, #tpu.memory_space<semaphore_mem>>, %arg20: memref<!tpu.dma_semaphore, #tpu.memory_space<semaphore_mem>>, %arg21: memref<!tpu.dma_semaphore, #tpu.memory_space<semaphore_mem>>, %arg22: memref<!tpu.dma_semaphore, #tpu.memory_space<semaphore_mem>>, %arg23: memref<!tpu.dma_semaphore, #tpu.memory_space<semaphore_mem>>, %arg24: memref<!tpu.dma_semaphore, #tpu.memory_space<semaphore_mem>>) attributes {dimension_semantics = [#tpu.dimension_semantics<core_parallel>, #tpu.dimension_semantics<subcore_parallel>], iteration_bounds = array<i64: 2, 16>, scalar_prefetch = 0 : i64, scratch_operands = 19 : i64, tpu.core_type = #tpu.core_type<sc_vector_subcore>, window_params = [{transform_indices = #map}, {transform_indices = #map}, {transform_indices = #map}, {transform_indices = #map}]} {
    "tpu.region"() ({
      %run_scoped3A = tpu.sem_alloc : memref<!tpu.dma_semaphore, #tpu.memory_space<semaphore_mem>>
      %dma_start3A = arith.constant 0 : i32
      %dma_start3A_20 = arith.constant 0 : i32
      %dma_start3A_21 = tpu.memref_slice %arg3[%arg1, %dma_start3A, %dma_start3A_20] : memref<16x160x128xi32, #tpu.memory_space<hbm>> -> memref<1x160x128xi32, #tpu.memory_space<hbm>>
      %dma_start3A_22 = tpu.memref_squeeze %dma_start3A_21 : memref<1x160x128xi32, #tpu.memory_space<hbm>> -> memref<160x128xi32, #tpu.memory_space<hbm>>
      %dma_start3A_23 = arith.constant 0 : i32
      %dma_start3A_24 = arith.constant 0 : i32
      %dma_start3A_25 = tpu.memref_slice %arg3[%arg1, %dma_start3A_23, %dma_start3A_24] : memref<16x160x128xi32, #tpu.memory_space<hbm>> -> memref<1x160x128xi32, #tpu.memory_space<hbm>>
      %dma_start3A_26 = tpu.memref_squeeze %dma_start3A_25 : memref<1x160x128xi32, #tpu.memory_space<hbm>> -> memref<160x128xi32, #tpu.memory_space<hbm>>
      tpu.enqueue_dma source(%dma_start3A_26 : memref<160x128xi32, #tpu.memory_space<hbm>>) target(%arg6 : memref<160x128xi32, #tpu.memory_space<vmem>>) target_semaphore(%run_scoped3A : memref<!tpu.dma_semaphore, #tpu.memory_space<semaphore_mem>>)
      %dma_wait3A = arith.constant 0 : i32
      %dma_wait3A_27 = arith.constant 0 : i32
      %dma_wait3A_28 = tpu.memref_slice %arg3[%arg1, %dma_wait3A, %dma_wait3A_27] : memref<16x160x128xi32, #tpu.memory_space<hbm>> -> memref<1x160x128xi32, #tpu.memory_space<hbm>>
      %dma_wait3A_29 = tpu.memref_squeeze %dma_wait3A_28 : memref<1x160x128xi32, #tpu.memory_space<hbm>> -> memref<160x128xi32, #tpu.memory_space<hbm>>
      %dma_wait3A_30 = arith.constant 0 : i32
      %dma_wait3A_31 = arith.constant 0 : i32
      %dma_wait3A_32 = tpu.memref_slice %arg3[%arg1, %dma_wait3A_30, %dma_wait3A_31] : memref<16x160x128xi32, #tpu.memory_space<hbm>> -> memref<1x160x128xi32, #tpu.memory_space<hbm>>
      %dma_wait3A_33 = tpu.memref_squeeze %dma_wait3A_32 : memref<1x160x128xi32, #tpu.memory_space<hbm>> -> memref<160x128xi32, #tpu.memory_space<hbm>>
      tpu.wait_dma2 semaphore(%run_scoped3A : memref<!tpu.dma_semaphore, #tpu.memory_space<semaphore_mem>>) src(%dma_wait3A_33 : memref<160x128xi32, #tpu.memory_space<hbm>>) dst(%arg6 : memref<160x128xi32, #tpu.memory_space<vmem>>)
      tpu.yield
    }) : () -> ()
    "tpu.region"() ({
      %run_scoped3A = tpu.sem_alloc : memref<!tpu.dma_semaphore, #tpu.memory_space<semaphore_mem>>
      %dma_start3A = arith.constant 0 : i32
      %dma_start3A_20 = arith.constant 0 : i32
      %dma_start3A_21 = tpu.memref_slice %arg4[%arg1, %dma_start3A, %dma_start3A_20] : memref<16x160x128xi32, #tpu.memory_space<hbm>> -> memref<1x160x128xi32, #tpu.memory_space<hbm>>
      %dma_start3A_22 = tpu.memref_squeeze %dma_start3A_21 : memref<1x160x128xi32, #tpu.memory_space<hbm>> -> memref<160x128xi32, #tpu.memory_space<hbm>>
      %dma_start3A_23 = arith.constant 0 : i32
      %dma_start3A_24 = arith.constant 0 : i32
      %dma_start3A_25 = tpu.memref_slice %arg4[%arg1, %dma_start3A_23, %dma_start3A_24] : memref<16x160x128xi32, #tpu.memory_space<hbm>> -> memref<1x160x128xi32, #tpu.memory_space<hbm>>
      %dma_start3A_26 = tpu.memref_squeeze %dma_start3A_25 : memref<1x160x128xi32, #tpu.memory_space<hbm>> -> memref<160x128xi32, #tpu.memory_space<hbm>>
      tpu.enqueue_dma source(%dma_start3A_26 : memref<160x128xi32, #tpu.memory_space<hbm>>) target(%arg7 : memref<160x128xi32, #tpu.memory_space<vmem>>) target_semaphore(%run_scoped3A : memref<!tpu.dma_semaphore, #tpu.memory_space<semaphore_mem>>)
      %dma_wait3A = arith.constant 0 : i32
      %dma_wait3A_27 = arith.constant 0 : i32
      %dma_wait3A_28 = tpu.memref_slice %arg4[%arg1, %dma_wait3A, %dma_wait3A_27] : memref<16x160x128xi32, #tpu.memory_space<hbm>> -> memref<1x160x128xi32, #tpu.memory_space<hbm>>
      %dma_wait3A_29 = tpu.memref_squeeze %dma_wait3A_28 : memref<1x160x128xi32, #tpu.memory_space<hbm>> -> memref<160x128xi32, #tpu.memory_space<hbm>>
      %dma_wait3A_30 = arith.constant 0 : i32
      %dma_wait3A_31 = arith.constant 0 : i32
      %dma_wait3A_32 = tpu.memref_slice %arg4[%arg1, %dma_wait3A_30, %dma_wait3A_31] : memref<16x160x128xi32, #tpu.memory_space<hbm>> -> memref<1x160x128xi32, #tpu.memory_space<hbm>>
      %dma_wait3A_33 = tpu.memref_squeeze %dma_wait3A_32 : memref<1x160x128xi32, #tpu.memory_space<hbm>> -> memref<160x128xi32, #tpu.memory_space<hbm>>
      tpu.wait_dma2 semaphore(%run_scoped3A : memref<!tpu.dma_semaphore, #tpu.memory_space<semaphore_mem>>) src(%dma_wait3A_33 : memref<160x128xi32, #tpu.memory_space<hbm>>) dst(%arg7 : memref<160x128xi32, #tpu.memory_space<vmem>>)
      tpu.yield
    }) : () -> ()
    %broadcast_in_dim3A = arith.constant 0.000000e+00 : f32
    %broadcast_in_dim3A_0 = vector.broadcast %broadcast_in_dim3A : f32 to vector<16xf32>
    %scan3A = arith.constant 0 : i32
    %scan3A_1 = arith.constant 0 : i32
    %scan3A_2 = arith.constant 32 : i32
    %scan3A_3 = arith.addi %scan3A_1, %scan3A_2 : i32
    %scan3A_4 = arith.constant 1 : i32
    scf.for %scan3A_20 = %scan3A_1 to %scan3A_3 step %scan3A_4  : i32 {
      %swap3A = arith.index_cast %scan3A_20 : i32 to index
      %swap3A_21 = arith.constant 0 : index
      %swap3A_22 = tpu.vector_load %arg13[%swap3A, %swap3A_21] {strides = array<i32>} : memref<32x64xf32, #tpu.memory_space<vmem>>, vector<1x16xf32>,
      %swap3A_23 = vector.shape_cast %swap3A_22 : vector<1x16xf32> to vector<16xf32>
      %swap3A_24 = vector.shape_cast %broadcast_in_dim3A_0 : vector<16xf32> to vector<1x16xf32>
      tpu.vector_store %arg13[%swap3A, %swap3A_21], %swap3A_24 {strides = array<i32>} : memref<32x64xf32, #tpu.memory_space<vmem>>, vector<1x16xf32>,
      %swap3A_25 = arith.index_cast %scan3A_20 : i32 to index
      %swap3A_26 = arith.constant 16 : index
      %swap3A_27 = tpu.vector_load %arg13[%swap3A_25, %swap3A_26] {strides = array<i32>} : memref<32x64xf32, #tpu.memory_space<vmem>>, vector<1x16xf32>,
      %swap3A_28 = vector.shape_cast %swap3A_27 : vector<1x16xf32> to vector<16xf32>
      %swap3A_29 = vector.shape_cast %broadcast_in_dim3A_0 : vector<16xf32> to vector<1x16xf32>
      tpu.vector_store %arg13[%swap3A_25, %swap3A_26], %swap3A_29 {strides = array<i32>} : memref<32x64xf32, #tpu.memory_space<vmem>>, vector<1x16xf32>,
      %swap3A_30 = arith.index_cast %scan3A_20 : i32 to index
      %swap3A_31 = arith.constant 32 : index
      %swap3A_32 = tpu.vector_load %arg13[%swap3A_30, %swap3A_31] {strides = array<i32>} : memref<32x64xf32, #tpu.memory_space<vmem>>, vector<1x16xf32>,
      %swap3A_33 = vector.shape_cast %swap3A_32 : vector<1x16xf32> to vector<16xf32>
      %swap3A_34 = vector.shape_cast %broadcast_in_dim3A_0 : vector<16xf32> to vector<1x16xf32>
      tpu.vector_store %arg13[%swap3A_30, %swap3A_31], %swap3A_34 {strides = array<i32>} : memref<32x64xf32, #tpu.memory_space<vmem>>, vector<1x16xf32>,
      %swap3A_35 = arith.index_cast %scan3A_20 : i32 to index
      %swap3A_36 = arith.constant 48 : index
      %swap3A_37 = tpu.vector_load %arg13[%swap3A_35, %swap3A_36] {strides = array<i32>} : memref<32x64xf32, #tpu.memory_space<vmem>>, vector<1x16xf32>,
      %swap3A_38 = vector.shape_cast %swap3A_37 : vector<1x16xf32> to vector<16xf32>
      %swap3A_39 = vector.shape_cast %broadcast_in_dim3A_0 : vector<16xf32> to vector<1x16xf32>
      tpu.vector_store %arg13[%swap3A_35, %swap3A_36], %swap3A_39 {strides = array<i32>} : memref<32x64xf32, #tpu.memory_space<vmem>>, vector<1x16xf32>,
    }
    %scan3A_5 = arith.constant 32 : i32
    %mul3A = arith.constant 640 : i32
    %mul3A_6 = arith.muli %arg1, %mul3A : i32
    %scan3A_7 = arith.constant 0 : i32
    %scan3A_8 = arith.constant 0 : i32
    %scan3A_9 = arith.constant 20 : i32
    %scan3A_10 = arith.addi %scan3A_8, %scan3A_9 : i32
    %scan3A_11 = arith.constant 1 : i32
    scf.for %scan3A_20 = %scan3A_8 to %scan3A_10 step %scan3A_11  : i32 {
      %mul3A_21 = arith.constant 32 : i32
      %mul3A_22 = arith.muli %scan3A_20, %mul3A_21 : i32
      %add3A = arith.addi %mul3A_6, %mul3A_22 : i32
      "tpu.region"() ({
        %run_scoped3A = tpu.sem_alloc : memref<!tpu.dma_semaphore, #tpu.memory_space<semaphore_mem>>
        %dma_start3A = arith.constant 0 : i32
        %dma_start3A_23 = tpu.memref_slice %arg14[%add3A, %dma_start3A] : memref<10240x64xf32, #tpu.memory_space<vmem_shared>> -> memref<32x64xf32, #tpu.memory_space<vmem_shared>>
        %dma_start3A_24 = arith.constant 0 : i32
        %dma_start3A_25 = tpu.memref_slice %arg14[%add3A, %dma_start3A_24] : memref<10240x64xf32, #tpu.memory_space<vmem_shared>> -> memref<32x64xf32, #tpu.memory_space<vmem_shared>>
        tpu.enqueue_dma source(%arg13 : memref<32x64xf32, #tpu.memory_space<vmem>>) target(%dma_start3A_25 : memref<32x64xf32, #tpu.memory_space<vmem_shared>>) target_semaphore(%run_scoped3A : memref<!tpu.dma_semaphore, #tpu.memory_space<semaphore_mem>>)
        %dma_wait3A = arith.constant 0 : i32
        %dma_wait3A_26 = tpu.memref_slice %arg14[%add3A, %dma_wait3A] : memref<10240x64xf32, #tpu.memory_space<vmem_shared>> -> memref<32x64xf32, #tpu.memory_space<vmem_shared>>
        %dma_wait3A_27 = arith.constant 0 : i32
        %dma_wait3A_28 = tpu.memref_slice %arg14[%add3A, %dma_wait3A_27] : memref<10240x64xf32, #tpu.memory_space<vmem_shared>> -> memref<32x64xf32, #tpu.memory_space<vmem_shared>>
        tpu.wait_dma2 semaphore(%run_scoped3A : memref<!tpu.dma_semaphore, #tpu.memory_space<semaphore_mem>>) src(%arg13 : memref<32x64xf32, #tpu.memory_space<vmem>>) dst(%dma_wait3A_28 : memref<32x64xf32, #tpu.memory_space<vmem_shared>>)
        tpu.yield
      }) : () -> ()
    }
    %scan3A_12 = arith.constant 20 : i32
    %barrier3A = arith.constant 0 : index
    tpu.barrier barrier_id(%barrier3A)
    %scan3A_13 = arith.constant 0 : i32
    %scan3A_14 = arith.constant 0 : i32
    %scan3A_15 = arith.constant 33 : i32
    %scan3A_16 = arith.addi %scan3A_14, %scan3A_15 : i32
    %scan3A_17 = arith.constant 1 : i32
    scf.for %scan3A_20 = %scan3A_14 to %scan3A_16 step %scan3A_17  : i32 {
      %mul3A_21 = arith.constant 5 : i32
      %mul3A_22 = arith.muli %scan3A_20, %mul3A_21 : i32
      %add3A = arith.constant 0 : i32
      %add3A_23 = arith.addi %mul3A_22, %add3A : i32
      %ge3A = arith.constant 5 : i32
      %ge3A_24 = arith.cmpi sge, %add3A_23, %ge3A : i32
      %sub3A = arith.constant 5 : i32
      %sub3A_25 = arith.subi %add3A_23, %sub3A : i32
      %lt3A = arith.constant 160 : i32
      %lt3A_26 = arith.cmpi slt, %sub3A_25, %lt3A : i32
      %and3A = arith.andi %ge3A_24, %lt3A_26 : i1
      %convert_element_type3A = arith.extui %and3A : i1 to i32
      %cond3A = arith.constant 0 : i32
      %cond3A_27 = arith.cmpi ne, %convert_element_type3A, %cond3A : i32
      scf.if %cond3A_27 {
        %dma_wait3A = arith.constant 0 : i32
        %dma_wait3A_159 = arith.constant 0 : i32
        %dma_wait3A_160 = tpu.memref_slice %arg7[%dma_wait3A, %dma_wait3A_159] : memref<160x128xi32, #tpu.memory_space<vmem>> -> memref<1x128xi32, #tpu.memory_space<vmem>>
        %dma_wait3A_161 = tpu.memref_squeeze %dma_wait3A_160 : memref<1x128xi32, #tpu.memory_space<vmem>> -> memref<128xi32, #tpu.memory_space<vmem>>
        %dma_wait3A_162 = arith.constant 0 : i32
        %dma_wait3A_163 = arith.constant 0 : i32
        %dma_wait3A_164 = tpu.memref_slice %arg14[%dma_wait3A_162, %dma_wait3A_163] : memref<10240x64xf32, #tpu.memory_space<vmem_shared>> -> memref<10240x64xf32, #tpu.memory_space<vmem_shared>>
        tpu.wait_indirect_dma semaphore(%arg20 : memref<!tpu.dma_semaphore, #tpu.memory_space<semaphore_mem>>) src(%arg8 : memref<128x64xf32, #tpu.memory_space<vmem>>) dst(%dma_wait3A_164 : memref<10240x64xf32, #tpu.memory_space<vmem_shared>>)
      } else {
      }
      %lt3A_28 = arith.constant 160 : i32
      %lt3A_29 = arith.cmpi slt, %add3A_23, %lt3A_28 : i32
      %convert_element_type3A_30 = arith.extui %lt3A_29 : i1 to i32
      %cond3A_31 = arith.constant 0 : i32
      %cond3A_32 = arith.cmpi ne, %convert_element_type3A_30, %cond3A_31 : i32
      scf.if %cond3A_32 {
        %dma_start3A = arith.constant 0 : i32
        %dma_start3A_159 = tpu.memref_slice %arg6[%add3A_23, %dma_start3A] : memref<160x128xi32, #tpu.memory_space<vmem>> -> memref<1x128xi32, #tpu.memory_space<vmem>>
        %dma_start3A_160 = tpu.memref_squeeze %dma_start3A_159 : memref<1x128xi32, #tpu.memory_space<vmem>> -> memref<128xi32, #tpu.memory_space<vmem>>
        %dma_start3A_161 = arith.constant 0 : i32
        %dma_start3A_162 = arith.constant 0 : i32
        %dma_start3A_163 = tpu.memref_slice %arg2[%arg0, %dma_start3A_161, %dma_start3A_162] : memref<2x10000x64xf32, #tpu.memory_space<hbm>> -> memref<1x10000x64xf32, #tpu.memory_space<hbm>>
        %dma_start3A_164 = tpu.memref_squeeze %dma_start3A_163 : memref<1x10000x64xf32, #tpu.memory_space<hbm>> -> memref<10000x64xf32, #tpu.memory_space<hbm>>
        %dma_start3A_165 = arith.constant 0 : i32
        %dma_start3A_166 = arith.constant 0 : i32
        %dma_start3A_167 = tpu.memref_slice %dma_start3A_164[%dma_start3A_165, %dma_start3A_166] : memref<10000x64xf32, #tpu.memory_space<hbm>> -> memref<10000x64xf32, #tpu.memory_space<hbm>>
        tpu.enqueue_indirect_dma source(%dma_start3A_167 : memref<10000x64xf32, #tpu.memory_space<hbm>>) target(%arg8 : memref<128x64xf32, #tpu.memory_space<vmem>>) offsets(%dma_start3A_160 : memref<128xi32, #tpu.memory_space<vmem>>) semaphore(%arg15 : memref<!tpu.dma_semaphore, #tpu.memory_space<semaphore_mem>>)
      } else {
      }
      %sub3A_33 = arith.constant 3 : i32
      %sub3A_34 = arith.subi %add3A_23, %sub3A_33 : i32
      %ge3A_35 = arith.constant 0 : i32
      %ge3A_36 = arith.cmpi sge, %sub3A_34, %ge3A_35 : i32
      %lt3A_37 = arith.constant 160 : i32
      %lt3A_38 = arith.cmpi slt, %sub3A_34, %lt3A_37 : i32
      %and3A_39 = arith.andi %ge3A_36, %lt3A_38 : i1
      %convert_element_type3A_40 = arith.extui %and3A_39 : i1 to i32
      %cond3A_41 = arith.constant 0 : i32
      %cond3A_42 = arith.cmpi ne, %convert_element_type3A_40, %cond3A_41 : i32
      scf.if %cond3A_42 {
        %dma_wait3A = arith.constant 0 : i32
        %dma_wait3A_159 = arith.constant 0 : i32
        %dma_wait3A_160 = tpu.memref_slice %arg6[%dma_wait3A, %dma_wait3A_159] : memref<160x128xi32, #tpu.memory_space<vmem>> -> memref<1x128xi32, #tpu.memory_space<vmem>>
        %dma_wait3A_161 = tpu.memref_squeeze %dma_wait3A_160 : memref<1x128xi32, #tpu.memory_space<vmem>> -> memref<128xi32, #tpu.memory_space<vmem>>
        %dma_wait3A_162 = arith.constant 0 : i32
        %dma_wait3A_163 = arith.constant 0 : i32
        %dma_wait3A_164 = tpu.memref_slice %arg2[%arg0, %dma_wait3A_162, %dma_wait3A_163] : memref<2x10000x64xf32, #tpu.memory_space<hbm>> -> memref<1x10000x64xf32, #tpu.memory_space<hbm>>
        %dma_wait3A_165 = tpu.memref_squeeze %dma_wait3A_164 : memref<1x10000x64xf32, #tpu.memory_space<hbm>> -> memref<10000x64xf32, #tpu.memory_space<hbm>>
        %dma_wait3A_166 = arith.constant 0 : i32
        %dma_wait3A_167 = arith.constant 0 : i32
        %dma_wait3A_168 = tpu.memref_slice %dma_wait3A_165[%dma_wait3A_166, %dma_wait3A_167] : memref<10000x64xf32, #tpu.memory_space<hbm>> -> memref<10000x64xf32, #tpu.memory_space<hbm>>
        tpu.wait_indirect_dma semaphore(%arg17 : memref<!tpu.dma_semaphore, #tpu.memory_space<semaphore_mem>>) src(%dma_wait3A_168 : memref<10000x64xf32, #tpu.memory_space<hbm>>) dst(%arg10 : memref<128x64xf32, #tpu.memory_space<vmem>>)
        %dma_start3A = arith.constant 0 : i32
        %dma_start3A_169 = tpu.memref_slice %arg7[%sub3A_34, %dma_start3A] : memref<160x128xi32, #tpu.memory_space<vmem>> -> memref<1x128xi32, #tpu.memory_space<vmem>>
        %dma_start3A_170 = tpu.memref_squeeze %dma_start3A_169 : memref<1x128xi32, #tpu.memory_space<vmem>> -> memref<128xi32, #tpu.memory_space<vmem>>
        %dma_start3A_171 = arith.constant 0 : i32
        %dma_start3A_172 = arith.constant 0 : i32
        %dma_start3A_173 = tpu.memref_slice %arg14[%dma_start3A_171, %dma_start3A_172] : memref<10240x64xf32, #tpu.memory_space<vmem_shared>> -> memref<10240x64xf32, #tpu.memory_space<vmem_shared>>
        tpu.enqueue_indirect_dma source(%arg10 : memref<128x64xf32, #tpu.memory_space<vmem>>) target(%dma_start3A_173 : memref<10240x64xf32, #tpu.memory_space<vmem_shared>>) offsets(%dma_start3A_170 : memref<128xi32, #tpu.memory_space<vmem>>) semaphore(%arg22 : memref<!tpu.dma_semaphore, #tpu.memory_space<semaphore_mem>>) {add = true}
      } else {
      }
      %mul3A_43 = arith.constant 5 : i32
      %mul3A_44 = arith.muli %scan3A_20, %mul3A_43 : i32
      %add3A_45 = arith.constant 1 : i32
      %add3A_46 = arith.addi %mul3A_44, %add3A_45 : i32
      %ge3A_47 = arith.constant 5 : i32
      %ge3A_48 = arith.cmpi sge, %add3A_46, %ge3A_47 : i32
      %sub3A_49 = arith.constant 5 : i32
      %sub3A_50 = arith.subi %add3A_46, %sub3A_49 : i32
      %lt3A_51 = arith.constant 160 : i32
      %lt3A_52 = arith.cmpi slt, %sub3A_50, %lt3A_51 : i32
      %and3A_53 = arith.andi %ge3A_48, %lt3A_52 : i1
      %convert_element_type3A_54 = arith.extui %and3A_53 : i1 to i32
      %cond3A_55 = arith.constant 0 : i32
      %cond3A_56 = arith.cmpi ne, %convert_element_type3A_54, %cond3A_55 : i32
      scf.if %cond3A_56 {
        %dma_wait3A = arith.constant 0 : i32
        %dma_wait3A_159 = arith.constant 0 : i32
        %dma_wait3A_160 = tpu.memref_slice %arg7[%dma_wait3A, %dma_wait3A_159] : memref<160x128xi32, #tpu.memory_space<vmem>> -> memref<1x128xi32, #tpu.memory_space<vmem>>
        %dma_wait3A_161 = tpu.memref_squeeze %dma_wait3A_160 : memref<1x128xi32, #tpu.memory_space<vmem>> -> memref<128xi32, #tpu.memory_space<vmem>>
        %dma_wait3A_162 = arith.constant 0 : i32
        %dma_wait3A_163 = arith.constant 0 : i32
        %dma_wait3A_164 = tpu.memref_slice %arg14[%dma_wait3A_162, %dma_wait3A_163] : memref<10240x64xf32, #tpu.memory_space<vmem_shared>> -> memref<10240x64xf32, #tpu.memory_space<vmem_shared>>
        tpu.wait_indirect_dma semaphore(%arg21 : memref<!tpu.dma_semaphore, #tpu.memory_space<semaphore_mem>>) src(%arg9 : memref<128x64xf32, #tpu.memory_space<vmem>>) dst(%dma_wait3A_164 : memref<10240x64xf32, #tpu.memory_space<vmem_shared>>)
      } else {
      }
      %lt3A_57 = arith.constant 160 : i32
      %lt3A_58 = arith.cmpi slt, %add3A_46, %lt3A_57 : i32
      %convert_element_type3A_59 = arith.extui %lt3A_58 : i1 to i32
      %cond3A_60 = arith.constant 0 : i32
      %cond3A_61 = arith.cmpi ne, %convert_element_type3A_59, %cond3A_60 : i32
      scf.if %cond3A_61 {
        %dma_start3A = arith.constant 0 : i32
        %dma_start3A_159 = tpu.memref_slice %arg6[%add3A_46, %dma_start3A] : memref<160x128xi32, #tpu.memory_space<vmem>> -> memref<1x128xi32, #tpu.memory_space<vmem>>
        %dma_start3A_160 = tpu.memref_squeeze %dma_start3A_159 : memref<1x128xi32, #tpu.memory_space<vmem>> -> memref<128xi32, #tpu.memory_space<vmem>>
        %dma_start3A_161 = arith.constant 0 : i32
        %dma_start3A_162 = arith.constant 0 : i32
        %dma_start3A_163 = tpu.memref_slice %arg2[%arg0, %dma_start3A_161, %dma_start3A_162] : memref<2x10000x64xf32, #tpu.memory_space<hbm>> -> memref<1x10000x64xf32, #tpu.memory_space<hbm>>
        %dma_start3A_164 = tpu.memref_squeeze %dma_start3A_163 : memref<1x10000x64xf32, #tpu.memory_space<hbm>> -> memref<10000x64xf32, #tpu.memory_space<hbm>>
        %dma_start3A_165 = arith.constant 0 : i32
        %dma_start3A_166 = arith.constant 0 : i32
        %dma_start3A_167 = tpu.memref_slice %dma_start3A_164[%dma_start3A_165, %dma_start3A_166] : memref<10000x64xf32, #tpu.memory_space<hbm>> -> memref<10000x64xf32, #tpu.memory_space<hbm>>
        tpu.enqueue_indirect_dma source(%dma_start3A_167 : memref<10000x64xf32, #tpu.memory_space<hbm>>) target(%arg9 : memref<128x64xf32, #tpu.memory_space<vmem>>) offsets(%dma_start3A_160 : memref<128xi32, #tpu.memory_space<vmem>>) semaphore(%arg16 : memref<!tpu.dma_semaphore, #tpu.memory_space<semaphore_mem>>)
      } else {
      }
      %sub3A_62 = arith.constant 3 : i32
      %sub3A_63 = arith.subi %add3A_46, %sub3A_62 : i32
      %ge3A_64 = arith.constant 0 : i32
      %ge3A_65 = arith.cmpi sge, %sub3A_63, %ge3A_64 : i32
      %lt3A_66 = arith.constant 160 : i32
      %lt3A_67 = arith.cmpi slt, %sub3A_63, %lt3A_66 : i32
      %and3A_68 = arith.andi %ge3A_65, %lt3A_67 : i1
      %convert_element_type3A_69 = arith.extui %and3A_68 : i1 to i32
      %cond3A_70 = arith.constant 0 : i32
      %cond3A_71 = arith.cmpi ne, %convert_element_type3A_69, %cond3A_70 : i32
      scf.if %cond3A_71 {
        %dma_wait3A = arith.constant 0 : i32
        %dma_wait3A_159 = arith.constant 0 : i32
        %dma_wait3A_160 = tpu.memref_slice %arg6[%dma_wait3A, %dma_wait3A_159] : memref<160x128xi32, #tpu.memory_space<vmem>> -> memref<1x128xi32, #tpu.memory_space<vmem>>
        %dma_wait3A_161 = tpu.memref_squeeze %dma_wait3A_160 : memref<1x128xi32, #tpu.memory_space<vmem>> -> memref<128xi32, #tpu.memory_space<vmem>>
        %dma_wait3A_162 = arith.constant 0 : i32
        %dma_wait3A_163 = arith.constant 0 : i32
        %dma_wait3A_164 = tpu.memref_slice %arg2[%arg0, %dma_wait3A_162, %dma_wait3A_163] : memref<2x10000x64xf32, #tpu.memory_space<hbm>> -> memref<1x10000x64xf32, #tpu.memory_space<hbm>>
        %dma_wait3A_165 = tpu.memref_squeeze %dma_wait3A_164 : memref<1x10000x64xf32, #tpu.memory_space<hbm>> -> memref<10000x64xf32, #tpu.memory_space<hbm>>
        %dma_wait3A_166 = arith.constant 0 : i32
        %dma_wait3A_167 = arith.constant 0 : i32
        %dma_wait3A_168 = tpu.memref_slice %dma_wait3A_165[%dma_wait3A_166, %dma_wait3A_167] : memref<10000x64xf32, #tpu.memory_space<hbm>> -> memref<10000x64xf32, #tpu.memory_space<hbm>>
        tpu.wait_indirect_dma semaphore(%arg18 : memref<!tpu.dma_semaphore, #tpu.memory_space<semaphore_mem>>) src(%dma_wait3A_168 : memref<10000x64xf32, #tpu.memory_space<hbm>>) dst(%arg11 : memref<128x64xf32, #tpu.memory_space<vmem>>)
        %dma_start3A = arith.constant 0 : i32
        %dma_start3A_169 = tpu.memref_slice %arg7[%sub3A_63, %dma_start3A] : memref<160x128xi32, #tpu.memory_space<vmem>> -> memref<1x128xi32, #tpu.memory_space<vmem>>
        %dma_start3A_170 = tpu.memref_squeeze %dma_start3A_169 : memref<1x128xi32, #tpu.memory_space<vmem>> -> memref<128xi32, #tpu.memory_space<vmem>>
        %dma_start3A_171 = arith.constant 0 : i32
        %dma_start3A_172 = arith.constant 0 : i32
        %dma_start3A_173 = tpu.memref_slice %arg14[%dma_start3A_171, %dma_start3A_172] : memref<10240x64xf32, #tpu.memory_space<vmem_shared>> -> memref<10240x64xf32, #tpu.memory_space<vmem_shared>>
        tpu.enqueue_indirect_dma source(%arg11 : memref<128x64xf32, #tpu.memory_space<vmem>>) target(%dma_start3A_173 : memref<10240x64xf32, #tpu.memory_space<vmem_shared>>) offsets(%dma_start3A_170 : memref<128xi32, #tpu.memory_space<vmem>>) semaphore(%arg23 : memref<!tpu.dma_semaphore, #tpu.memory_space<semaphore_mem>>) {add = true}
      } else {
      }
      %mul3A_72 = arith.constant 5 : i32
      %mul3A_73 = arith.muli %scan3A_20, %mul3A_72 : i32
      %add3A_74 = arith.constant 2 : i32
      %add3A_75 = arith.addi %mul3A_73, %add3A_74 : i32
      %ge3A_76 = arith.constant 5 : i32
      %ge3A_77 = arith.cmpi sge, %add3A_75, %ge3A_76 : i32
      %sub3A_78 = arith.constant 5 : i32
      %sub3A_79 = arith.subi %add3A_75, %sub3A_78 : i32
      %lt3A_80 = arith.constant 160 : i32
      %lt3A_81 = arith.cmpi slt, %sub3A_79, %lt3A_80 : i32
      %and3A_82 = arith.andi %ge3A_77, %lt3A_81 : i1
      %convert_element_type3A_83 = arith.extui %and3A_82 : i1 to i32
      %cond3A_84 = arith.constant 0 : i32
      %cond3A_85 = arith.cmpi ne, %convert_element_type3A_83, %cond3A_84 : i32
      scf.if %cond3A_85 {
        %dma_wait3A = arith.constant 0 : i32
        %dma_wait3A_159 = arith.constant 0 : i32
        %dma_wait3A_160 = tpu.memref_slice %arg7[%dma_wait3A, %dma_wait3A_159] : memref<160x128xi32, #tpu.memory_space<vmem>> -> memref<1x128xi32, #tpu.memory_space<vmem>>
        %dma_wait3A_161 = tpu.memref_squeeze %dma_wait3A_160 : memref<1x128xi32, #tpu.memory_space<vmem>> -> memref<128xi32, #tpu.memory_space<vmem>>
        %dma_wait3A_162 = arith.constant 0 : i32
        %dma_wait3A_163 = arith.constant 0 : i32
        %dma_wait3A_164 = tpu.memref_slice %arg14[%dma_wait3A_162, %dma_wait3A_163] : memref<10240x64xf32, #tpu.memory_space<vmem_shared>> -> memref<10240x64xf32, #tpu.memory_space<vmem_shared>>
        tpu.wait_indirect_dma semaphore(%arg22 : memref<!tpu.dma_semaphore, #tpu.memory_space<semaphore_mem>>) src(%arg10 : memref<128x64xf32, #tpu.memory_space<vmem>>) dst(%dma_wait3A_164 : memref<10240x64xf32, #tpu.memory_space<vmem_shared>>)
      } else {
      }
      %lt3A_86 = arith.constant 160 : i32
      %lt3A_87 = arith.cmpi slt, %add3A_75, %lt3A_86 : i32
      %convert_element_type3A_88 = arith.extui %lt3A_87 : i1 to i32
      %cond3A_89 = arith.constant 0 : i32
      %cond3A_90 = arith.cmpi ne, %convert_element_type3A_88, %cond3A_89 : i32
      scf.if %cond3A_90 {
        %dma_start3A = arith.constant 0 : i32
        %dma_start3A_159 = tpu.memref_slice %arg6[%add3A_75, %dma_start3A] : memref<160x128xi32, #tpu.memory_space<vmem>> -> memref<1x128xi32, #tpu.memory_space<vmem>>
        %dma_start3A_160 = tpu.memref_squeeze %dma_start3A_159 : memref<1x128xi32, #tpu.memory_space<vmem>> -> memref<128xi32, #tpu.memory_space<vmem>>
        %dma_start3A_161 = arith.constant 0 : i32
        %dma_start3A_162 = arith.constant 0 : i32
        %dma_start3A_163 = tpu.memref_slice %arg2[%arg0, %dma_start3A_161, %dma_start3A_162] : memref<2x10000x64xf32, #tpu.memory_space<hbm>> -> memref<1x10000x64xf32, #tpu.memory_space<hbm>>
        %dma_start3A_164 = tpu.memref_squeeze %dma_start3A_163 : memref<1x10000x64xf32, #tpu.memory_space<hbm>> -> memref<10000x64xf32, #tpu.memory_space<hbm>>
        %dma_start3A_165 = arith.constant 0 : i32
        %dma_start3A_166 = arith.constant 0 : i32
        %dma_start3A_167 = tpu.memref_slice %dma_start3A_164[%dma_start3A_165, %dma_start3A_166] : memref<10000x64xf32, #tpu.memory_space<hbm>> -> memref<10000x64xf32, #tpu.memory_space<hbm>>
        tpu.enqueue_indirect_dma source(%dma_start3A_167 : memref<10000x64xf32, #tpu.memory_space<hbm>>) target(%arg10 : memref<128x64xf32, #tpu.memory_space<vmem>>) offsets(%dma_start3A_160 : memref<128xi32, #tpu.memory_space<vmem>>) semaphore(%arg17 : memref<!tpu.dma_semaphore, #tpu.memory_space<semaphore_mem>>)
      } else {
      }
      %sub3A_91 = arith.constant 3 : i32
      %sub3A_92 = arith.subi %add3A_75, %sub3A_91 : i32
      %ge3A_93 = arith.constant 0 : i32
      %ge3A_94 = arith.cmpi sge, %sub3A_92, %ge3A_93 : i32
      %lt3A_95 = arith.constant 160 : i32
      %lt3A_96 = arith.cmpi slt, %sub3A_92, %lt3A_95 : i32
      %and3A_97 = arith.andi %ge3A_94, %lt3A_96 : i1
      %convert_element_type3A_98 = arith.extui %and3A_97 : i1 to i32
      %cond3A_99 = arith.constant 0 : i32
      %cond3A_100 = arith.cmpi ne, %convert_element_type3A_98, %cond3A_99 : i32
      scf.if %cond3A_100 {
        %dma_wait3A = arith.constant 0 : i32
        %dma_wait3A_159 = arith.constant 0 : i32
        %dma_wait3A_160 = tpu.memref_slice %arg6[%dma_wait3A, %dma_wait3A_159] : memref<160x128xi32, #tpu.memory_space<vmem>> -> memref<1x128xi32, #tpu.memory_space<vmem>>
        %dma_wait3A_161 = tpu.memref_squeeze %dma_wait3A_160 : memref<1x128xi32, #tpu.memory_space<vmem>> -> memref<128xi32, #tpu.memory_space<vmem>>
        %dma_wait3A_162 = arith.constant 0 : i32
        %dma_wait3A_163 = arith.constant 0 : i32
        %dma_wait3A_164 = tpu.memref_slice %arg2[%arg0, %dma_wait3A_162, %dma_wait3A_163] : memref<2x10000x64xf32, #tpu.memory_space<hbm>> -> memref<1x10000x64xf32, #tpu.memory_space<hbm>>
        %dma_wait3A_165 = tpu.memref_squeeze %dma_wait3A_164 : memref<1x10000x64xf32, #tpu.memory_space<hbm>> -> memref<10000x64xf32, #tpu.memory_space<hbm>>
        %dma_wait3A_166 = arith.constant 0 : i32
        %dma_wait3A_167 = arith.constant 0 : i32
        %dma_wait3A_168 = tpu.memref_slice %dma_wait3A_165[%dma_wait3A_166, %dma_wait3A_167] : memref<10000x64xf32, #tpu.memory_space<hbm>> -> memref<10000x64xf32, #tpu.memory_space<hbm>>
        tpu.wait_indirect_dma semaphore(%arg19 : memref<!tpu.dma_semaphore, #tpu.memory_space<semaphore_mem>>) src(%dma_wait3A_168 : memref<10000x64xf32, #tpu.memory_space<hbm>>) dst(%arg12 : memref<128x64xf32, #tpu.memory_space<vmem>>)
        %dma_start3A = arith.constant 0 : i32
        %dma_start3A_169 = tpu.memref_slice %arg7[%sub3A_92, %dma_start3A] : memref<160x128xi32, #tpu.memory_space<vmem>> -> memref<1x128xi32, #tpu.memory_space<vmem>>
        %dma_start3A_170 = tpu.memref_squeeze %dma_start3A_169 : memref<1x128xi32, #tpu.memory_space<vmem>> -> memref<128xi32, #tpu.memory_space<vmem>>
        %dma_start3A_171 = arith.constant 0 : i32
        %dma_start3A_172 = arith.constant 0 : i32
        %dma_start3A_173 = tpu.memref_slice %arg14[%dma_start3A_171, %dma_start3A_172] : memref<10240x64xf32, #tpu.memory_space<vmem_shared>> -> memref<10240x64xf32, #tpu.memory_space<vmem_shared>>
        tpu.enqueue_indirect_dma source(%arg12 : memref<128x64xf32, #tpu.memory_space<vmem>>) target(%dma_start3A_173 : memref<10240x64xf32, #tpu.memory_space<vmem_shared>>) offsets(%dma_start3A_170 : memref<128xi32, #tpu.memory_space<vmem>>) semaphore(%arg24 : memref<!tpu.dma_semaphore, #tpu.memory_space<semaphore_mem>>) {add = true}
      } else {
      }
      %mul3A_101 = arith.constant 5 : i32
      %mul3A_102 = arith.muli %scan3A_20, %mul3A_101 : i32
      %add3A_103 = arith.constant 3 : i32
      %add3A_104 = arith.addi %mul3A_102, %add3A_103 : i32
      %ge3A_105 = arith.constant 5 : i32
      %ge3A_106 = arith.cmpi sge, %add3A_104, %ge3A_105 : i32
      %sub3A_107 = arith.constant 5 : i32
      %sub3A_108 = arith.subi %add3A_104, %sub3A_107 : i32
      %lt3A_109 = arith.constant 160 : i32
      %lt3A_110 = arith.cmpi slt, %sub3A_108, %lt3A_109 : i32
      %and3A_111 = arith.andi %ge3A_106, %lt3A_110 : i1
      %convert_element_type3A_112 = arith.extui %and3A_111 : i1 to i32
      %cond3A_113 = arith.constant 0 : i32
      %cond3A_114 = arith.cmpi ne, %convert_element_type3A_112, %cond3A_113 : i32
      scf.if %cond3A_114 {
        %dma_wait3A = arith.constant 0 : i32
        %dma_wait3A_159 = arith.constant 0 : i32
        %dma_wait3A_160 = tpu.memref_slice %arg7[%dma_wait3A, %dma_wait3A_159] : memref<160x128xi32, #tpu.memory_space<vmem>> -> memref<1x128xi32, #tpu.memory_space<vmem>>
        %dma_wait3A_161 = tpu.memref_squeeze %dma_wait3A_160 : memref<1x128xi32, #tpu.memory_space<vmem>> -> memref<128xi32, #tpu.memory_space<vmem>>
        %dma_wait3A_162 = arith.constant 0 : i32
        %dma_wait3A_163 = arith.constant 0 : i32
        %dma_wait3A_164 = tpu.memref_slice %arg14[%dma_wait3A_162, %dma_wait3A_163] : memref<10240x64xf32, #tpu.memory_space<vmem_shared>> -> memref<10240x64xf32, #tpu.memory_space<vmem_shared>>
        tpu.wait_indirect_dma semaphore(%arg23 : memref<!tpu.dma_semaphore, #tpu.memory_space<semaphore_mem>>) src(%arg11 : memref<128x64xf32, #tpu.memory_space<vmem>>) dst(%dma_wait3A_164 : memref<10240x64xf32, #tpu.memory_space<vmem_shared>>)
      } else {
      }
      %lt3A_115 = arith.constant 160 : i32
      %lt3A_116 = arith.cmpi slt, %add3A_104, %lt3A_115 : i32
      %convert_element_type3A_117 = arith.extui %lt3A_116 : i1 to i32
      %cond3A_118 = arith.constant 0 : i32
      %cond3A_119 = arith.cmpi ne, %convert_element_type3A_117, %cond3A_118 : i32
      scf.if %cond3A_119 {
        %dma_start3A = arith.constant 0 : i32
        %dma_start3A_159 = tpu.memref_slice %arg6[%add3A_104, %dma_start3A] : memref<160x128xi32, #tpu.memory_space<vmem>> -> memref<1x128xi32, #tpu.memory_space<vmem>>
        %dma_start3A_160 = tpu.memref_squeeze %dma_start3A_159 : memref<1x128xi32, #tpu.memory_space<vmem>> -> memref<128xi32, #tpu.memory_space<vmem>>
        %dma_start3A_161 = arith.constant 0 : i32
        %dma_start3A_162 = arith.constant 0 : i32
        %dma_start3A_163 = tpu.memref_slice %arg2[%arg0, %dma_start3A_161, %dma_start3A_162] : memref<2x10000x64xf32, #tpu.memory_space<hbm>> -> memref<1x10000x64xf32, #tpu.memory_space<hbm>>
        %dma_start3A_164 = tpu.memref_squeeze %dma_start3A_163 : memref<1x10000x64xf32, #tpu.memory_space<hbm>> -> memref<10000x64xf32, #tpu.memory_space<hbm>>
        %dma_start3A_165 = arith.constant 0 : i32
        %dma_start3A_166 = arith.constant 0 : i32
        %dma_start3A_167 = tpu.memref_slice %dma_start3A_164[%dma_start3A_165, %dma_start3A_166] : memref<10000x64xf32, #tpu.memory_space<hbm>> -> memref<10000x64xf32, #tpu.memory_space<hbm>>
        tpu.enqueue_indirect_dma source(%dma_start3A_167 : memref<10000x64xf32, #tpu.memory_space<hbm>>) target(%arg11 : memref<128x64xf32, #tpu.memory_space<vmem>>) offsets(%dma_start3A_160 : memref<128xi32, #tpu.memory_space<vmem>>) semaphore(%arg18 : memref<!tpu.dma_semaphore, #tpu.memory_space<semaphore_mem>>)
      } else {
      }
      %sub3A_120 = arith.constant 3 : i32
      %sub3A_121 = arith.subi %add3A_104, %sub3A_120 : i32
      %ge3A_122 = arith.constant 0 : i32
      %ge3A_123 = arith.cmpi sge, %sub3A_121, %ge3A_122 : i32
      %lt3A_124 = arith.constant 160 : i32
      %lt3A_125 = arith.cmpi slt, %sub3A_121, %lt3A_124 : i32
      %and3A_126 = arith.andi %ge3A_123, %lt3A_125 : i1
      %convert_element_type3A_127 = arith.extui %and3A_126 : i1 to i32
      %cond3A_128 = arith.constant 0 : i32
      %cond3A_129 = arith.cmpi ne, %convert_element_type3A_127, %cond3A_128 : i32
      scf.if %cond3A_129 {
        %dma_wait3A = arith.constant 0 : i32
        %dma_wait3A_159 = arith.constant 0 : i32
        %dma_wait3A_160 = tpu.memref_slice %arg6[%dma_wait3A, %dma_wait3A_159] : memref<160x128xi32, #tpu.memory_space<vmem>> -> memref<1x128xi32, #tpu.memory_space<vmem>>
        %dma_wait3A_161 = tpu.memref_squeeze %dma_wait3A_160 : memref<1x128xi32, #tpu.memory_space<vmem>> -> memref<128xi32, #tpu.memory_space<vmem>>
        %dma_wait3A_162 = arith.constant 0 : i32
        %dma_wait3A_163 = arith.constant 0 : i32
        %dma_wait3A_164 = tpu.memref_slice %arg2[%arg0, %dma_wait3A_162, %dma_wait3A_163] : memref<2x10000x64xf32, #tpu.memory_space<hbm>> -> memref<1x10000x64xf32, #tpu.memory_space<hbm>>
        %dma_wait3A_165 = tpu.memref_squeeze %dma_wait3A_164 : memref<1x10000x64xf32, #tpu.memory_space<hbm>> -> memref<10000x64xf32, #tpu.memory_space<hbm>>
        %dma_wait3A_166 = arith.constant 0 : i32
        %dma_wait3A_167 = arith.constant 0 : i32
        %dma_wait3A_168 = tpu.memref_slice %dma_wait3A_165[%dma_wait3A_166, %dma_wait3A_167] : memref<10000x64xf32, #tpu.memory_space<hbm>> -> memref<10000x64xf32, #tpu.memory_space<hbm>>
        tpu.wait_indirect_dma semaphore(%arg15 : memref<!tpu.dma_semaphore, #tpu.memory_space<semaphore_mem>>) src(%dma_wait3A_168 : memref<10000x64xf32, #tpu.memory_space<hbm>>) dst(%arg8 : memref<128x64xf32, #tpu.memory_space<vmem>>)
        %dma_start3A = arith.constant 0 : i32
        %dma_start3A_169 = tpu.memref_slice %arg7[%sub3A_121, %dma_start3A] : memref<160x128xi32, #tpu.memory_space<vmem>> -> memref<1x128xi32, #tpu.memory_space<vmem>>
        %dma_start3A_170 = tpu.memref_squeeze %dma_start3A_169 : memref<1x128xi32, #tpu.memory_space<vmem>> -> memref<128xi32, #tpu.memory_space<vmem>>
        %dma_start3A_171 = arith.constant 0 : i32
        %dma_start3A_172 = arith.constant 0 : i32
        %dma_start3A_173 = tpu.memref_slice %arg14[%dma_start3A_171, %dma_start3A_172] : memref<10240x64xf32, #tpu.memory_space<vmem_shared>> -> memref<10240x64xf32, #tpu.memory_space<vmem_shared>>
        tpu.enqueue_indirect_dma source(%arg8 : memref<128x64xf32, #tpu.memory_space<vmem>>) target(%dma_start3A_173 : memref<10240x64xf32, #tpu.memory_space<vmem_shared>>) offsets(%dma_start3A_170 : memref<128xi32, #tpu.memory_space<vmem>>) semaphore(%arg20 : memref<!tpu.dma_semaphore, #tpu.memory_space<semaphore_mem>>) {add = true}
      } else {
      }
      %mul3A_130 = arith.constant 5 : i32
      %mul3A_131 = arith.muli %scan3A_20, %mul3A_130 : i32
      %add3A_132 = arith.constant 4 : i32
      %add3A_133 = arith.addi %mul3A_131, %add3A_132 : i32
      %ge3A_134 = arith.constant 5 : i32
      %ge3A_135 = arith.cmpi sge, %add3A_133, %ge3A_134 : i32
      %sub3A_136 = arith.constant 5 : i32
      %sub3A_137 = arith.subi %add3A_133, %sub3A_136 : i32
      %lt3A_138 = arith.constant 160 : i32
      %lt3A_139 = arith.cmpi slt, %sub3A_137, %lt3A_138 : i32
      %and3A_140 = arith.andi %ge3A_135, %lt3A_139 : i1
      %convert_element_type3A_141 = arith.extui %and3A_140 : i1 to i32
      %cond3A_142 = arith.constant 0 : i32
      %cond3A_143 = arith.cmpi ne, %convert_element_type3A_141, %cond3A_142 : i32
      scf.if %cond3A_143 {
        %dma_wait3A = arith.constant 0 : i32
        %dma_wait3A_159 = arith.constant 0 : i32
        %dma_wait3A_160 = tpu.memref_slice %arg7[%dma_wait3A, %dma_wait3A_159] : memref<160x128xi32, #tpu.memory_space<vmem>> -> memref<1x128xi32, #tpu.memory_space<vmem>>
        %dma_wait3A_161 = tpu.memref_squeeze %dma_wait3A_160 : memref<1x128xi32, #tpu.memory_space<vmem>> -> memref<128xi32, #tpu.memory_space<vmem>>
        %dma_wait3A_162 = arith.constant 0 : i32
        %dma_wait3A_163 = arith.constant 0 : i32
        %dma_wait3A_164 = tpu.memref_slice %arg14[%dma_wait3A_162, %dma_wait3A_163] : memref<10240x64xf32, #tpu.memory_space<vmem_shared>> -> memref<10240x64xf32, #tpu.memory_space<vmem_shared>>
        tpu.wait_indirect_dma semaphore(%arg24 : memref<!tpu.dma_semaphore, #tpu.memory_space<semaphore_mem>>) src(%arg12 : memref<128x64xf32, #tpu.memory_space<vmem>>) dst(%dma_wait3A_164 : memref<10240x64xf32, #tpu.memory_space<vmem_shared>>)
      } else {
      }
      %lt3A_144 = arith.constant 160 : i32
      %lt3A_145 = arith.cmpi slt, %add3A_133, %lt3A_144 : i32
      %convert_element_type3A_146 = arith.extui %lt3A_145 : i1 to i32
      %cond3A_147 = arith.constant 0 : i32
      %cond3A_148 = arith.cmpi ne, %convert_element_type3A_146, %cond3A_147 : i32
      scf.if %cond3A_148 {
        %dma_start3A = arith.constant 0 : i32
        %dma_start3A_159 = tpu.memref_slice %arg6[%add3A_133, %dma_start3A] : memref<160x128xi32, #tpu.memory_space<vmem>> -> memref<1x128xi32, #tpu.memory_space<vmem>>
        %dma_start3A_160 = tpu.memref_squeeze %dma_start3A_159 : memref<1x128xi32, #tpu.memory_space<vmem>> -> memref<128xi32, #tpu.memory_space<vmem>>
        %dma_start3A_161 = arith.constant 0 : i32
        %dma_start3A_162 = arith.constant 0 : i32
        %dma_start3A_163 = tpu.memref_slice %arg2[%arg0, %dma_start3A_161, %dma_start3A_162] : memref<2x10000x64xf32, #tpu.memory_space<hbm>> -> memref<1x10000x64xf32, #tpu.memory_space<hbm>>
        %dma_start3A_164 = tpu.memref_squeeze %dma_start3A_163 : memref<1x10000x64xf32, #tpu.memory_space<hbm>> -> memref<10000x64xf32, #tpu.memory_space<hbm>>
        %dma_start3A_165 = arith.constant 0 : i32
        %dma_start3A_166 = arith.constant 0 : i32
        %dma_start3A_167 = tpu.memref_slice %dma_start3A_164[%dma_start3A_165, %dma_start3A_166] : memref<10000x64xf32, #tpu.memory_space<hbm>> -> memref<10000x64xf32, #tpu.memory_space<hbm>>
        tpu.enqueue_indirect_dma source(%dma_start3A_167 : memref<10000x64xf32, #tpu.memory_space<hbm>>) target(%arg12 : memref<128x64xf32, #tpu.memory_space<vmem>>) offsets(%dma_start3A_160 : memref<128xi32, #tpu.memory_space<vmem>>) semaphore(%arg19 : memref<!tpu.dma_semaphore, #tpu.memory_space<semaphore_mem>>)
      } else {
      }
      %sub3A_149 = arith.constant 3 : i32
      %sub3A_150 = arith.subi %add3A_133, %sub3A_149 : i32
      %ge3A_151 = arith.constant 0 : i32
      %ge3A_152 = arith.cmpi sge, %sub3A_150, %ge3A_151 : i32
      %lt3A_153 = arith.constant 160 : i32
      %lt3A_154 = arith.cmpi slt, %sub3A_150, %lt3A_153 : i32
      %and3A_155 = arith.andi %ge3A_152, %lt3A_154 : i1
      %convert_element_type3A_156 = arith.extui %and3A_155 : i1 to i32
      %cond3A_157 = arith.constant 0 : i32
      %cond3A_158 = arith.cmpi ne, %convert_element_type3A_156, %cond3A_157 : i32
      scf.if %cond3A_158 {
        %dma_wait3A = arith.constant 0 : i32
        %dma_wait3A_159 = arith.constant 0 : i32
        %dma_wait3A_160 = tpu.memref_slice %arg6[%dma_wait3A, %dma_wait3A_159] : memref<160x128xi32, #tpu.memory_space<vmem>> -> memref<1x128xi32, #tpu.memory_space<vmem>>
        %dma_wait3A_161 = tpu.memref_squeeze %dma_wait3A_160 : memref<1x128xi32, #tpu.memory_space<vmem>> -> memref<128xi32, #tpu.memory_space<vmem>>
        %dma_wait3A_162 = arith.constant 0 : i32
        %dma_wait3A_163 = arith.constant 0 : i32
        %dma_wait3A_164 = tpu.memref_slice %arg2[%arg0, %dma_wait3A_162, %dma_wait3A_163] : memref<2x10000x64xf32, #tpu.memory_space<hbm>> -> memref<1x10000x64xf32, #tpu.memory_space<hbm>>
        %dma_wait3A_165 = tpu.memref_squeeze %dma_wait3A_164 : memref<1x10000x64xf32, #tpu.memory_space<hbm>> -> memref<10000x64xf32, #tpu.memory_space<hbm>>
        %dma_wait3A_166 = arith.constant 0 : i32
        %dma_wait3A_167 = arith.constant 0 : i32
        %dma_wait3A_168 = tpu.memref_slice %dma_wait3A_165[%dma_wait3A_166, %dma_wait3A_167] : memref<10000x64xf32, #tpu.memory_space<hbm>> -> memref<10000x64xf32, #tpu.memory_space<hbm>>
        tpu.wait_indirect_dma semaphore(%arg16 : memref<!tpu.dma_semaphore, #tpu.memory_space<semaphore_mem>>) src(%dma_wait3A_168 : memref<10000x64xf32, #tpu.memory_space<hbm>>) dst(%arg9 : memref<128x64xf32, #tpu.memory_space<vmem>>)
        %dma_start3A = arith.constant 0 : i32
        %dma_start3A_169 = tpu.memref_slice %arg7[%sub3A_150, %dma_start3A] : memref<160x128xi32, #tpu.memory_space<vmem>> -> memref<1x128xi32, #tpu.memory_space<vmem>>
        %dma_start3A_170 = tpu.memref_squeeze %dma_start3A_169 : memref<1x128xi32, #tpu.memory_space<vmem>> -> memref<128xi32, #tpu.memory_space<vmem>>
        %dma_start3A_171 = arith.constant 0 : i32
        %dma_start3A_172 = arith.constant 0 : i32
        %dma_start3A_173 = tpu.memref_slice %arg14[%dma_start3A_171, %dma_start3A_172] : memref<10240x64xf32, #tpu.memory_space<vmem_shared>> -> memref<10240x64xf32, #tpu.memory_space<vmem_shared>>
        tpu.enqueue_indirect_dma source(%arg9 : memref<128x64xf32, #tpu.memory_space<vmem>>) target(%dma_start3A_173 : memref<10240x64xf32, #tpu.memory_space<vmem_shared>>) offsets(%dma_start3A_170 : memref<128xi32, #tpu.memory_space<vmem>>) semaphore(%arg21 : memref<!tpu.dma_semaphore, #tpu.memory_space<semaphore_mem>>) {add = true}
      } else {
      }
    }
    %scan3A_18 = arith.constant 33 : i32
    %barrier3A_19 = arith.constant 0 : index
    tpu.barrier barrier_id(%barrier3A_19)
    "tpu.region"() ({
      %run_scoped3A = tpu.sem_alloc : memref<!tpu.dma_semaphore, #tpu.memory_space<semaphore_mem>>
      %dma_start3A = arith.constant 0 : i32
      %dma_start3A_20 = tpu.memref_slice %arg5[%arg0, %mul3A_6, %dma_start3A] : memref<2x10240x64xf32, #tpu.memory_space<hbm>> -> memref<1x640x64xf32, #tpu.memory_space<hbm>>
      %dma_start3A_21 = tpu.memref_squeeze %dma_start3A_20 : memref<1x640x64xf32, #tpu.memory_space<hbm>> -> memref<640x64xf32, #tpu.memory_space<hbm>>
      %dma_start3A_22 = arith.constant 0 : i32
      %dma_start3A_23 = tpu.memref_slice %arg14[%mul3A_6, %dma_start3A_22] : memref<10240x64xf32, #tpu.memory_space<vmem_shared>> -> memref<640x64xf32, #tpu.memory_space<vmem_shared>>
      tpu.enqueue_dma source(%dma_start3A_23 : memref<640x64xf32, #tpu.memory_space<vmem_shared>>) target(%dma_start3A_21 : memref<640x64xf32, #tpu.memory_space<hbm>>) target_semaphore(%run_scoped3A : memref<!tpu.dma_semaphore, #tpu.memory_space<semaphore_mem>>)
      %dma_wait3A = arith.constant 0 : i32
      %dma_wait3A_24 = tpu.memref_slice %arg5[%arg0, %mul3A_6, %dma_wait3A] : memref<2x10240x64xf32, #tpu.memory_space<hbm>> -> memref<1x640x64xf32, #tpu.memory_space<hbm>>
      %dma_wait3A_25 = tpu.memref_squeeze %dma_wait3A_24 : memref<1x640x64xf32, #tpu.memory_space<hbm>> -> memref<640x64xf32, #tpu.memory_space<hbm>>
      %dma_wait3A_26 = arith.constant 0 : i32
      %dma_wait3A_27 = tpu.memref_slice %arg14[%mul3A_6, %dma_wait3A_26] : memref<10240x64xf32, #tpu.memory_space<vmem_shared>> -> memref<640x64xf32, #tpu.memory_space<vmem_shared>>
      tpu.wait_dma2 semaphore(%run_scoped3A : memref<!tpu.dma_semaphore, #tpu.memory_space<semaphore_mem>>) src(%dma_wait3A_27 : memref<640x64xf32, #tpu.memory_space<vmem_shared>>) dst(%dma_wait3A_25 : memref<640x64xf32, #tpu.memory_space<hbm>>)
      tpu.yield
    }) : () -> ()
    return
  }
}

#map = affine_map<(d0, d1) -> (0, 0, 0)>
module attributes {stable_mosaic.version = 14 : i64} {
  func.func @_sc_prop(%arg0: i32, %arg1: i32, %arg2: memref<2x10000x64xf32, #tpu.memory_space<hbm>>, %arg3: memref<16x160x128xi32, #tpu.memory_space<hbm>>, %arg4: memref<16x160x128xi32, #tpu.memory_space<hbm>>, %arg5: memref<2x10240x64xf32, #tpu.memory_space<hbm>>, %arg6: memref<160x128xi32, #tpu.memory_space<vmem>>, %arg7: memref<160x128xi32, #tpu.memory_space<vmem>>, %arg8: memref<128x64xf32, #tpu.memory_space<vmem>>, %arg9: memref<128x64xf32, #tpu.memory_space<vmem>>, %arg10: memref<128x64xf32, #tpu.memory_space<vmem>>, %arg11: memref<128x64xf32, #tpu.memory_space<vmem>>, %arg12: memref<128x64xf32, #tpu.memory_space<vmem>>, %arg13: memref<32x64xf32, #tpu.memory_space<vmem>>, %arg14: memref<10240x64xf32, #tpu.memory_space<vmem_shared>>, %arg15: memref<!tpu.dma_semaphore, #tpu.memory_space<semaphore_mem>>, %arg16: memref<!tpu.dma_semaphore, #tpu.memory_space<semaphore_mem>>, %arg17: memref<!tpu.dma_semaphore, #tpu.memory_space<semaphore_mem>>, %arg18: memref<!tpu.dma_semaphore, #tpu.memory_space<semaphore_mem>>, %arg19: memref<!tpu.dma_semaphore, #tpu.memory_space<semaphore_mem>>, %arg20: memref<!tpu.dma_semaphore, #tpu.memory_space<semaphore_mem>>, %arg21: memref<!tpu.dma_semaphore, #tpu.memory_space<semaphore_mem>>, %arg22: memref<!tpu.dma_semaphore, #tpu.memory_space<semaphore_mem>>, %arg23: memref<!tpu.dma_semaphore, #tpu.memory_space<semaphore_mem>>, %arg24: memref<!tpu.dma_semaphore, #tpu.memory_space<semaphore_mem>>) attributes {dimension_semantics = [#tpu.dimension_semantics<core_parallel>, #tpu.dimension_semantics<subcore_parallel>], iteration_bounds = array<i64: 2, 16>, scalar_prefetch = 0 : i64, scratch_operands = 19 : i64, tpu.core_type = #tpu.core_type<sc_vector_subcore>, window_params = [{transform_indices = #map}, {transform_indices = #map}, {transform_indices = #map}, {transform_indices = #map}]} {
    "tpu.region"() ({
      %run_scoped3A = tpu.sem_alloc : memref<!tpu.dma_semaphore, #tpu.memory_space<semaphore_mem>>
      %dma_start3A = arith.constant 0 : i32
      %dma_start3A_20 = arith.constant 0 : i32
      %dma_start3A_21 = tpu.memref_slice %arg3[%arg1, %dma_start3A, %dma_start3A_20] : memref<16x160x128xi32, #tpu.memory_space<hbm>> -> memref<1x160x128xi32, #tpu.memory_space<hbm>>
      %dma_start3A_22 = tpu.memref_squeeze %dma_start3A_21 : memref<1x160x128xi32, #tpu.memory_space<hbm>> -> memref<160x128xi32, #tpu.memory_space<hbm>>
      %dma_start3A_23 = arith.constant 0 : i32
      %dma_start3A_24 = arith.constant 0 : i32
      %dma_start3A_25 = tpu.memref_slice %arg3[%arg1, %dma_start3A_23, %dma_start3A_24] : memref<16x160x128xi32, #tpu.memory_space<hbm>> -> memref<1x160x128xi32, #tpu.memory_space<hbm>>
      %dma_start3A_26 = tpu.memref_squeeze %dma_start3A_25 : memref<1x160x128xi32, #tpu.memory_space<hbm>> -> memref<160x128xi32, #tpu.memory_space<hbm>>
      tpu.enqueue_dma source(%dma_start3A_26 : memref<160x128xi32, #tpu.memory_space<hbm>>) target(%arg6 : memref<160x128xi32, #tpu.memory_space<vmem>>) target_semaphore(%run_scoped3A : memref<!tpu.dma_semaphore, #tpu.memory_space<semaphore_mem>>)
      %dma_wait3A = arith.constant 0 : i32
      %dma_wait3A_27 = arith.constant 0 : i32
      %dma_wait3A_28 = tpu.memref_slice %arg3[%arg1, %dma_wait3A, %dma_wait3A_27] : memref<16x160x128xi32, #tpu.memory_space<hbm>> -> memref<1x160x128xi32, #tpu.memory_space<hbm>>
      %dma_wait3A_29 = tpu.memref_squeeze %dma_wait3A_28 : memref<1x160x128xi32, #tpu.memory_space<hbm>> -> memref<160x128xi32, #tpu.memory_space<hbm>>
      %dma_wait3A_30 = arith.constant 0 : i32
      %dma_wait3A_31 = arith.constant 0 : i32
      %dma_wait3A_32 = tpu.memref_slice %arg3[%arg1, %dma_wait3A_30, %dma_wait3A_31] : memref<16x160x128xi32, #tpu.memory_space<hbm>> -> memref<1x160x128xi32, #tpu.memory_space<hbm>>
      %dma_wait3A_33 = tpu.memref_squeeze %dma_wait3A_32 : memref<1x160x128xi32, #tpu.memory_space<hbm>> -> memref<160x128xi32, #tpu.memory_space<hbm>>
      tpu.wait_dma2 semaphore(%run_scoped3A : memref<!tpu.dma_semaphore, #tpu.memory_space<semaphore_mem>>) src(%dma_wait3A_33 : memref<160x128xi32, #tpu.memory_space<hbm>>) dst(%arg6 : memref<160x128xi32, #tpu.memory_space<vmem>>)
      tpu.yield
    }) : () -> ()
    "tpu.region"() ({
      %run_scoped3A = tpu.sem_alloc : memref<!tpu.dma_semaphore, #tpu.memory_space<semaphore_mem>>
      %dma_start3A = arith.constant 0 : i32
      %dma_start3A_20 = arith.constant 0 : i32
      %dma_start3A_21 = tpu.memref_slice %arg4[%arg1, %dma_start3A, %dma_start3A_20] : memref<16x160x128xi32, #tpu.memory_space<hbm>> -> memref<1x160x128xi32, #tpu.memory_space<hbm>>
      %dma_start3A_22 = tpu.memref_squeeze %dma_start3A_21 : memref<1x160x128xi32, #tpu.memory_space<hbm>> -> memref<160x128xi32, #tpu.memory_space<hbm>>
      %dma_start3A_23 = arith.constant 0 : i32
      %dma_start3A_24 = arith.constant 0 : i32
      %dma_start3A_25 = tpu.memref_slice %arg4[%arg1, %dma_start3A_23, %dma_start3A_24] : memref<16x160x128xi32, #tpu.memory_space<hbm>> -> memref<1x160x128xi32, #tpu.memory_space<hbm>>
      %dma_start3A_26 = tpu.memref_squeeze %dma_start3A_25 : memref<1x160x128xi32, #tpu.memory_space<hbm>> -> memref<160x128xi32, #tpu.memory_space<hbm>>
      tpu.enqueue_dma source(%dma_start3A_26 : memref<160x128xi32, #tpu.memory_space<hbm>>) target(%arg7 : memref<160x128xi32, #tpu.memory_space<vmem>>) target_semaphore(%run_scoped3A : memref<!tpu.dma_semaphore, #tpu.memory_space<semaphore_mem>>)
      %dma_wait3A = arith.constant 0 : i32
      %dma_wait3A_27 = arith.constant 0 : i32
      %dma_wait3A_28 = tpu.memref_slice %arg4[%arg1, %dma_wait3A, %dma_wait3A_27] : memref<16x160x128xi32, #tpu.memory_space<hbm>> -> memref<1x160x128xi32, #tpu.memory_space<hbm>>
      %dma_wait3A_29 = tpu.memref_squeeze %dma_wait3A_28 : memref<1x160x128xi32, #tpu.memory_space<hbm>> -> memref<160x128xi32, #tpu.memory_space<hbm>>
      %dma_wait3A_30 = arith.constant 0 : i32
      %dma_wait3A_31 = arith.constant 0 : i32
      %dma_wait3A_32 = tpu.memref_slice %arg4[%arg1, %dma_wait3A_30, %dma_wait3A_31] : memref<16x160x128xi32, #tpu.memory_space<hbm>> -> memref<1x160x128xi32, #tpu.memory_space<hbm>>
      %dma_wait3A_33 = tpu.memref_squeeze %dma_wait3A_32 : memref<1x160x128xi32, #tpu.memory_space<hbm>> -> memref<160x128xi32, #tpu.memory_space<hbm>>
      tpu.wait_dma2 semaphore(%run_scoped3A : memref<!tpu.dma_semaphore, #tpu.memory_space<semaphore_mem>>) src(%dma_wait3A_33 : memref<160x128xi32, #tpu.memory_space<hbm>>) dst(%arg7 : memref<160x128xi32, #tpu.memory_space<vmem>>)
      tpu.yield
    }) : () -> ()
    %broadcast_in_dim3A = arith.constant 0.000000e+00 : f32
    %broadcast_in_dim3A_0 = vector.broadcast %broadcast_in_dim3A : f32 to vector<16xf32>
    %scan3A = arith.constant 0 : i32
    %scan3A_1 = arith.constant 0 : i32
    %scan3A_2 = arith.constant 32 : i32
    %scan3A_3 = arith.addi %scan3A_1, %scan3A_2 : i32
    %scan3A_4 = arith.constant 1 : i32
    scf.for %scan3A_20 = %scan3A_1 to %scan3A_3 step %scan3A_4  : i32 {
      %swap3A = arith.index_cast %scan3A_20 : i32 to index
      %swap3A_21 = arith.constant 0 : index
      %swap3A_22 = tpu.vector_load %arg13[%swap3A, %swap3A_21] {strides = array<i32>} : memref<32x64xf32, #tpu.memory_space<vmem>>, vector<1x16xf32>,
      %swap3A_23 = vector.shape_cast %swap3A_22 : vector<1x16xf32> to vector<16xf32>
      %swap3A_24 = vector.shape_cast %broadcast_in_dim3A_0 : vector<16xf32> to vector<1x16xf32>
      tpu.vector_store %arg13[%swap3A, %swap3A_21], %swap3A_24 {strides = array<i32>} : memref<32x64xf32, #tpu.memory_space<vmem>>, vector<1x16xf32>,
      %swap3A_25 = arith.index_cast %scan3A_20 : i32 to index
      %swap3A_26 = arith.constant 16 : index
      %swap3A_27 = tpu.vector_load %arg13[%swap3A_25, %swap3A_26] {strides = array<i32>} : memref<32x64xf32, #tpu.memory_space<vmem>>, vector<1x16xf32>,
      %swap3A_28 = vector.shape_cast %swap3A_27 : vector<1x16xf32> to vector<16xf32>
      %swap3A_29 = vector.shape_cast %broadcast_in_dim3A_0 : vector<16xf32> to vector<1x16xf32>
      tpu.vector_store %arg13[%swap3A_25, %swap3A_26], %swap3A_29 {strides = array<i32>} : memref<32x64xf32, #tpu.memory_space<vmem>>, vector<1x16xf32>,
      %swap3A_30 = arith.index_cast %scan3A_20 : i32 to index
      %swap3A_31 = arith.constant 32 : index
      %swap3A_32 = tpu.vector_load %arg13[%swap3A_30, %swap3A_31] {strides = array<i32>} : memref<32x64xf32, #tpu.memory_space<vmem>>, vector<1x16xf32>,
      %swap3A_33 = vector.shape_cast %swap3A_32 : vector<1x16xf32> to vector<16xf32>
      %swap3A_34 = vector.shape_cast %broadcast_in_dim3A_0 : vector<16xf32> to vector<1x16xf32>
      tpu.vector_store %arg13[%swap3A_30, %swap3A_31], %swap3A_34 {strides = array<i32>} : memref<32x64xf32, #tpu.memory_space<vmem>>, vector<1x16xf32>,
      %swap3A_35 = arith.index_cast %scan3A_20 : i32 to index
      %swap3A_36 = arith.constant 48 : index
      %swap3A_37 = tpu.vector_load %arg13[%swap3A_35, %swap3A_36] {strides = array<i32>} : memref<32x64xf32, #tpu.memory_space<vmem>>, vector<1x16xf32>,
      %swap3A_38 = vector.shape_cast %swap3A_37 : vector<1x16xf32> to vector<16xf32>
      %swap3A_39 = vector.shape_cast %broadcast_in_dim3A_0 : vector<16xf32> to vector<1x16xf32>
      tpu.vector_store %arg13[%swap3A_35, %swap3A_36], %swap3A_39 {strides = array<i32>} : memref<32x64xf32, #tpu.memory_space<vmem>>, vector<1x16xf32>,
    }
    %scan3A_5 = arith.constant 32 : i32
    %mul3A = arith.constant 640 : i32
    %mul3A_6 = arith.muli %arg1, %mul3A : i32
    %scan3A_7 = arith.constant 0 : i32
    %scan3A_8 = arith.constant 0 : i32
    %scan3A_9 = arith.constant 20 : i32
    %scan3A_10 = arith.addi %scan3A_8, %scan3A_9 : i32
    %scan3A_11 = arith.constant 1 : i32
    scf.for %scan3A_20 = %scan3A_8 to %scan3A_10 step %scan3A_11  : i32 {
      %mul3A_21 = arith.constant 32 : i32
      %mul3A_22 = arith.muli %scan3A_20, %mul3A_21 : i32
      %add3A = arith.addi %mul3A_6, %mul3A_22 : i32
      "tpu.region"() ({
        %run_scoped3A = tpu.sem_alloc : memref<!tpu.dma_semaphore, #tpu.memory_space<semaphore_mem>>
        %dma_start3A = arith.constant 0 : i32
        %dma_start3A_23 = tpu.memref_slice %arg14[%add3A, %dma_start3A] : memref<10240x64xf32, #tpu.memory_space<vmem_shared>> -> memref<32x64xf32, #tpu.memory_space<vmem_shared>>
        %dma_start3A_24 = arith.constant 0 : i32
        %dma_start3A_25 = tpu.memref_slice %arg14[%add3A, %dma_start3A_24] : memref<10240x64xf32, #tpu.memory_space<vmem_shared>> -> memref<32x64xf32, #tpu.memory_space<vmem_shared>>
        tpu.enqueue_dma source(%arg13 : memref<32x64xf32, #tpu.memory_space<vmem>>) target(%dma_start3A_25 : memref<32x64xf32, #tpu.memory_space<vmem_shared>>) target_semaphore(%run_scoped3A : memref<!tpu.dma_semaphore, #tpu.memory_space<semaphore_mem>>)
        %dma_wait3A = arith.constant 0 : i32
        %dma_wait3A_26 = tpu.memref_slice %arg14[%add3A, %dma_wait3A] : memref<10240x64xf32, #tpu.memory_space<vmem_shared>> -> memref<32x64xf32, #tpu.memory_space<vmem_shared>>
        %dma_wait3A_27 = arith.constant 0 : i32
        %dma_wait3A_28 = tpu.memref_slice %arg14[%add3A, %dma_wait3A_27] : memref<10240x64xf32, #tpu.memory_space<vmem_shared>> -> memref<32x64xf32, #tpu.memory_space<vmem_shared>>
        tpu.wait_dma2 semaphore(%run_scoped3A : memref<!tpu.dma_semaphore, #tpu.memory_space<semaphore_mem>>) src(%arg13 : memref<32x64xf32, #tpu.memory_space<vmem>>) dst(%dma_wait3A_28 : memref<32x64xf32, #tpu.memory_space<vmem_shared>>)
        tpu.yield
      }) : () -> ()
    }
    %scan3A_12 = arith.constant 20 : i32
    %barrier3A = arith.constant 0 : index
    tpu.barrier barrier_id(%barrier3A)
    %scan3A_13 = arith.constant 0 : i32
    %scan3A_14 = arith.constant 0 : i32
    %scan3A_15 = arith.constant 33 : i32
    %scan3A_16 = arith.addi %scan3A_14, %scan3A_15 : i32
    %scan3A_17 = arith.constant 1 : i32
    scf.for %scan3A_20 = %scan3A_14 to %scan3A_16 step %scan3A_17  : i32 {
      %mul3A_21 = arith.constant 5 : i32
      %mul3A_22 = arith.muli %scan3A_20, %mul3A_21 : i32
      %add3A = arith.constant 0 : i32
      %add3A_23 = arith.addi %mul3A_22, %add3A : i32
      %ge3A = arith.constant 5 : i32
      %ge3A_24 = arith.cmpi sge, %add3A_23, %ge3A : i32
      %sub3A = arith.constant 5 : i32
      %sub3A_25 = arith.subi %add3A_23, %sub3A : i32
      %lt3A = arith.constant 160 : i32
      %lt3A_26 = arith.cmpi slt, %sub3A_25, %lt3A : i32
      %and3A = arith.andi %ge3A_24, %lt3A_26 : i1
      %convert_element_type3A = arith.extui %and3A : i1 to i32
      %cond3A = arith.constant 0 : i32
      %cond3A_27 = arith.cmpi ne, %convert_element_type3A, %cond3A : i32
      scf.if %cond3A_27 {
        %dma_wait3A = arith.constant 0 : i32
        %dma_wait3A_159 = arith.constant 0 : i32
        %dma_wait3A_160 = tpu.memref_slice %arg7[%dma_wait3A, %dma_wait3A_159] : memref<160x128xi32, #tpu.memory_space<vmem>> -> memref<1x128xi32, #tpu.memory_space<vmem>>
        %dma_wait3A_161 = tpu.memref_squeeze %dma_wait3A_160 : memref<1x128xi32, #tpu.memory_space<vmem>> -> memref<128xi32, #tpu.memory_space<vmem>>
        %dma_wait3A_162 = arith.constant 0 : i32
        %dma_wait3A_163 = arith.constant 0 : i32
        %dma_wait3A_164 = tpu.memref_slice %arg14[%dma_wait3A_162, %dma_wait3A_163] : memref<10240x64xf32, #tpu.memory_space<vmem_shared>> -> memref<10240x64xf32, #tpu.memory_space<vmem_shared>>
        tpu.wait_indirect_dma semaphore(%arg20 : memref<!tpu.dma_semaphore, #tpu.memory_space<semaphore_mem>>) src(%arg8 : memref<128x64xf32, #tpu.memory_space<vmem>>) dst(%dma_wait3A_164 : memref<10240x64xf32, #tpu.memory_space<vmem_shared>>)
      } else {
      }
      %lt3A_28 = arith.constant 160 : i32
      %lt3A_29 = arith.cmpi slt, %add3A_23, %lt3A_28 : i32
      %convert_element_type3A_30 = arith.extui %lt3A_29 : i1 to i32
      %cond3A_31 = arith.constant 0 : i32
      %cond3A_32 = arith.cmpi ne, %convert_element_type3A_30, %cond3A_31 : i32
      scf.if %cond3A_32 {
        %dma_start3A = arith.constant 0 : i32
        %dma_start3A_159 = tpu.memref_slice %arg6[%add3A_23, %dma_start3A] : memref<160x128xi32, #tpu.memory_space<vmem>> -> memref<1x128xi32, #tpu.memory_space<vmem>>
        %dma_start3A_160 = tpu.memref_squeeze %dma_start3A_159 : memref<1x128xi32, #tpu.memory_space<vmem>> -> memref<128xi32, #tpu.memory_space<vmem>>
        %dma_start3A_161 = arith.constant 0 : i32
        %dma_start3A_162 = arith.constant 0 : i32
        %dma_start3A_163 = tpu.memref_slice %arg2[%arg0, %dma_start3A_161, %dma_start3A_162] : memref<2x10000x64xf32, #tpu.memory_space<hbm>> -> memref<1x10000x64xf32, #tpu.memory_space<hbm>>
        %dma_start3A_164 = tpu.memref_squeeze %dma_start3A_163 : memref<1x10000x64xf32, #tpu.memory_space<hbm>> -> memref<10000x64xf32, #tpu.memory_space<hbm>>
        %dma_start3A_165 = arith.constant 0 : i32
        %dma_start3A_166 = arith.constant 0 : i32
        %dma_start3A_167 = tpu.memref_slice %dma_start3A_164[%dma_start3A_165, %dma_start3A_166] : memref<10000x64xf32, #tpu.memory_space<hbm>> -> memref<10000x64xf32, #tpu.memory_space<hbm>>
        tpu.enqueue_indirect_dma source(%dma_start3A_167 : memref<10000x64xf32, #tpu.memory_space<hbm>>) target(%arg8 : memref<128x64xf32, #tpu.memory_space<vmem>>) offsets(%dma_start3A_160 : memref<128xi32, #tpu.memory_space<vmem>>) semaphore(%arg15 : memref<!tpu.dma_semaphore, #tpu.memory_space<semaphore_mem>>)
      } else {
      }
      %sub3A_33 = arith.constant 3 : i32
      %sub3A_34 = arith.subi %add3A_23, %sub3A_33 : i32
      %ge3A_35 = arith.constant 0 : i32
      %ge3A_36 = arith.cmpi sge, %sub3A_34, %ge3A_35 : i32
      %lt3A_37 = arith.constant 160 : i32
      %lt3A_38 = arith.cmpi slt, %sub3A_34, %lt3A_37 : i32
      %and3A_39 = arith.andi %ge3A_36, %lt3A_38 : i1
      %convert_element_type3A_40 = arith.extui %and3A_39 : i1 to i32
      %cond3A_41 = arith.constant 0 : i32
      %cond3A_42 = arith.cmpi ne, %convert_element_type3A_40, %cond3A_41 : i32
      scf.if %cond3A_42 {
        %dma_wait3A = arith.constant 0 : i32
        %dma_wait3A_159 = arith.constant 0 : i32
        %dma_wait3A_160 = tpu.memref_slice %arg6[%dma_wait3A, %dma_wait3A_159] : memref<160x128xi32, #tpu.memory_space<vmem>> -> memref<1x128xi32, #tpu.memory_space<vmem>>
        %dma_wait3A_161 = tpu.memref_squeeze %dma_wait3A_160 : memref<1x128xi32, #tpu.memory_space<vmem>> -> memref<128xi32, #tpu.memory_space<vmem>>
        %dma_wait3A_162 = arith.constant 0 : i32
        %dma_wait3A_163 = arith.constant 0 : i32
        %dma_wait3A_164 = tpu.memref_slice %arg2[%arg0, %dma_wait3A_162, %dma_wait3A_163] : memref<2x10000x64xf32, #tpu.memory_space<hbm>> -> memref<1x10000x64xf32, #tpu.memory_space<hbm>>
        %dma_wait3A_165 = tpu.memref_squeeze %dma_wait3A_164 : memref<1x10000x64xf32, #tpu.memory_space<hbm>> -> memref<10000x64xf32, #tpu.memory_space<hbm>>
        %dma_wait3A_166 = arith.constant 0 : i32
        %dma_wait3A_167 = arith.constant 0 : i32
        %dma_wait3A_168 = tpu.memref_slice %dma_wait3A_165[%dma_wait3A_166, %dma_wait3A_167] : memref<10000x64xf32, #tpu.memory_space<hbm>> -> memref<10000x64xf32, #tpu.memory_space<hbm>>
        tpu.wait_indirect_dma semaphore(%arg17 : memref<!tpu.dma_semaphore, #tpu.memory_space<semaphore_mem>>) src(%dma_wait3A_168 : memref<10000x64xf32, #tpu.memory_space<hbm>>) dst(%arg10 : memref<128x64xf32, #tpu.memory_space<vmem>>)
        %dma_start3A = arith.constant 0 : i32
        %dma_start3A_169 = tpu.memref_slice %arg7[%sub3A_34, %dma_start3A] : memref<160x128xi32, #tpu.memory_space<vmem>> -> memref<1x128xi32, #tpu.memory_space<vmem>>
        %dma_start3A_170 = tpu.memref_squeeze %dma_start3A_169 : memref<1x128xi32, #tpu.memory_space<vmem>> -> memref<128xi32, #tpu.memory_space<vmem>>
        %dma_start3A_171 = arith.constant 0 : i32
        %dma_start3A_172 = arith.constant 0 : i32
        %dma_start3A_173 = tpu.memref_slice %arg14[%dma_start3A_171, %dma_start3A_172] : memref<10240x64xf32, #tpu.memory_space<vmem_shared>> -> memref<10240x64xf32, #tpu.memory_space<vmem_shared>>
        tpu.enqueue_indirect_dma source(%arg10 : memref<128x64xf32, #tpu.memory_space<vmem>>) target(%dma_start3A_173 : memref<10240x64xf32, #tpu.memory_space<vmem_shared>>) offsets(%dma_start3A_170 : memref<128xi32, #tpu.memory_space<vmem>>) semaphore(%arg22 : memref<!tpu.dma_semaphore, #tpu.memory_space<semaphore_mem>>) {add = true}
      } else {
      }
      %mul3A_43 = arith.constant 5 : i32
      %mul3A_44 = arith.muli %scan3A_20, %mul3A_43 : i32
      %add3A_45 = arith.constant 1 : i32
      %add3A_46 = arith.addi %mul3A_44, %add3A_45 : i32
      %ge3A_47 = arith.constant 5 : i32
      %ge3A_48 = arith.cmpi sge, %add3A_46, %ge3A_47 : i32
      %sub3A_49 = arith.constant 5 : i32
      %sub3A_50 = arith.subi %add3A_46, %sub3A_49 : i32
      %lt3A_51 = arith.constant 160 : i32
      %lt3A_52 = arith.cmpi slt, %sub3A_50, %lt3A_51 : i32
      %and3A_53 = arith.andi %ge3A_48, %lt3A_52 : i1
      %convert_element_type3A_54 = arith.extui %and3A_53 : i1 to i32
      %cond3A_55 = arith.constant 0 : i32
      %cond3A_56 = arith.cmpi ne, %convert_element_type3A_54, %cond3A_55 : i32
      scf.if %cond3A_56 {
        %dma_wait3A = arith.constant 0 : i32
        %dma_wait3A_159 = arith.constant 0 : i32
        %dma_wait3A_160 = tpu.memref_slice %arg7[%dma_wait3A, %dma_wait3A_159] : memref<160x128xi32, #tpu.memory_space<vmem>> -> memref<1x128xi32, #tpu.memory_space<vmem>>
        %dma_wait3A_161 = tpu.memref_squeeze %dma_wait3A_160 : memref<1x128xi32, #tpu.memory_space<vmem>> -> memref<128xi32, #tpu.memory_space<vmem>>
        %dma_wait3A_162 = arith.constant 0 : i32
        %dma_wait3A_163 = arith.constant 0 : i32
        %dma_wait3A_164 = tpu.memref_slice %arg14[%dma_wait3A_162, %dma_wait3A_163] : memref<10240x64xf32, #tpu.memory_space<vmem_shared>> -> memref<10240x64xf32, #tpu.memory_space<vmem_shared>>
        tpu.wait_indirect_dma semaphore(%arg21 : memref<!tpu.dma_semaphore, #tpu.memory_space<semaphore_mem>>) src(%arg9 : memref<128x64xf32, #tpu.memory_space<vmem>>) dst(%dma_wait3A_164 : memref<10240x64xf32, #tpu.memory_space<vmem_shared>>)
      } else {
      }
      %lt3A_57 = arith.constant 160 : i32
      %lt3A_58 = arith.cmpi slt, %add3A_46, %lt3A_57 : i32
      %convert_element_type3A_59 = arith.extui %lt3A_58 : i1 to i32
      %cond3A_60 = arith.constant 0 : i32
      %cond3A_61 = arith.cmpi ne, %convert_element_type3A_59, %cond3A_60 : i32
      scf.if %cond3A_61 {
        %dma_start3A = arith.constant 0 : i32
        %dma_start3A_159 = tpu.memref_slice %arg6[%add3A_46, %dma_start3A] : memref<160x128xi32, #tpu.memory_space<vmem>> -> memref<1x128xi32, #tpu.memory_space<vmem>>
        %dma_start3A_160 = tpu.memref_squeeze %dma_start3A_159 : memref<1x128xi32, #tpu.memory_space<vmem>> -> memref<128xi32, #tpu.memory_space<vmem>>
        %dma_start3A_161 = arith.constant 0 : i32
        %dma_start3A_162 = arith.constant 0 : i32
        %dma_start3A_163 = tpu.memref_slice %arg2[%arg0, %dma_start3A_161, %dma_start3A_162] : memref<2x10000x64xf32, #tpu.memory_space<hbm>> -> memref<1x10000x64xf32, #tpu.memory_space<hbm>>
        %dma_start3A_164 = tpu.memref_squeeze %dma_start3A_163 : memref<1x10000x64xf32, #tpu.memory_space<hbm>> -> memref<10000x64xf32, #tpu.memory_space<hbm>>
        %dma_start3A_165 = arith.constant 0 : i32
        %dma_start3A_166 = arith.constant 0 : i32
        %dma_start3A_167 = tpu.memref_slice %dma_start3A_164[%dma_start3A_165, %dma_start3A_166] : memref<10000x64xf32, #tpu.memory_space<hbm>> -> memref<10000x64xf32, #tpu.memory_space<hbm>>
        tpu.enqueue_indirect_dma source(%dma_start3A_167 : memref<10000x64xf32, #tpu.memory_space<hbm>>) target(%arg9 : memref<128x64xf32, #tpu.memory_space<vmem>>) offsets(%dma_start3A_160 : memref<128xi32, #tpu.memory_space<vmem>>) semaphore(%arg16 : memref<!tpu.dma_semaphore, #tpu.memory_space<semaphore_mem>>)
      } else {
      }
      %sub3A_62 = arith.constant 3 : i32
      %sub3A_63 = arith.subi %add3A_46, %sub3A_62 : i32
      %ge3A_64 = arith.constant 0 : i32
      %ge3A_65 = arith.cmpi sge, %sub3A_63, %ge3A_64 : i32
      %lt3A_66 = arith.constant 160 : i32
      %lt3A_67 = arith.cmpi slt, %sub3A_63, %lt3A_66 : i32
      %and3A_68 = arith.andi %ge3A_65, %lt3A_67 : i1
      %convert_element_type3A_69 = arith.extui %and3A_68 : i1 to i32
      %cond3A_70 = arith.constant 0 : i32
      %cond3A_71 = arith.cmpi ne, %convert_element_type3A_69, %cond3A_70 : i32
      scf.if %cond3A_71 {
        %dma_wait3A = arith.constant 0 : i32
        %dma_wait3A_159 = arith.constant 0 : i32
        %dma_wait3A_160 = tpu.memref_slice %arg6[%dma_wait3A, %dma_wait3A_159] : memref<160x128xi32, #tpu.memory_space<vmem>> -> memref<1x128xi32, #tpu.memory_space<vmem>>
        %dma_wait3A_161 = tpu.memref_squeeze %dma_wait3A_160 : memref<1x128xi32, #tpu.memory_space<vmem>> -> memref<128xi32, #tpu.memory_space<vmem>>
        %dma_wait3A_162 = arith.constant 0 : i32
        %dma_wait3A_163 = arith.constant 0 : i32
        %dma_wait3A_164 = tpu.memref_slice %arg2[%arg0, %dma_wait3A_162, %dma_wait3A_163] : memref<2x10000x64xf32, #tpu.memory_space<hbm>> -> memref<1x10000x64xf32, #tpu.memory_space<hbm>>
        %dma_wait3A_165 = tpu.memref_squeeze %dma_wait3A_164 : memref<1x10000x64xf32, #tpu.memory_space<hbm>> -> memref<10000x64xf32, #tpu.memory_space<hbm>>
        %dma_wait3A_166 = arith.constant 0 : i32
        %dma_wait3A_167 = arith.constant 0 : i32
        %dma_wait3A_168 = tpu.memref_slice %dma_wait3A_165[%dma_wait3A_166, %dma_wait3A_167] : memref<10000x64xf32, #tpu.memory_space<hbm>> -> memref<10000x64xf32, #tpu.memory_space<hbm>>
        tpu.wait_indirect_dma semaphore(%arg18 : memref<!tpu.dma_semaphore, #tpu.memory_space<semaphore_mem>>) src(%dma_wait3A_168 : memref<10000x64xf32, #tpu.memory_space<hbm>>) dst(%arg11 : memref<128x64xf32, #tpu.memory_space<vmem>>)
        %dma_start3A = arith.constant 0 : i32
        %dma_start3A_169 = tpu.memref_slice %arg7[%sub3A_63, %dma_start3A] : memref<160x128xi32, #tpu.memory_space<vmem>> -> memref<1x128xi32, #tpu.memory_space<vmem>>
        %dma_start3A_170 = tpu.memref_squeeze %dma_start3A_169 : memref<1x128xi32, #tpu.memory_space<vmem>> -> memref<128xi32, #tpu.memory_space<vmem>>
        %dma_start3A_171 = arith.constant 0 : i32
        %dma_start3A_172 = arith.constant 0 : i32
        %dma_start3A_173 = tpu.memref_slice %arg14[%dma_start3A_171, %dma_start3A_172] : memref<10240x64xf32, #tpu.memory_space<vmem_shared>> -> memref<10240x64xf32, #tpu.memory_space<vmem_shared>>
        tpu.enqueue_indirect_dma source(%arg11 : memref<128x64xf32, #tpu.memory_space<vmem>>) target(%dma_start3A_173 : memref<10240x64xf32, #tpu.memory_space<vmem_shared>>) offsets(%dma_start3A_170 : memref<128xi32, #tpu.memory_space<vmem>>) semaphore(%arg23 : memref<!tpu.dma_semaphore, #tpu.memory_space<semaphore_mem>>) {add = true}
      } else {
      }
      %mul3A_72 = arith.constant 5 : i32
      %mul3A_73 = arith.muli %scan3A_20, %mul3A_72 : i32
      %add3A_74 = arith.constant 2 : i32
      %add3A_75 = arith.addi %mul3A_73, %add3A_74 : i32
      %ge3A_76 = arith.constant 5 : i32
      %ge3A_77 = arith.cmpi sge, %add3A_75, %ge3A_76 : i32
      %sub3A_78 = arith.constant 5 : i32
      %sub3A_79 = arith.subi %add3A_75, %sub3A_78 : i32
      %lt3A_80 = arith.constant 160 : i32
      %lt3A_81 = arith.cmpi slt, %sub3A_79, %lt3A_80 : i32
      %and3A_82 = arith.andi %ge3A_77, %lt3A_81 : i1
      %convert_element_type3A_83 = arith.extui %and3A_82 : i1 to i32
      %cond3A_84 = arith.constant 0 : i32
      %cond3A_85 = arith.cmpi ne, %convert_element_type3A_83, %cond3A_84 : i32
      scf.if %cond3A_85 {
        %dma_wait3A = arith.constant 0 : i32
        %dma_wait3A_159 = arith.constant 0 : i32
        %dma_wait3A_160 = tpu.memref_slice %arg7[%dma_wait3A, %dma_wait3A_159] : memref<160x128xi32, #tpu.memory_space<vmem>> -> memref<1x128xi32, #tpu.memory_space<vmem>>
        %dma_wait3A_161 = tpu.memref_squeeze %dma_wait3A_160 : memref<1x128xi32, #tpu.memory_space<vmem>> -> memref<128xi32, #tpu.memory_space<vmem>>
        %dma_wait3A_162 = arith.constant 0 : i32
        %dma_wait3A_163 = arith.constant 0 : i32
        %dma_wait3A_164 = tpu.memref_slice %arg14[%dma_wait3A_162, %dma_wait3A_163] : memref<10240x64xf32, #tpu.memory_space<vmem_shared>> -> memref<10240x64xf32, #tpu.memory_space<vmem_shared>>
        tpu.wait_indirect_dma semaphore(%arg22 : memref<!tpu.dma_semaphore, #tpu.memory_space<semaphore_mem>>) src(%arg10 : memref<128x64xf32, #tpu.memory_space<vmem>>) dst(%dma_wait3A_164 : memref<10240x64xf32, #tpu.memory_space<vmem_shared>>)
      } else {
      }
      %lt3A_86 = arith.constant 160 : i32
      %lt3A_87 = arith.cmpi slt, %add3A_75, %lt3A_86 : i32
      %convert_element_type3A_88 = arith.extui %lt3A_87 : i1 to i32
      %cond3A_89 = arith.constant 0 : i32
      %cond3A_90 = arith.cmpi ne, %convert_element_type3A_88, %cond3A_89 : i32
      scf.if %cond3A_90 {
        %dma_start3A = arith.constant 0 : i32
        %dma_start3A_159 = tpu.memref_slice %arg6[%add3A_75, %dma_start3A] : memref<160x128xi32, #tpu.memory_space<vmem>> -> memref<1x128xi32, #tpu.memory_space<vmem>>
        %dma_start3A_160 = tpu.memref_squeeze %dma_start3A_159 : memref<1x128xi32, #tpu.memory_space<vmem>> -> memref<128xi32, #tpu.memory_space<vmem>>
        %dma_start3A_161 = arith.constant 0 : i32
        %dma_start3A_162 = arith.constant 0 : i32
        %dma_start3A_163 = tpu.memref_slice %arg2[%arg0, %dma_start3A_161, %dma_start3A_162] : memref<2x10000x64xf32, #tpu.memory_space<hbm>> -> memref<1x10000x64xf32, #tpu.memory_space<hbm>>
        %dma_start3A_164 = tpu.memref_squeeze %dma_start3A_163 : memref<1x10000x64xf32, #tpu.memory_space<hbm>> -> memref<10000x64xf32, #tpu.memory_space<hbm>>
        %dma_start3A_165 = arith.constant 0 : i32
        %dma_start3A_166 = arith.constant 0 : i32
        %dma_start3A_167 = tpu.memref_slice %dma_start3A_164[%dma_start3A_165, %dma_start3A_166] : memref<10000x64xf32, #tpu.memory_space<hbm>> -> memref<10000x64xf32, #tpu.memory_space<hbm>>
        tpu.enqueue_indirect_dma source(%dma_start3A_167 : memref<10000x64xf32, #tpu.memory_space<hbm>>) target(%arg10 : memref<128x64xf32, #tpu.memory_space<vmem>>) offsets(%dma_start3A_160 : memref<128xi32, #tpu.memory_space<vmem>>) semaphore(%arg17 : memref<!tpu.dma_semaphore, #tpu.memory_space<semaphore_mem>>)
      } else {
      }
      %sub3A_91 = arith.constant 3 : i32
      %sub3A_92 = arith.subi %add3A_75, %sub3A_91 : i32
      %ge3A_93 = arith.constant 0 : i32
      %ge3A_94 = arith.cmpi sge, %sub3A_92, %ge3A_93 : i32
      %lt3A_95 = arith.constant 160 : i32
      %lt3A_96 = arith.cmpi slt, %sub3A_92, %lt3A_95 : i32
      %and3A_97 = arith.andi %ge3A_94, %lt3A_96 : i1
      %convert_element_type3A_98 = arith.extui %and3A_97 : i1 to i32
      %cond3A_99 = arith.constant 0 : i32
      %cond3A_100 = arith.cmpi ne, %convert_element_type3A_98, %cond3A_99 : i32
      scf.if %cond3A_100 {
        %dma_wait3A = arith.constant 0 : i32
        %dma_wait3A_159 = arith.constant 0 : i32
        %dma_wait3A_160 = tpu.memref_slice %arg6[%dma_wait3A, %dma_wait3A_159] : memref<160x128xi32, #tpu.memory_space<vmem>> -> memref<1x128xi32, #tpu.memory_space<vmem>>
        %dma_wait3A_161 = tpu.memref_squeeze %dma_wait3A_160 : memref<1x128xi32, #tpu.memory_space<vmem>> -> memref<128xi32, #tpu.memory_space<vmem>>
        %dma_wait3A_162 = arith.constant 0 : i32
        %dma_wait3A_163 = arith.constant 0 : i32
        %dma_wait3A_164 = tpu.memref_slice %arg2[%arg0, %dma_wait3A_162, %dma_wait3A_163] : memref<2x10000x64xf32, #tpu.memory_space<hbm>> -> memref<1x10000x64xf32, #tpu.memory_space<hbm>>
        %dma_wait3A_165 = tpu.memref_squeeze %dma_wait3A_164 : memref<1x10000x64xf32, #tpu.memory_space<hbm>> -> memref<10000x64xf32, #tpu.memory_space<hbm>>
        %dma_wait3A_166 = arith.constant 0 : i32
        %dma_wait3A_167 = arith.constant 0 : i32
        %dma_wait3A_168 = tpu.memref_slice %dma_wait3A_165[%dma_wait3A_166, %dma_wait3A_167] : memref<10000x64xf32, #tpu.memory_space<hbm>> -> memref<10000x64xf32, #tpu.memory_space<hbm>>
        tpu.wait_indirect_dma semaphore(%arg19 : memref<!tpu.dma_semaphore, #tpu.memory_space<semaphore_mem>>) src(%dma_wait3A_168 : memref<10000x64xf32, #tpu.memory_space<hbm>>) dst(%arg12 : memref<128x64xf32, #tpu.memory_space<vmem>>)
        %dma_start3A = arith.constant 0 : i32
        %dma_start3A_169 = tpu.memref_slice %arg7[%sub3A_92, %dma_start3A] : memref<160x128xi32, #tpu.memory_space<vmem>> -> memref<1x128xi32, #tpu.memory_space<vmem>>
        %dma_start3A_170 = tpu.memref_squeeze %dma_start3A_169 : memref<1x128xi32, #tpu.memory_space<vmem>> -> memref<128xi32, #tpu.memory_space<vmem>>
        %dma_start3A_171 = arith.constant 0 : i32
        %dma_start3A_172 = arith.constant 0 : i32
        %dma_start3A_173 = tpu.memref_slice %arg14[%dma_start3A_171, %dma_start3A_172] : memref<10240x64xf32, #tpu.memory_space<vmem_shared>> -> memref<10240x64xf32, #tpu.memory_space<vmem_shared>>
        tpu.enqueue_indirect_dma source(%arg12 : memref<128x64xf32, #tpu.memory_space<vmem>>) target(%dma_start3A_173 : memref<10240x64xf32, #tpu.memory_space<vmem_shared>>) offsets(%dma_start3A_170 : memref<128xi32, #tpu.memory_space<vmem>>) semaphore(%arg24 : memref<!tpu.dma_semaphore, #tpu.memory_space<semaphore_mem>>) {add = true}
      } else {
      }
      %mul3A_101 = arith.constant 5 : i32
      %mul3A_102 = arith.muli %scan3A_20, %mul3A_101 : i32
      %add3A_103 = arith.constant 3 : i32
      %add3A_104 = arith.addi %mul3A_102, %add3A_103 : i32
      %ge3A_105 = arith.constant 5 : i32
      %ge3A_106 = arith.cmpi sge, %add3A_104, %ge3A_105 : i32
      %sub3A_107 = arith.constant 5 : i32
      %sub3A_108 = arith.subi %add3A_104, %sub3A_107 : i32
      %lt3A_109 = arith.constant 160 : i32
      %lt3A_110 = arith.cmpi slt, %sub3A_108, %lt3A_109 : i32
      %and3A_111 = arith.andi %ge3A_106, %lt3A_110 : i1
      %convert_element_type3A_112 = arith.extui %and3A_111 : i1 to i32
      %cond3A_113 = arith.constant 0 : i32
      %cond3A_114 = arith.cmpi ne, %convert_element_type3A_112, %cond3A_113 : i32
      scf.if %cond3A_114 {
        %dma_wait3A = arith.constant 0 : i32
        %dma_wait3A_159 = arith.constant 0 : i32
        %dma_wait3A_160 = tpu.memref_slice %arg7[%dma_wait3A, %dma_wait3A_159] : memref<160x128xi32, #tpu.memory_space<vmem>> -> memref<1x128xi32, #tpu.memory_space<vmem>>
        %dma_wait3A_161 = tpu.memref_squeeze %dma_wait3A_160 : memref<1x128xi32, #tpu.memory_space<vmem>> -> memref<128xi32, #tpu.memory_space<vmem>>
        %dma_wait3A_162 = arith.constant 0 : i32
        %dma_wait3A_163 = arith.constant 0 : i32
        %dma_wait3A_164 = tpu.memref_slice %arg14[%dma_wait3A_162, %dma_wait3A_163] : memref<10240x64xf32, #tpu.memory_space<vmem_shared>> -> memref<10240x64xf32, #tpu.memory_space<vmem_shared>>
        tpu.wait_indirect_dma semaphore(%arg23 : memref<!tpu.dma_semaphore, #tpu.memory_space<semaphore_mem>>) src(%arg11 : memref<128x64xf32, #tpu.memory_space<vmem>>) dst(%dma_wait3A_164 : memref<10240x64xf32, #tpu.memory_space<vmem_shared>>)
      } else {
      }
      %lt3A_115 = arith.constant 160 : i32
      %lt3A_116 = arith.cmpi slt, %add3A_104, %lt3A_115 : i32
      %convert_element_type3A_117 = arith.extui %lt3A_116 : i1 to i32
      %cond3A_118 = arith.constant 0 : i32
      %cond3A_119 = arith.cmpi ne, %convert_element_type3A_117, %cond3A_118 : i32
      scf.if %cond3A_119 {
        %dma_start3A = arith.constant 0 : i32
        %dma_start3A_159 = tpu.memref_slice %arg6[%add3A_104, %dma_start3A] : memref<160x128xi32, #tpu.memory_space<vmem>> -> memref<1x128xi32, #tpu.memory_space<vmem>>
        %dma_start3A_160 = tpu.memref_squeeze %dma_start3A_159 : memref<1x128xi32, #tpu.memory_space<vmem>> -> memref<128xi32, #tpu.memory_space<vmem>>
        %dma_start3A_161 = arith.constant 0 : i32
        %dma_start3A_162 = arith.constant 0 : i32
        %dma_start3A_163 = tpu.memref_slice %arg2[%arg0, %dma_start3A_161, %dma_start3A_162] : memref<2x10000x64xf32, #tpu.memory_space<hbm>> -> memref<1x10000x64xf32, #tpu.memory_space<hbm>>
        %dma_start3A_164 = tpu.memref_squeeze %dma_start3A_163 : memref<1x10000x64xf32, #tpu.memory_space<hbm>> -> memref<10000x64xf32, #tpu.memory_space<hbm>>
        %dma_start3A_165 = arith.constant 0 : i32
        %dma_start3A_166 = arith.constant 0 : i32
        %dma_start3A_167 = tpu.memref_slice %dma_start3A_164[%dma_start3A_165, %dma_start3A_166] : memref<10000x64xf32, #tpu.memory_space<hbm>> -> memref<10000x64xf32, #tpu.memory_space<hbm>>
        tpu.enqueue_indirect_dma source(%dma_start3A_167 : memref<10000x64xf32, #tpu.memory_space<hbm>>) target(%arg11 : memref<128x64xf32, #tpu.memory_space<vmem>>) offsets(%dma_start3A_160 : memref<128xi32, #tpu.memory_space<vmem>>) semaphore(%arg18 : memref<!tpu.dma_semaphore, #tpu.memory_space<semaphore_mem>>)
      } else {
      }
      %sub3A_120 = arith.constant 3 : i32
      %sub3A_121 = arith.subi %add3A_104, %sub3A_120 : i32
      %ge3A_122 = arith.constant 0 : i32
      %ge3A_123 = arith.cmpi sge, %sub3A_121, %ge3A_122 : i32
      %lt3A_124 = arith.constant 160 : i32
      %lt3A_125 = arith.cmpi slt, %sub3A_121, %lt3A_124 : i32
      %and3A_126 = arith.andi %ge3A_123, %lt3A_125 : i1
      %convert_element_type3A_127 = arith.extui %and3A_126 : i1 to i32
      %cond3A_128 = arith.constant 0 : i32
      %cond3A_129 = arith.cmpi ne, %convert_element_type3A_127, %cond3A_128 : i32
      scf.if %cond3A_129 {
        %dma_wait3A = arith.constant 0 : i32
        %dma_wait3A_159 = arith.constant 0 : i32
        %dma_wait3A_160 = tpu.memref_slice %arg6[%dma_wait3A, %dma_wait3A_159] : memref<160x128xi32, #tpu.memory_space<vmem>> -> memref<1x128xi32, #tpu.memory_space<vmem>>
        %dma_wait3A_161 = tpu.memref_squeeze %dma_wait3A_160 : memref<1x128xi32, #tpu.memory_space<vmem>> -> memref<128xi32, #tpu.memory_space<vmem>>
        %dma_wait3A_162 = arith.constant 0 : i32
        %dma_wait3A_163 = arith.constant 0 : i32
        %dma_wait3A_164 = tpu.memref_slice %arg2[%arg0, %dma_wait3A_162, %dma_wait3A_163] : memref<2x10000x64xf32, #tpu.memory_space<hbm>> -> memref<1x10000x64xf32, #tpu.memory_space<hbm>>
        %dma_wait3A_165 = tpu.memref_squeeze %dma_wait3A_164 : memref<1x10000x64xf32, #tpu.memory_space<hbm>> -> memref<10000x64xf32, #tpu.memory_space<hbm>>
        %dma_wait3A_166 = arith.constant 0 : i32
        %dma_wait3A_167 = arith.constant 0 : i32
        %dma_wait3A_168 = tpu.memref_slice %dma_wait3A_165[%dma_wait3A_166, %dma_wait3A_167] : memref<10000x64xf32, #tpu.memory_space<hbm>> -> memref<10000x64xf32, #tpu.memory_space<hbm>>
        tpu.wait_indirect_dma semaphore(%arg15 : memref<!tpu.dma_semaphore, #tpu.memory_space<semaphore_mem>>) src(%dma_wait3A_168 : memref<10000x64xf32, #tpu.memory_space<hbm>>) dst(%arg8 : memref<128x64xf32, #tpu.memory_space<vmem>>)
        %dma_start3A = arith.constant 0 : i32
        %dma_start3A_169 = tpu.memref_slice %arg7[%sub3A_121, %dma_start3A] : memref<160x128xi32, #tpu.memory_space<vmem>> -> memref<1x128xi32, #tpu.memory_space<vmem>>
        %dma_start3A_170 = tpu.memref_squeeze %dma_start3A_169 : memref<1x128xi32, #tpu.memory_space<vmem>> -> memref<128xi32, #tpu.memory_space<vmem>>
        %dma_start3A_171 = arith.constant 0 : i32
        %dma_start3A_172 = arith.constant 0 : i32
        %dma_start3A_173 = tpu.memref_slice %arg14[%dma_start3A_171, %dma_start3A_172] : memref<10240x64xf32, #tpu.memory_space<vmem_shared>> -> memref<10240x64xf32, #tpu.memory_space<vmem_shared>>
        tpu.enqueue_indirect_dma source(%arg8 : memref<128x64xf32, #tpu.memory_space<vmem>>) target(%dma_start3A_173 : memref<10240x64xf32, #tpu.memory_space<vmem_shared>>) offsets(%dma_start3A_170 : memref<128xi32, #tpu.memory_space<vmem>>) semaphore(%arg20 : memref<!tpu.dma_semaphore, #tpu.memory_space<semaphore_mem>>) {add = true}
      } else {
      }
      %mul3A_130 = arith.constant 5 : i32
      %mul3A_131 = arith.muli %scan3A_20, %mul3A_130 : i32
      %add3A_132 = arith.constant 4 : i32
      %add3A_133 = arith.addi %mul3A_131, %add3A_132 : i32
      %ge3A_134 = arith.constant 5 : i32
      %ge3A_135 = arith.cmpi sge, %add3A_133, %ge3A_134 : i32
      %sub3A_136 = arith.constant 5 : i32
      %sub3A_137 = arith.subi %add3A_133, %sub3A_136 : i32
      %lt3A_138 = arith.constant 160 : i32
      %lt3A_139 = arith.cmpi slt, %sub3A_137, %lt3A_138 : i32
      %and3A_140 = arith.andi %ge3A_135, %lt3A_139 : i1
      %convert_element_type3A_141 = arith.extui %and3A_140 : i1 to i32
      %cond3A_142 = arith.constant 0 : i32
      %cond3A_143 = arith.cmpi ne, %convert_element_type3A_141, %cond3A_142 : i32
      scf.if %cond3A_143 {
        %dma_wait3A = arith.constant 0 : i32
        %dma_wait3A_159 = arith.constant 0 : i32
        %dma_wait3A_160 = tpu.memref_slice %arg7[%dma_wait3A, %dma_wait3A_159] : memref<160x128xi32, #tpu.memory_space<vmem>> -> memref<1x128xi32, #tpu.memory_space<vmem>>
        %dma_wait3A_161 = tpu.memref_squeeze %dma_wait3A_160 : memref<1x128xi32, #tpu.memory_space<vmem>> -> memref<128xi32, #tpu.memory_space<vmem>>
        %dma_wait3A_162 = arith.constant 0 : i32
        %dma_wait3A_163 = arith.constant 0 : i32
        %dma_wait3A_164 = tpu.memref_slice %arg14[%dma_wait3A_162, %dma_wait3A_163] : memref<10240x64xf32, #tpu.memory_space<vmem_shared>> -> memref<10240x64xf32, #tpu.memory_space<vmem_shared>>
        tpu.wait_indirect_dma semaphore(%arg24 : memref<!tpu.dma_semaphore, #tpu.memory_space<semaphore_mem>>) src(%arg12 : memref<128x64xf32, #tpu.memory_space<vmem>>) dst(%dma_wait3A_164 : memref<10240x64xf32, #tpu.memory_space<vmem_shared>>)
      } else {
      }
      %lt3A_144 = arith.constant 160 : i32
      %lt3A_145 = arith.cmpi slt, %add3A_133, %lt3A_144 : i32
      %convert_element_type3A_146 = arith.extui %lt3A_145 : i1 to i32
      %cond3A_147 = arith.constant 0 : i32
      %cond3A_148 = arith.cmpi ne, %convert_element_type3A_146, %cond3A_147 : i32
      scf.if %cond3A_148 {
        %dma_start3A = arith.constant 0 : i32
        %dma_start3A_159 = tpu.memref_slice %arg6[%add3A_133, %dma_start3A] : memref<160x128xi32, #tpu.memory_space<vmem>> -> memref<1x128xi32, #tpu.memory_space<vmem>>
        %dma_start3A_160 = tpu.memref_squeeze %dma_start3A_159 : memref<1x128xi32, #tpu.memory_space<vmem>> -> memref<128xi32, #tpu.memory_space<vmem>>
        %dma_start3A_161 = arith.constant 0 : i32
        %dma_start3A_162 = arith.constant 0 : i32
        %dma_start3A_163 = tpu.memref_slice %arg2[%arg0, %dma_start3A_161, %dma_start3A_162] : memref<2x10000x64xf32, #tpu.memory_space<hbm>> -> memref<1x10000x64xf32, #tpu.memory_space<hbm>>
        %dma_start3A_164 = tpu.memref_squeeze %dma_start3A_163 : memref<1x10000x64xf32, #tpu.memory_space<hbm>> -> memref<10000x64xf32, #tpu.memory_space<hbm>>
        %dma_start3A_165 = arith.constant 0 : i32
        %dma_start3A_166 = arith.constant 0 : i32
        %dma_start3A_167 = tpu.memref_slice %dma_start3A_164[%dma_start3A_165, %dma_start3A_166] : memref<10000x64xf32, #tpu.memory_space<hbm>> -> memref<10000x64xf32, #tpu.memory_space<hbm>>
        tpu.enqueue_indirect_dma source(%dma_start3A_167 : memref<10000x64xf32, #tpu.memory_space<hbm>>) target(%arg12 : memref<128x64xf32, #tpu.memory_space<vmem>>) offsets(%dma_start3A_160 : memref<128xi32, #tpu.memory_space<vmem>>) semaphore(%arg19 : memref<!tpu.dma_semaphore, #tpu.memory_space<semaphore_mem>>)
      } else {
      }
      %sub3A_149 = arith.constant 3 : i32
      %sub3A_150 = arith.subi %add3A_133, %sub3A_149 : i32
      %ge3A_151 = arith.constant 0 : i32
      %ge3A_152 = arith.cmpi sge, %sub3A_150, %ge3A_151 : i32
      %lt3A_153 = arith.constant 160 : i32
      %lt3A_154 = arith.cmpi slt, %sub3A_150, %lt3A_153 : i32
      %and3A_155 = arith.andi %ge3A_152, %lt3A_154 : i1
      %convert_element_type3A_156 = arith.extui %and3A_155 : i1 to i32
      %cond3A_157 = arith.constant 0 : i32
      %cond3A_158 = arith.cmpi ne, %convert_element_type3A_156, %cond3A_157 : i32
      scf.if %cond3A_158 {
        %dma_wait3A = arith.constant 0 : i32
        %dma_wait3A_159 = arith.constant 0 : i32
        %dma_wait3A_160 = tpu.memref_slice %arg6[%dma_wait3A, %dma_wait3A_159] : memref<160x128xi32, #tpu.memory_space<vmem>> -> memref<1x128xi32, #tpu.memory_space<vmem>>
        %dma_wait3A_161 = tpu.memref_squeeze %dma_wait3A_160 : memref<1x128xi32, #tpu.memory_space<vmem>> -> memref<128xi32, #tpu.memory_space<vmem>>
        %dma_wait3A_162 = arith.constant 0 : i32
        %dma_wait3A_163 = arith.constant 0 : i32
        %dma_wait3A_164 = tpu.memref_slice %arg2[%arg0, %dma_wait3A_162, %dma_wait3A_163] : memref<2x10000x64xf32, #tpu.memory_space<hbm>> -> memref<1x10000x64xf32, #tpu.memory_space<hbm>>
        %dma_wait3A_165 = tpu.memref_squeeze %dma_wait3A_164 : memref<1x10000x64xf32, #tpu.memory_space<hbm>> -> memref<10000x64xf32, #tpu.memory_space<hbm>>
        %dma_wait3A_166 = arith.constant 0 : i32
        %dma_wait3A_167 = arith.constant 0 : i32
        %dma_wait3A_168 = tpu.memref_slice %dma_wait3A_165[%dma_wait3A_166, %dma_wait3A_167] : memref<10000x64xf32, #tpu.memory_space<hbm>> -> memref<10000x64xf32, #tpu.memory_space<hbm>>
        tpu.wait_indirect_dma semaphore(%arg16 : memref<!tpu.dma_semaphore, #tpu.memory_space<semaphore_mem>>) src(%dma_wait3A_168 : memref<10000x64xf32, #tpu.memory_space<hbm>>) dst(%arg9 : memref<128x64xf32, #tpu.memory_space<vmem>>)
        %dma_start3A = arith.constant 0 : i32
        %dma_start3A_169 = tpu.memref_slice %arg7[%sub3A_150, %dma_start3A] : memref<160x128xi32, #tpu.memory_space<vmem>> -> memref<1x128xi32, #tpu.memory_space<vmem>>
        %dma_start3A_170 = tpu.memref_squeeze %dma_start3A_169 : memref<1x128xi32, #tpu.memory_space<vmem>> -> memref<128xi32, #tpu.memory_space<vmem>>
        %dma_start3A_171 = arith.constant 0 : i32
        %dma_start3A_172 = arith.constant 0 : i32
        %dma_start3A_173 = tpu.memref_slice %arg14[%dma_start3A_171, %dma_start3A_172] : memref<10240x64xf32, #tpu.memory_space<vmem_shared>> -> memref<10240x64xf32, #tpu.memory_space<vmem_shared>>
        tpu.enqueue_indirect_dma source(%arg9 : memref<128x64xf32, #tpu.memory_space<vmem>>) target(%dma_start3A_173 : memref<10240x64xf32, #tpu.memory_space<vmem_shared>>) offsets(%dma_start3A_170 : memref<128xi32, #tpu.memory_space<vmem>>) semaphore(%arg21 : memref<!tpu.dma_semaphore, #tpu.memory_space<semaphore_mem>>) {add = true}
      } else {
      }
    }
    %scan3A_18 = arith.constant 33 : i32
    %barrier3A_19 = arith.constant 0 : index
    tpu.barrier barrier_id(%barrier3A_19)
    "tpu.region"() ({
      %run_scoped3A = tpu.sem_alloc : memref<!tpu.dma_semaphore, #tpu.memory_space<semaphore_mem>>
      %dma_start3A = arith.constant 0 : i32
      %dma_start3A_20 = tpu.memref_slice %arg5[%arg0, %mul3A_6, %dma_start3A] : memref<2x10240x64xf32, #tpu.memory_space<hbm>> -> memref<1x640x64xf32, #tpu.memory_space<hbm>>
      %dma_start3A_21 = tpu.memref_squeeze %dma_start3A_20 : memref<1x640x64xf32, #tpu.memory_space<hbm>> -> memref<640x64xf32, #tpu.memory_space<hbm>>
      %dma_start3A_22 = arith.constant 0 : i32
      %dma_start3A_23 = tpu.memref_slice %arg14[%mul3A_6, %dma_start3A_22] : memref<10240x64xf32, #tpu.memory_space<vmem_shared>> -> memref<640x64xf32, #tpu.memory_space<vmem_shared>>
      tpu.enqueue_dma source(%dma_start3A_23 : memref<640x64xf32, #tpu.memory_space<vmem_shared>>) target(%dma_start3A_21 : memref<640x64xf32, #tpu.memory_space<hbm>>) target_semaphore(%run_scoped3A : memref<!tpu.dma_semaphore, #tpu.memory_space<semaphore_mem>>)
      %dma_wait3A = arith.constant 0 : i32
      %dma_wait3A_24 = tpu.memref_slice %arg5[%arg0, %mul3A_6, %dma_wait3A] : memref<2x10240x64xf32, #tpu.memory_space<hbm>> -> memref<1x640x64xf32, #tpu.memory_space<hbm>>
      %dma_wait3A_25 = tpu.memref_squeeze %dma_wait3A_24 : memref<1x640x64xf32, #tpu.memory_space<hbm>> -> memref<640x64xf32, #tpu.memory_space<hbm>>
      %dma_wait3A_26 = arith.constant 0 : i32
      %dma_wait3A_27 = tpu.memref_slice %arg14[%mul3A_6, %dma_wait3A_26] : memref<10240x64xf32, #tpu.memory_space<vmem_shared>> -> memref<640x64xf32, #tpu.memory_space<vmem_shared>>
      tpu.wait_dma2 semaphore(%run_scoped3A : memref<!tpu.dma_semaphore, #tpu.memory_space<semaphore_mem>>) src(%dma_wait3A_27 : memref<640x64xf32, #tpu.memory_space<vmem_shared>>) dst(%dma_wait3A_25 : memref<640x64xf32, #tpu.memory_space<hbm>>)
      tpu.yield
    }) : () -> ()
    return
  }
}

#map = affine_map<(d0, d1) -> (0, 0, 0)>
module attributes {stable_mosaic.version = 14 : i64} {
  func.func @_sc_prop(%arg0: i32, %arg1: i32, %arg2: memref<2x10000x64xf32, #tpu.memory_space<hbm>>, %arg3: memref<16x160x128xi32, #tpu.memory_space<hbm>>, %arg4: memref<16x160x128xi32, #tpu.memory_space<hbm>>, %arg5: memref<2x10240x64xf32, #tpu.memory_space<hbm>>, %arg6: memref<160x128xi32, #tpu.memory_space<vmem>>, %arg7: memref<160x128xi32, #tpu.memory_space<vmem>>, %arg8: memref<128x64xf32, #tpu.memory_space<vmem>>, %arg9: memref<128x64xf32, #tpu.memory_space<vmem>>, %arg10: memref<128x64xf32, #tpu.memory_space<vmem>>, %arg11: memref<128x64xf32, #tpu.memory_space<vmem>>, %arg12: memref<128x64xf32, #tpu.memory_space<vmem>>, %arg13: memref<32x64xf32, #tpu.memory_space<vmem>>, %arg14: memref<10240x64xf32, #tpu.memory_space<vmem_shared>>, %arg15: memref<!tpu.dma_semaphore, #tpu.memory_space<semaphore_mem>>, %arg16: memref<!tpu.dma_semaphore, #tpu.memory_space<semaphore_mem>>, %arg17: memref<!tpu.dma_semaphore, #tpu.memory_space<semaphore_mem>>, %arg18: memref<!tpu.dma_semaphore, #tpu.memory_space<semaphore_mem>>, %arg19: memref<!tpu.dma_semaphore, #tpu.memory_space<semaphore_mem>>, %arg20: memref<!tpu.dma_semaphore, #tpu.memory_space<semaphore_mem>>, %arg21: memref<!tpu.dma_semaphore, #tpu.memory_space<semaphore_mem>>, %arg22: memref<!tpu.dma_semaphore, #tpu.memory_space<semaphore_mem>>, %arg23: memref<!tpu.dma_semaphore, #tpu.memory_space<semaphore_mem>>, %arg24: memref<!tpu.dma_semaphore, #tpu.memory_space<semaphore_mem>>) attributes {dimension_semantics = [#tpu.dimension_semantics<core_parallel>, #tpu.dimension_semantics<subcore_parallel>], iteration_bounds = array<i64: 2, 16>, scalar_prefetch = 0 : i64, scratch_operands = 19 : i64, tpu.core_type = #tpu.core_type<sc_vector_subcore>, window_params = [{transform_indices = #map}, {transform_indices = #map}, {transform_indices = #map}, {transform_indices = #map}]} {
    "tpu.region"() ({
      %run_scoped3A = tpu.sem_alloc : memref<!tpu.dma_semaphore, #tpu.memory_space<semaphore_mem>>
      %dma_start3A = arith.constant 0 : i32
      %dma_start3A_20 = arith.constant 0 : i32
      %dma_start3A_21 = tpu.memref_slice %arg3[%arg1, %dma_start3A, %dma_start3A_20] : memref<16x160x128xi32, #tpu.memory_space<hbm>> -> memref<1x160x128xi32, #tpu.memory_space<hbm>>
      %dma_start3A_22 = tpu.memref_squeeze %dma_start3A_21 : memref<1x160x128xi32, #tpu.memory_space<hbm>> -> memref<160x128xi32, #tpu.memory_space<hbm>>
      %dma_start3A_23 = arith.constant 0 : i32
      %dma_start3A_24 = arith.constant 0 : i32
      %dma_start3A_25 = tpu.memref_slice %arg3[%arg1, %dma_start3A_23, %dma_start3A_24] : memref<16x160x128xi32, #tpu.memory_space<hbm>> -> memref<1x160x128xi32, #tpu.memory_space<hbm>>
      %dma_start3A_26 = tpu.memref_squeeze %dma_start3A_25 : memref<1x160x128xi32, #tpu.memory_space<hbm>> -> memref<160x128xi32, #tpu.memory_space<hbm>>
      tpu.enqueue_dma source(%dma_start3A_26 : memref<160x128xi32, #tpu.memory_space<hbm>>) target(%arg6 : memref<160x128xi32, #tpu.memory_space<vmem>>) target_semaphore(%run_scoped3A : memref<!tpu.dma_semaphore, #tpu.memory_space<semaphore_mem>>)
      %dma_wait3A = arith.constant 0 : i32
      %dma_wait3A_27 = arith.constant 0 : i32
      %dma_wait3A_28 = tpu.memref_slice %arg3[%arg1, %dma_wait3A, %dma_wait3A_27] : memref<16x160x128xi32, #tpu.memory_space<hbm>> -> memref<1x160x128xi32, #tpu.memory_space<hbm>>
      %dma_wait3A_29 = tpu.memref_squeeze %dma_wait3A_28 : memref<1x160x128xi32, #tpu.memory_space<hbm>> -> memref<160x128xi32, #tpu.memory_space<hbm>>
      %dma_wait3A_30 = arith.constant 0 : i32
      %dma_wait3A_31 = arith.constant 0 : i32
      %dma_wait3A_32 = tpu.memref_slice %arg3[%arg1, %dma_wait3A_30, %dma_wait3A_31] : memref<16x160x128xi32, #tpu.memory_space<hbm>> -> memref<1x160x128xi32, #tpu.memory_space<hbm>>
      %dma_wait3A_33 = tpu.memref_squeeze %dma_wait3A_32 : memref<1x160x128xi32, #tpu.memory_space<hbm>> -> memref<160x128xi32, #tpu.memory_space<hbm>>
      tpu.wait_dma2 semaphore(%run_scoped3A : memref<!tpu.dma_semaphore, #tpu.memory_space<semaphore_mem>>) src(%dma_wait3A_33 : memref<160x128xi32, #tpu.memory_space<hbm>>) dst(%arg6 : memref<160x128xi32, #tpu.memory_space<vmem>>)
      tpu.yield
    }) : () -> ()
    "tpu.region"() ({
      %run_scoped3A = tpu.sem_alloc : memref<!tpu.dma_semaphore, #tpu.memory_space<semaphore_mem>>
      %dma_start3A = arith.constant 0 : i32
      %dma_start3A_20 = arith.constant 0 : i32
      %dma_start3A_21 = tpu.memref_slice %arg4[%arg1, %dma_start3A, %dma_start3A_20] : memref<16x160x128xi32, #tpu.memory_space<hbm>> -> memref<1x160x128xi32, #tpu.memory_space<hbm>>
      %dma_start3A_22 = tpu.memref_squeeze %dma_start3A_21 : memref<1x160x128xi32, #tpu.memory_space<hbm>> -> memref<160x128xi32, #tpu.memory_space<hbm>>
      %dma_start3A_23 = arith.constant 0 : i32
      %dma_start3A_24 = arith.constant 0 : i32
      %dma_start3A_25 = tpu.memref_slice %arg4[%arg1, %dma_start3A_23, %dma_start3A_24] : memref<16x160x128xi32, #tpu.memory_space<hbm>> -> memref<1x160x128xi32, #tpu.memory_space<hbm>>
      %dma_start3A_26 = tpu.memref_squeeze %dma_start3A_25 : memref<1x160x128xi32, #tpu.memory_space<hbm>> -> memref<160x128xi32, #tpu.memory_space<hbm>>
      tpu.enqueue_dma source(%dma_start3A_26 : memref<160x128xi32, #tpu.memory_space<hbm>>) target(%arg7 : memref<160x128xi32, #tpu.memory_space<vmem>>) target_semaphore(%run_scoped3A : memref<!tpu.dma_semaphore, #tpu.memory_space<semaphore_mem>>)
      %dma_wait3A = arith.constant 0 : i32
      %dma_wait3A_27 = arith.constant 0 : i32
      %dma_wait3A_28 = tpu.memref_slice %arg4[%arg1, %dma_wait3A, %dma_wait3A_27] : memref<16x160x128xi32, #tpu.memory_space<hbm>> -> memref<1x160x128xi32, #tpu.memory_space<hbm>>
      %dma_wait3A_29 = tpu.memref_squeeze %dma_wait3A_28 : memref<1x160x128xi32, #tpu.memory_space<hbm>> -> memref<160x128xi32, #tpu.memory_space<hbm>>
      %dma_wait3A_30 = arith.constant 0 : i32
      %dma_wait3A_31 = arith.constant 0 : i32
      %dma_wait3A_32 = tpu.memref_slice %arg4[%arg1, %dma_wait3A_30, %dma_wait3A_31] : memref<16x160x128xi32, #tpu.memory_space<hbm>> -> memref<1x160x128xi32, #tpu.memory_space<hbm>>
      %dma_wait3A_33 = tpu.memref_squeeze %dma_wait3A_32 : memref<1x160x128xi32, #tpu.memory_space<hbm>> -> memref<160x128xi32, #tpu.memory_space<hbm>>
      tpu.wait_dma2 semaphore(%run_scoped3A : memref<!tpu.dma_semaphore, #tpu.memory_space<semaphore_mem>>) src(%dma_wait3A_33 : memref<160x128xi32, #tpu.memory_space<hbm>>) dst(%arg7 : memref<160x128xi32, #tpu.memory_space<vmem>>)
      tpu.yield
    }) : () -> ()
    %broadcast_in_dim3A = arith.constant 0.000000e+00 : f32
    %broadcast_in_dim3A_0 = vector.broadcast %broadcast_in_dim3A : f32 to vector<16xf32>
    %scan3A = arith.constant 0 : i32
    %scan3A_1 = arith.constant 0 : i32
    %scan3A_2 = arith.constant 32 : i32
    %scan3A_3 = arith.addi %scan3A_1, %scan3A_2 : i32
    %scan3A_4 = arith.constant 1 : i32
    scf.for %scan3A_20 = %scan3A_1 to %scan3A_3 step %scan3A_4  : i32 {
      %swap3A = arith.index_cast %scan3A_20 : i32 to index
      %swap3A_21 = arith.constant 0 : index
      %swap3A_22 = tpu.vector_load %arg13[%swap3A, %swap3A_21] {strides = array<i32>} : memref<32x64xf32, #tpu.memory_space<vmem>>, vector<1x16xf32>,
      %swap3A_23 = vector.shape_cast %swap3A_22 : vector<1x16xf32> to vector<16xf32>
      %swap3A_24 = vector.shape_cast %broadcast_in_dim3A_0 : vector<16xf32> to vector<1x16xf32>
      tpu.vector_store %arg13[%swap3A, %swap3A_21], %swap3A_24 {strides = array<i32>} : memref<32x64xf32, #tpu.memory_space<vmem>>, vector<1x16xf32>,
      %swap3A_25 = arith.index_cast %scan3A_20 : i32 to index
      %swap3A_26 = arith.constant 16 : index
      %swap3A_27 = tpu.vector_load %arg13[%swap3A_25, %swap3A_26] {strides = array<i32>} : memref<32x64xf32, #tpu.memory_space<vmem>>, vector<1x16xf32>,
      %swap3A_28 = vector.shape_cast %swap3A_27 : vector<1x16xf32> to vector<16xf32>
      %swap3A_29 = vector.shape_cast %broadcast_in_dim3A_0 : vector<16xf32> to vector<1x16xf32>
      tpu.vector_store %arg13[%swap3A_25, %swap3A_26], %swap3A_29 {strides = array<i32>} : memref<32x64xf32, #tpu.memory_space<vmem>>, vector<1x16xf32>,
      %swap3A_30 = arith.index_cast %scan3A_20 : i32 to index
      %swap3A_31 = arith.constant 32 : index
      %swap3A_32 = tpu.vector_load %arg13[%swap3A_30, %swap3A_31] {strides = array<i32>} : memref<32x64xf32, #tpu.memory_space<vmem>>, vector<1x16xf32>,
      %swap3A_33 = vector.shape_cast %swap3A_32 : vector<1x16xf32> to vector<16xf32>
      %swap3A_34 = vector.shape_cast %broadcast_in_dim3A_0 : vector<16xf32> to vector<1x16xf32>
      tpu.vector_store %arg13[%swap3A_30, %swap3A_31], %swap3A_34 {strides = array<i32>} : memref<32x64xf32, #tpu.memory_space<vmem>>, vector<1x16xf32>,
      %swap3A_35 = arith.index_cast %scan3A_20 : i32 to index
      %swap3A_36 = arith.constant 48 : index
      %swap3A_37 = tpu.vector_load %arg13[%swap3A_35, %swap3A_36] {strides = array<i32>} : memref<32x64xf32, #tpu.memory_space<vmem>>, vector<1x16xf32>,
      %swap3A_38 = vector.shape_cast %swap3A_37 : vector<1x16xf32> to vector<16xf32>
      %swap3A_39 = vector.shape_cast %broadcast_in_dim3A_0 : vector<16xf32> to vector<1x16xf32>
      tpu.vector_store %arg13[%swap3A_35, %swap3A_36], %swap3A_39 {strides = array<i32>} : memref<32x64xf32, #tpu.memory_space<vmem>>, vector<1x16xf32>,
    }
    %scan3A_5 = arith.constant 32 : i32
    %mul3A = arith.constant 640 : i32
    %mul3A_6 = arith.muli %arg1, %mul3A : i32
    %scan3A_7 = arith.constant 0 : i32
    %scan3A_8 = arith.constant 0 : i32
    %scan3A_9 = arith.constant 20 : i32
    %scan3A_10 = arith.addi %scan3A_8, %scan3A_9 : i32
    %scan3A_11 = arith.constant 1 : i32
    scf.for %scan3A_20 = %scan3A_8 to %scan3A_10 step %scan3A_11  : i32 {
      %mul3A_21 = arith.constant 32 : i32
      %mul3A_22 = arith.muli %scan3A_20, %mul3A_21 : i32
      %add3A = arith.addi %mul3A_6, %mul3A_22 : i32
      "tpu.region"() ({
        %run_scoped3A = tpu.sem_alloc : memref<!tpu.dma_semaphore, #tpu.memory_space<semaphore_mem>>
        %dma_start3A = arith.constant 0 : i32
        %dma_start3A_23 = tpu.memref_slice %arg14[%add3A, %dma_start3A] : memref<10240x64xf32, #tpu.memory_space<vmem_shared>> -> memref<32x64xf32, #tpu.memory_space<vmem_shared>>
        %dma_start3A_24 = arith.constant 0 : i32
        %dma_start3A_25 = tpu.memref_slice %arg14[%add3A, %dma_start3A_24] : memref<10240x64xf32, #tpu.memory_space<vmem_shared>> -> memref<32x64xf32, #tpu.memory_space<vmem_shared>>
        tpu.enqueue_dma source(%arg13 : memref<32x64xf32, #tpu.memory_space<vmem>>) target(%dma_start3A_25 : memref<32x64xf32, #tpu.memory_space<vmem_shared>>) target_semaphore(%run_scoped3A : memref<!tpu.dma_semaphore, #tpu.memory_space<semaphore_mem>>)
        %dma_wait3A = arith.constant 0 : i32
        %dma_wait3A_26 = tpu.memref_slice %arg14[%add3A, %dma_wait3A] : memref<10240x64xf32, #tpu.memory_space<vmem_shared>> -> memref<32x64xf32, #tpu.memory_space<vmem_shared>>
        %dma_wait3A_27 = arith.constant 0 : i32
        %dma_wait3A_28 = tpu.memref_slice %arg14[%add3A, %dma_wait3A_27] : memref<10240x64xf32, #tpu.memory_space<vmem_shared>> -> memref<32x64xf32, #tpu.memory_space<vmem_shared>>
        tpu.wait_dma2 semaphore(%run_scoped3A : memref<!tpu.dma_semaphore, #tpu.memory_space<semaphore_mem>>) src(%arg13 : memref<32x64xf32, #tpu.memory_space<vmem>>) dst(%dma_wait3A_28 : memref<32x64xf32, #tpu.memory_space<vmem_shared>>)
        tpu.yield
      }) : () -> ()
    }
    %scan3A_12 = arith.constant 20 : i32
    %barrier3A = arith.constant 0 : index
    tpu.barrier barrier_id(%barrier3A)
    %scan3A_13 = arith.constant 0 : i32
    %scan3A_14 = arith.constant 0 : i32
    %scan3A_15 = arith.constant 33 : i32
    %scan3A_16 = arith.addi %scan3A_14, %scan3A_15 : i32
    %scan3A_17 = arith.constant 1 : i32
    scf.for %scan3A_20 = %scan3A_14 to %scan3A_16 step %scan3A_17  : i32 {
      %mul3A_21 = arith.constant 5 : i32
      %mul3A_22 = arith.muli %scan3A_20, %mul3A_21 : i32
      %add3A = arith.constant 0 : i32
      %add3A_23 = arith.addi %mul3A_22, %add3A : i32
      %ge3A = arith.constant 5 : i32
      %ge3A_24 = arith.cmpi sge, %add3A_23, %ge3A : i32
      %sub3A = arith.constant 5 : i32
      %sub3A_25 = arith.subi %add3A_23, %sub3A : i32
      %lt3A = arith.constant 160 : i32
      %lt3A_26 = arith.cmpi slt, %sub3A_25, %lt3A : i32
      %and3A = arith.andi %ge3A_24, %lt3A_26 : i1
      %convert_element_type3A = arith.extui %and3A : i1 to i32
      %cond3A = arith.constant 0 : i32
      %cond3A_27 = arith.cmpi ne, %convert_element_type3A, %cond3A : i32
      scf.if %cond3A_27 {
        %dma_wait3A = arith.constant 0 : i32
        %dma_wait3A_159 = arith.constant 0 : i32
        %dma_wait3A_160 = tpu.memref_slice %arg7[%dma_wait3A, %dma_wait3A_159] : memref<160x128xi32, #tpu.memory_space<vmem>> -> memref<1x128xi32, #tpu.memory_space<vmem>>
        %dma_wait3A_161 = tpu.memref_squeeze %dma_wait3A_160 : memref<1x128xi32, #tpu.memory_space<vmem>> -> memref<128xi32, #tpu.memory_space<vmem>>
        %dma_wait3A_162 = arith.constant 0 : i32
        %dma_wait3A_163 = arith.constant 0 : i32
        %dma_wait3A_164 = tpu.memref_slice %arg14[%dma_wait3A_162, %dma_wait3A_163] : memref<10240x64xf32, #tpu.memory_space<vmem_shared>> -> memref<10240x64xf32, #tpu.memory_space<vmem_shared>>
        tpu.wait_indirect_dma semaphore(%arg20 : memref<!tpu.dma_semaphore, #tpu.memory_space<semaphore_mem>>) src(%arg8 : memref<128x64xf32, #tpu.memory_space<vmem>>) dst(%dma_wait3A_164 : memref<10240x64xf32, #tpu.memory_space<vmem_shared>>)
      } else {
      }
      %lt3A_28 = arith.constant 160 : i32
      %lt3A_29 = arith.cmpi slt, %add3A_23, %lt3A_28 : i32
      %convert_element_type3A_30 = arith.extui %lt3A_29 : i1 to i32
      %cond3A_31 = arith.constant 0 : i32
      %cond3A_32 = arith.cmpi ne, %convert_element_type3A_30, %cond3A_31 : i32
      scf.if %cond3A_32 {
        %dma_start3A = arith.constant 0 : i32
        %dma_start3A_159 = tpu.memref_slice %arg6[%add3A_23, %dma_start3A] : memref<160x128xi32, #tpu.memory_space<vmem>> -> memref<1x128xi32, #tpu.memory_space<vmem>>
        %dma_start3A_160 = tpu.memref_squeeze %dma_start3A_159 : memref<1x128xi32, #tpu.memory_space<vmem>> -> memref<128xi32, #tpu.memory_space<vmem>>
        %dma_start3A_161 = arith.constant 0 : i32
        %dma_start3A_162 = arith.constant 0 : i32
        %dma_start3A_163 = tpu.memref_slice %arg2[%arg0, %dma_start3A_161, %dma_start3A_162] : memref<2x10000x64xf32, #tpu.memory_space<hbm>> -> memref<1x10000x64xf32, #tpu.memory_space<hbm>>
        %dma_start3A_164 = tpu.memref_squeeze %dma_start3A_163 : memref<1x10000x64xf32, #tpu.memory_space<hbm>> -> memref<10000x64xf32, #tpu.memory_space<hbm>>
        %dma_start3A_165 = arith.constant 0 : i32
        %dma_start3A_166 = arith.constant 0 : i32
        %dma_start3A_167 = tpu.memref_slice %dma_start3A_164[%dma_start3A_165, %dma_start3A_166] : memref<10000x64xf32, #tpu.memory_space<hbm>> -> memref<10000x64xf32, #tpu.memory_space<hbm>>
        tpu.enqueue_indirect_dma source(%dma_start3A_167 : memref<10000x64xf32, #tpu.memory_space<hbm>>) target(%arg8 : memref<128x64xf32, #tpu.memory_space<vmem>>) offsets(%dma_start3A_160 : memref<128xi32, #tpu.memory_space<vmem>>) semaphore(%arg15 : memref<!tpu.dma_semaphore, #tpu.memory_space<semaphore_mem>>)
      } else {
      }
      %sub3A_33 = arith.constant 3 : i32
      %sub3A_34 = arith.subi %add3A_23, %sub3A_33 : i32
      %ge3A_35 = arith.constant 0 : i32
      %ge3A_36 = arith.cmpi sge, %sub3A_34, %ge3A_35 : i32
      %lt3A_37 = arith.constant 160 : i32
      %lt3A_38 = arith.cmpi slt, %sub3A_34, %lt3A_37 : i32
      %and3A_39 = arith.andi %ge3A_36, %lt3A_38 : i1
      %convert_element_type3A_40 = arith.extui %and3A_39 : i1 to i32
      %cond3A_41 = arith.constant 0 : i32
      %cond3A_42 = arith.cmpi ne, %convert_element_type3A_40, %cond3A_41 : i32
      scf.if %cond3A_42 {
        %dma_wait3A = arith.constant 0 : i32
        %dma_wait3A_159 = arith.constant 0 : i32
        %dma_wait3A_160 = tpu.memref_slice %arg6[%dma_wait3A, %dma_wait3A_159] : memref<160x128xi32, #tpu.memory_space<vmem>> -> memref<1x128xi32, #tpu.memory_space<vmem>>
        %dma_wait3A_161 = tpu.memref_squeeze %dma_wait3A_160 : memref<1x128xi32, #tpu.memory_space<vmem>> -> memref<128xi32, #tpu.memory_space<vmem>>
        %dma_wait3A_162 = arith.constant 0 : i32
        %dma_wait3A_163 = arith.constant 0 : i32
        %dma_wait3A_164 = tpu.memref_slice %arg2[%arg0, %dma_wait3A_162, %dma_wait3A_163] : memref<2x10000x64xf32, #tpu.memory_space<hbm>> -> memref<1x10000x64xf32, #tpu.memory_space<hbm>>
        %dma_wait3A_165 = tpu.memref_squeeze %dma_wait3A_164 : memref<1x10000x64xf32, #tpu.memory_space<hbm>> -> memref<10000x64xf32, #tpu.memory_space<hbm>>
        %dma_wait3A_166 = arith.constant 0 : i32
        %dma_wait3A_167 = arith.constant 0 : i32
        %dma_wait3A_168 = tpu.memref_slice %dma_wait3A_165[%dma_wait3A_166, %dma_wait3A_167] : memref<10000x64xf32, #tpu.memory_space<hbm>> -> memref<10000x64xf32, #tpu.memory_space<hbm>>
        tpu.wait_indirect_dma semaphore(%arg17 : memref<!tpu.dma_semaphore, #tpu.memory_space<semaphore_mem>>) src(%dma_wait3A_168 : memref<10000x64xf32, #tpu.memory_space<hbm>>) dst(%arg10 : memref<128x64xf32, #tpu.memory_space<vmem>>)
        %dma_start3A = arith.constant 0 : i32
        %dma_start3A_169 = tpu.memref_slice %arg7[%sub3A_34, %dma_start3A] : memref<160x128xi32, #tpu.memory_space<vmem>> -> memref<1x128xi32, #tpu.memory_space<vmem>>
        %dma_start3A_170 = tpu.memref_squeeze %dma_start3A_169 : memref<1x128xi32, #tpu.memory_space<vmem>> -> memref<128xi32, #tpu.memory_space<vmem>>
        %dma_start3A_171 = arith.constant 0 : i32
        %dma_start3A_172 = arith.constant 0 : i32
        %dma_start3A_173 = tpu.memref_slice %arg14[%dma_start3A_171, %dma_start3A_172] : memref<10240x64xf32, #tpu.memory_space<vmem_shared>> -> memref<10240x64xf32, #tpu.memory_space<vmem_shared>>
        tpu.enqueue_indirect_dma source(%arg10 : memref<128x64xf32, #tpu.memory_space<vmem>>) target(%dma_start3A_173 : memref<10240x64xf32, #tpu.memory_space<vmem_shared>>) offsets(%dma_start3A_170 : memref<128xi32, #tpu.memory_space<vmem>>) semaphore(%arg22 : memref<!tpu.dma_semaphore, #tpu.memory_space<semaphore_mem>>) {add = true}
      } else {
      }
      %mul3A_43 = arith.constant 5 : i32
      %mul3A_44 = arith.muli %scan3A_20, %mul3A_43 : i32
      %add3A_45 = arith.constant 1 : i32
      %add3A_46 = arith.addi %mul3A_44, %add3A_45 : i32
      %ge3A_47 = arith.constant 5 : i32
      %ge3A_48 = arith.cmpi sge, %add3A_46, %ge3A_47 : i32
      %sub3A_49 = arith.constant 5 : i32
      %sub3A_50 = arith.subi %add3A_46, %sub3A_49 : i32
      %lt3A_51 = arith.constant 160 : i32
      %lt3A_52 = arith.cmpi slt, %sub3A_50, %lt3A_51 : i32
      %and3A_53 = arith.andi %ge3A_48, %lt3A_52 : i1
      %convert_element_type3A_54 = arith.extui %and3A_53 : i1 to i32
      %cond3A_55 = arith.constant 0 : i32
      %cond3A_56 = arith.cmpi ne, %convert_element_type3A_54, %cond3A_55 : i32
      scf.if %cond3A_56 {
        %dma_wait3A = arith.constant 0 : i32
        %dma_wait3A_159 = arith.constant 0 : i32
        %dma_wait3A_160 = tpu.memref_slice %arg7[%dma_wait3A, %dma_wait3A_159] : memref<160x128xi32, #tpu.memory_space<vmem>> -> memref<1x128xi32, #tpu.memory_space<vmem>>
        %dma_wait3A_161 = tpu.memref_squeeze %dma_wait3A_160 : memref<1x128xi32, #tpu.memory_space<vmem>> -> memref<128xi32, #tpu.memory_space<vmem>>
        %dma_wait3A_162 = arith.constant 0 : i32
        %dma_wait3A_163 = arith.constant 0 : i32
        %dma_wait3A_164 = tpu.memref_slice %arg14[%dma_wait3A_162, %dma_wait3A_163] : memref<10240x64xf32, #tpu.memory_space<vmem_shared>> -> memref<10240x64xf32, #tpu.memory_space<vmem_shared>>
        tpu.wait_indirect_dma semaphore(%arg21 : memref<!tpu.dma_semaphore, #tpu.memory_space<semaphore_mem>>) src(%arg9 : memref<128x64xf32, #tpu.memory_space<vmem>>) dst(%dma_wait3A_164 : memref<10240x64xf32, #tpu.memory_space<vmem_shared>>)
      } else {
      }
      %lt3A_57 = arith.constant 160 : i32
      %lt3A_58 = arith.cmpi slt, %add3A_46, %lt3A_57 : i32
      %convert_element_type3A_59 = arith.extui %lt3A_58 : i1 to i32
      %cond3A_60 = arith.constant 0 : i32
      %cond3A_61 = arith.cmpi ne, %convert_element_type3A_59, %cond3A_60 : i32
      scf.if %cond3A_61 {
        %dma_start3A = arith.constant 0 : i32
        %dma_start3A_159 = tpu.memref_slice %arg6[%add3A_46, %dma_start3A] : memref<160x128xi32, #tpu.memory_space<vmem>> -> memref<1x128xi32, #tpu.memory_space<vmem>>
        %dma_start3A_160 = tpu.memref_squeeze %dma_start3A_159 : memref<1x128xi32, #tpu.memory_space<vmem>> -> memref<128xi32, #tpu.memory_space<vmem>>
        %dma_start3A_161 = arith.constant 0 : i32
        %dma_start3A_162 = arith.constant 0 : i32
        %dma_start3A_163 = tpu.memref_slice %arg2[%arg0, %dma_start3A_161, %dma_start3A_162] : memref<2x10000x64xf32, #tpu.memory_space<hbm>> -> memref<1x10000x64xf32, #tpu.memory_space<hbm>>
        %dma_start3A_164 = tpu.memref_squeeze %dma_start3A_163 : memref<1x10000x64xf32, #tpu.memory_space<hbm>> -> memref<10000x64xf32, #tpu.memory_space<hbm>>
        %dma_start3A_165 = arith.constant 0 : i32
        %dma_start3A_166 = arith.constant 0 : i32
        %dma_start3A_167 = tpu.memref_slice %dma_start3A_164[%dma_start3A_165, %dma_start3A_166] : memref<10000x64xf32, #tpu.memory_space<hbm>> -> memref<10000x64xf32, #tpu.memory_space<hbm>>
        tpu.enqueue_indirect_dma source(%dma_start3A_167 : memref<10000x64xf32, #tpu.memory_space<hbm>>) target(%arg9 : memref<128x64xf32, #tpu.memory_space<vmem>>) offsets(%dma_start3A_160 : memref<128xi32, #tpu.memory_space<vmem>>) semaphore(%arg16 : memref<!tpu.dma_semaphore, #tpu.memory_space<semaphore_mem>>)
      } else {
      }
      %sub3A_62 = arith.constant 3 : i32
      %sub3A_63 = arith.subi %add3A_46, %sub3A_62 : i32
      %ge3A_64 = arith.constant 0 : i32
      %ge3A_65 = arith.cmpi sge, %sub3A_63, %ge3A_64 : i32
      %lt3A_66 = arith.constant 160 : i32
      %lt3A_67 = arith.cmpi slt, %sub3A_63, %lt3A_66 : i32
      %and3A_68 = arith.andi %ge3A_65, %lt3A_67 : i1
      %convert_element_type3A_69 = arith.extui %and3A_68 : i1 to i32
      %cond3A_70 = arith.constant 0 : i32
      %cond3A_71 = arith.cmpi ne, %convert_element_type3A_69, %cond3A_70 : i32
      scf.if %cond3A_71 {
        %dma_wait3A = arith.constant 0 : i32
        %dma_wait3A_159 = arith.constant 0 : i32
        %dma_wait3A_160 = tpu.memref_slice %arg6[%dma_wait3A, %dma_wait3A_159] : memref<160x128xi32, #tpu.memory_space<vmem>> -> memref<1x128xi32, #tpu.memory_space<vmem>>
        %dma_wait3A_161 = tpu.memref_squeeze %dma_wait3A_160 : memref<1x128xi32, #tpu.memory_space<vmem>> -> memref<128xi32, #tpu.memory_space<vmem>>
        %dma_wait3A_162 = arith.constant 0 : i32
        %dma_wait3A_163 = arith.constant 0 : i32
        %dma_wait3A_164 = tpu.memref_slice %arg2[%arg0, %dma_wait3A_162, %dma_wait3A_163] : memref<2x10000x64xf32, #tpu.memory_space<hbm>> -> memref<1x10000x64xf32, #tpu.memory_space<hbm>>
        %dma_wait3A_165 = tpu.memref_squeeze %dma_wait3A_164 : memref<1x10000x64xf32, #tpu.memory_space<hbm>> -> memref<10000x64xf32, #tpu.memory_space<hbm>>
        %dma_wait3A_166 = arith.constant 0 : i32
        %dma_wait3A_167 = arith.constant 0 : i32
        %dma_wait3A_168 = tpu.memref_slice %dma_wait3A_165[%dma_wait3A_166, %dma_wait3A_167] : memref<10000x64xf32, #tpu.memory_space<hbm>> -> memref<10000x64xf32, #tpu.memory_space<hbm>>
        tpu.wait_indirect_dma semaphore(%arg18 : memref<!tpu.dma_semaphore, #tpu.memory_space<semaphore_mem>>) src(%dma_wait3A_168 : memref<10000x64xf32, #tpu.memory_space<hbm>>) dst(%arg11 : memref<128x64xf32, #tpu.memory_space<vmem>>)
        %dma_start3A = arith.constant 0 : i32
        %dma_start3A_169 = tpu.memref_slice %arg7[%sub3A_63, %dma_start3A] : memref<160x128xi32, #tpu.memory_space<vmem>> -> memref<1x128xi32, #tpu.memory_space<vmem>>
        %dma_start3A_170 = tpu.memref_squeeze %dma_start3A_169 : memref<1x128xi32, #tpu.memory_space<vmem>> -> memref<128xi32, #tpu.memory_space<vmem>>
        %dma_start3A_171 = arith.constant 0 : i32
        %dma_start3A_172 = arith.constant 0 : i32
        %dma_start3A_173 = tpu.memref_slice %arg14[%dma_start3A_171, %dma_start3A_172] : memref<10240x64xf32, #tpu.memory_space<vmem_shared>> -> memref<10240x64xf32, #tpu.memory_space<vmem_shared>>
        tpu.enqueue_indirect_dma source(%arg11 : memref<128x64xf32, #tpu.memory_space<vmem>>) target(%dma_start3A_173 : memref<10240x64xf32, #tpu.memory_space<vmem_shared>>) offsets(%dma_start3A_170 : memref<128xi32, #tpu.memory_space<vmem>>) semaphore(%arg23 : memref<!tpu.dma_semaphore, #tpu.memory_space<semaphore_mem>>) {add = true}
      } else {
      }
      %mul3A_72 = arith.constant 5 : i32
      %mul3A_73 = arith.muli %scan3A_20, %mul3A_72 : i32
      %add3A_74 = arith.constant 2 : i32
      %add3A_75 = arith.addi %mul3A_73, %add3A_74 : i32
      %ge3A_76 = arith.constant 5 : i32
      %ge3A_77 = arith.cmpi sge, %add3A_75, %ge3A_76 : i32
      %sub3A_78 = arith.constant 5 : i32
      %sub3A_79 = arith.subi %add3A_75, %sub3A_78 : i32
      %lt3A_80 = arith.constant 160 : i32
      %lt3A_81 = arith.cmpi slt, %sub3A_79, %lt3A_80 : i32
      %and3A_82 = arith.andi %ge3A_77, %lt3A_81 : i1
      %convert_element_type3A_83 = arith.extui %and3A_82 : i1 to i32
      %cond3A_84 = arith.constant 0 : i32
      %cond3A_85 = arith.cmpi ne, %convert_element_type3A_83, %cond3A_84 : i32
      scf.if %cond3A_85 {
        %dma_wait3A = arith.constant 0 : i32
        %dma_wait3A_159 = arith.constant 0 : i32
        %dma_wait3A_160 = tpu.memref_slice %arg7[%dma_wait3A, %dma_wait3A_159] : memref<160x128xi32, #tpu.memory_space<vmem>> -> memref<1x128xi32, #tpu.memory_space<vmem>>
        %dma_wait3A_161 = tpu.memref_squeeze %dma_wait3A_160 : memref<1x128xi32, #tpu.memory_space<vmem>> -> memref<128xi32, #tpu.memory_space<vmem>>
        %dma_wait3A_162 = arith.constant 0 : i32
        %dma_wait3A_163 = arith.constant 0 : i32
        %dma_wait3A_164 = tpu.memref_slice %arg14[%dma_wait3A_162, %dma_wait3A_163] : memref<10240x64xf32, #tpu.memory_space<vmem_shared>> -> memref<10240x64xf32, #tpu.memory_space<vmem_shared>>
        tpu.wait_indirect_dma semaphore(%arg22 : memref<!tpu.dma_semaphore, #tpu.memory_space<semaphore_mem>>) src(%arg10 : memref<128x64xf32, #tpu.memory_space<vmem>>) dst(%dma_wait3A_164 : memref<10240x64xf32, #tpu.memory_space<vmem_shared>>)
      } else {
      }
      %lt3A_86 = arith.constant 160 : i32
      %lt3A_87 = arith.cmpi slt, %add3A_75, %lt3A_86 : i32
      %convert_element_type3A_88 = arith.extui %lt3A_87 : i1 to i32
      %cond3A_89 = arith.constant 0 : i32
      %cond3A_90 = arith.cmpi ne, %convert_element_type3A_88, %cond3A_89 : i32
      scf.if %cond3A_90 {
        %dma_start3A = arith.constant 0 : i32
        %dma_start3A_159 = tpu.memref_slice %arg6[%add3A_75, %dma_start3A] : memref<160x128xi32, #tpu.memory_space<vmem>> -> memref<1x128xi32, #tpu.memory_space<vmem>>
        %dma_start3A_160 = tpu.memref_squeeze %dma_start3A_159 : memref<1x128xi32, #tpu.memory_space<vmem>> -> memref<128xi32, #tpu.memory_space<vmem>>
        %dma_start3A_161 = arith.constant 0 : i32
        %dma_start3A_162 = arith.constant 0 : i32
        %dma_start3A_163 = tpu.memref_slice %arg2[%arg0, %dma_start3A_161, %dma_start3A_162] : memref<2x10000x64xf32, #tpu.memory_space<hbm>> -> memref<1x10000x64xf32, #tpu.memory_space<hbm>>
        %dma_start3A_164 = tpu.memref_squeeze %dma_start3A_163 : memref<1x10000x64xf32, #tpu.memory_space<hbm>> -> memref<10000x64xf32, #tpu.memory_space<hbm>>
        %dma_start3A_165 = arith.constant 0 : i32
        %dma_start3A_166 = arith.constant 0 : i32
        %dma_start3A_167 = tpu.memref_slice %dma_start3A_164[%dma_start3A_165, %dma_start3A_166] : memref<10000x64xf32, #tpu.memory_space<hbm>> -> memref<10000x64xf32, #tpu.memory_space<hbm>>
        tpu.enqueue_indirect_dma source(%dma_start3A_167 : memref<10000x64xf32, #tpu.memory_space<hbm>>) target(%arg10 : memref<128x64xf32, #tpu.memory_space<vmem>>) offsets(%dma_start3A_160 : memref<128xi32, #tpu.memory_space<vmem>>) semaphore(%arg17 : memref<!tpu.dma_semaphore, #tpu.memory_space<semaphore_mem>>)
      } else {
      }
      %sub3A_91 = arith.constant 3 : i32
      %sub3A_92 = arith.subi %add3A_75, %sub3A_91 : i32
      %ge3A_93 = arith.constant 0 : i32
      %ge3A_94 = arith.cmpi sge, %sub3A_92, %ge3A_93 : i32
      %lt3A_95 = arith.constant 160 : i32
      %lt3A_96 = arith.cmpi slt, %sub3A_92, %lt3A_95 : i32
      %and3A_97 = arith.andi %ge3A_94, %lt3A_96 : i1
      %convert_element_type3A_98 = arith.extui %and3A_97 : i1 to i32
      %cond3A_99 = arith.constant 0 : i32
      %cond3A_100 = arith.cmpi ne, %convert_element_type3A_98, %cond3A_99 : i32
      scf.if %cond3A_100 {
        %dma_wait3A = arith.constant 0 : i32
        %dma_wait3A_159 = arith.constant 0 : i32
        %dma_wait3A_160 = tpu.memref_slice %arg6[%dma_wait3A, %dma_wait3A_159] : memref<160x128xi32, #tpu.memory_space<vmem>> -> memref<1x128xi32, #tpu.memory_space<vmem>>
        %dma_wait3A_161 = tpu.memref_squeeze %dma_wait3A_160 : memref<1x128xi32, #tpu.memory_space<vmem>> -> memref<128xi32, #tpu.memory_space<vmem>>
        %dma_wait3A_162 = arith.constant 0 : i32
        %dma_wait3A_163 = arith.constant 0 : i32
        %dma_wait3A_164 = tpu.memref_slice %arg2[%arg0, %dma_wait3A_162, %dma_wait3A_163] : memref<2x10000x64xf32, #tpu.memory_space<hbm>> -> memref<1x10000x64xf32, #tpu.memory_space<hbm>>
        %dma_wait3A_165 = tpu.memref_squeeze %dma_wait3A_164 : memref<1x10000x64xf32, #tpu.memory_space<hbm>> -> memref<10000x64xf32, #tpu.memory_space<hbm>>
        %dma_wait3A_166 = arith.constant 0 : i32
        %dma_wait3A_167 = arith.constant 0 : i32
        %dma_wait3A_168 = tpu.memref_slice %dma_wait3A_165[%dma_wait3A_166, %dma_wait3A_167] : memref<10000x64xf32, #tpu.memory_space<hbm>> -> memref<10000x64xf32, #tpu.memory_space<hbm>>
        tpu.wait_indirect_dma semaphore(%arg19 : memref<!tpu.dma_semaphore, #tpu.memory_space<semaphore_mem>>) src(%dma_wait3A_168 : memref<10000x64xf32, #tpu.memory_space<hbm>>) dst(%arg12 : memref<128x64xf32, #tpu.memory_space<vmem>>)
        %dma_start3A = arith.constant 0 : i32
        %dma_start3A_169 = tpu.memref_slice %arg7[%sub3A_92, %dma_start3A] : memref<160x128xi32, #tpu.memory_space<vmem>> -> memref<1x128xi32, #tpu.memory_space<vmem>>
        %dma_start3A_170 = tpu.memref_squeeze %dma_start3A_169 : memref<1x128xi32, #tpu.memory_space<vmem>> -> memref<128xi32, #tpu.memory_space<vmem>>
        %dma_start3A_171 = arith.constant 0 : i32
        %dma_start3A_172 = arith.constant 0 : i32
        %dma_start3A_173 = tpu.memref_slice %arg14[%dma_start3A_171, %dma_start3A_172] : memref<10240x64xf32, #tpu.memory_space<vmem_shared>> -> memref<10240x64xf32, #tpu.memory_space<vmem_shared>>
        tpu.enqueue_indirect_dma source(%arg12 : memref<128x64xf32, #tpu.memory_space<vmem>>) target(%dma_start3A_173 : memref<10240x64xf32, #tpu.memory_space<vmem_shared>>) offsets(%dma_start3A_170 : memref<128xi32, #tpu.memory_space<vmem>>) semaphore(%arg24 : memref<!tpu.dma_semaphore, #tpu.memory_space<semaphore_mem>>) {add = true}
      } else {
      }
      %mul3A_101 = arith.constant 5 : i32
      %mul3A_102 = arith.muli %scan3A_20, %mul3A_101 : i32
      %add3A_103 = arith.constant 3 : i32
      %add3A_104 = arith.addi %mul3A_102, %add3A_103 : i32
      %ge3A_105 = arith.constant 5 : i32
      %ge3A_106 = arith.cmpi sge, %add3A_104, %ge3A_105 : i32
      %sub3A_107 = arith.constant 5 : i32
      %sub3A_108 = arith.subi %add3A_104, %sub3A_107 : i32
      %lt3A_109 = arith.constant 160 : i32
      %lt3A_110 = arith.cmpi slt, %sub3A_108, %lt3A_109 : i32
      %and3A_111 = arith.andi %ge3A_106, %lt3A_110 : i1
      %convert_element_type3A_112 = arith.extui %and3A_111 : i1 to i32
      %cond3A_113 = arith.constant 0 : i32
      %cond3A_114 = arith.cmpi ne, %convert_element_type3A_112, %cond3A_113 : i32
      scf.if %cond3A_114 {
        %dma_wait3A = arith.constant 0 : i32
        %dma_wait3A_159 = arith.constant 0 : i32
        %dma_wait3A_160 = tpu.memref_slice %arg7[%dma_wait3A, %dma_wait3A_159] : memref<160x128xi32, #tpu.memory_space<vmem>> -> memref<1x128xi32, #tpu.memory_space<vmem>>
        %dma_wait3A_161 = tpu.memref_squeeze %dma_wait3A_160 : memref<1x128xi32, #tpu.memory_space<vmem>> -> memref<128xi32, #tpu.memory_space<vmem>>
        %dma_wait3A_162 = arith.constant 0 : i32
        %dma_wait3A_163 = arith.constant 0 : i32
        %dma_wait3A_164 = tpu.memref_slice %arg14[%dma_wait3A_162, %dma_wait3A_163] : memref<10240x64xf32, #tpu.memory_space<vmem_shared>> -> memref<10240x64xf32, #tpu.memory_space<vmem_shared>>
        tpu.wait_indirect_dma semaphore(%arg23 : memref<!tpu.dma_semaphore, #tpu.memory_space<semaphore_mem>>) src(%arg11 : memref<128x64xf32, #tpu.memory_space<vmem>>) dst(%dma_wait3A_164 : memref<10240x64xf32, #tpu.memory_space<vmem_shared>>)
      } else {
      }
      %lt3A_115 = arith.constant 160 : i32
      %lt3A_116 = arith.cmpi slt, %add3A_104, %lt3A_115 : i32
      %convert_element_type3A_117 = arith.extui %lt3A_116 : i1 to i32
      %cond3A_118 = arith.constant 0 : i32
      %cond3A_119 = arith.cmpi ne, %convert_element_type3A_117, %cond3A_118 : i32
      scf.if %cond3A_119 {
        %dma_start3A = arith.constant 0 : i32
        %dma_start3A_159 = tpu.memref_slice %arg6[%add3A_104, %dma_start3A] : memref<160x128xi32, #tpu.memory_space<vmem>> -> memref<1x128xi32, #tpu.memory_space<vmem>>
        %dma_start3A_160 = tpu.memref_squeeze %dma_start3A_159 : memref<1x128xi32, #tpu.memory_space<vmem>> -> memref<128xi32, #tpu.memory_space<vmem>>
        %dma_start3A_161 = arith.constant 0 : i32
        %dma_start3A_162 = arith.constant 0 : i32
        %dma_start3A_163 = tpu.memref_slice %arg2[%arg0, %dma_start3A_161, %dma_start3A_162] : memref<2x10000x64xf32, #tpu.memory_space<hbm>> -> memref<1x10000x64xf32, #tpu.memory_space<hbm>>
        %dma_start3A_164 = tpu.memref_squeeze %dma_start3A_163 : memref<1x10000x64xf32, #tpu.memory_space<hbm>> -> memref<10000x64xf32, #tpu.memory_space<hbm>>
        %dma_start3A_165 = arith.constant 0 : i32
        %dma_start3A_166 = arith.constant 0 : i32
        %dma_start3A_167 = tpu.memref_slice %dma_start3A_164[%dma_start3A_165, %dma_start3A_166] : memref<10000x64xf32, #tpu.memory_space<hbm>> -> memref<10000x64xf32, #tpu.memory_space<hbm>>
        tpu.enqueue_indirect_dma source(%dma_start3A_167 : memref<10000x64xf32, #tpu.memory_space<hbm>>) target(%arg11 : memref<128x64xf32, #tpu.memory_space<vmem>>) offsets(%dma_start3A_160 : memref<128xi32, #tpu.memory_space<vmem>>) semaphore(%arg18 : memref<!tpu.dma_semaphore, #tpu.memory_space<semaphore_mem>>)
      } else {
      }
      %sub3A_120 = arith.constant 3 : i32
      %sub3A_121 = arith.subi %add3A_104, %sub3A_120 : i32
      %ge3A_122 = arith.constant 0 : i32
      %ge3A_123 = arith.cmpi sge, %sub3A_121, %ge3A_122 : i32
      %lt3A_124 = arith.constant 160 : i32
      %lt3A_125 = arith.cmpi slt, %sub3A_121, %lt3A_124 : i32
      %and3A_126 = arith.andi %ge3A_123, %lt3A_125 : i1
      %convert_element_type3A_127 = arith.extui %and3A_126 : i1 to i32
      %cond3A_128 = arith.constant 0 : i32
      %cond3A_129 = arith.cmpi ne, %convert_element_type3A_127, %cond3A_128 : i32
      scf.if %cond3A_129 {
        %dma_wait3A = arith.constant 0 : i32
        %dma_wait3A_159 = arith.constant 0 : i32
        %dma_wait3A_160 = tpu.memref_slice %arg6[%dma_wait3A, %dma_wait3A_159] : memref<160x128xi32, #tpu.memory_space<vmem>> -> memref<1x128xi32, #tpu.memory_space<vmem>>
        %dma_wait3A_161 = tpu.memref_squeeze %dma_wait3A_160 : memref<1x128xi32, #tpu.memory_space<vmem>> -> memref<128xi32, #tpu.memory_space<vmem>>
        %dma_wait3A_162 = arith.constant 0 : i32
        %dma_wait3A_163 = arith.constant 0 : i32
        %dma_wait3A_164 = tpu.memref_slice %arg2[%arg0, %dma_wait3A_162, %dma_wait3A_163] : memref<2x10000x64xf32, #tpu.memory_space<hbm>> -> memref<1x10000x64xf32, #tpu.memory_space<hbm>>
        %dma_wait3A_165 = tpu.memref_squeeze %dma_wait3A_164 : memref<1x10000x64xf32, #tpu.memory_space<hbm>> -> memref<10000x64xf32, #tpu.memory_space<hbm>>
        %dma_wait3A_166 = arith.constant 0 : i32
        %dma_wait3A_167 = arith.constant 0 : i32
        %dma_wait3A_168 = tpu.memref_slice %dma_wait3A_165[%dma_wait3A_166, %dma_wait3A_167] : memref<10000x64xf32, #tpu.memory_space<hbm>> -> memref<10000x64xf32, #tpu.memory_space<hbm>>
        tpu.wait_indirect_dma semaphore(%arg15 : memref<!tpu.dma_semaphore, #tpu.memory_space<semaphore_mem>>) src(%dma_wait3A_168 : memref<10000x64xf32, #tpu.memory_space<hbm>>) dst(%arg8 : memref<128x64xf32, #tpu.memory_space<vmem>>)
        %dma_start3A = arith.constant 0 : i32
        %dma_start3A_169 = tpu.memref_slice %arg7[%sub3A_121, %dma_start3A] : memref<160x128xi32, #tpu.memory_space<vmem>> -> memref<1x128xi32, #tpu.memory_space<vmem>>
        %dma_start3A_170 = tpu.memref_squeeze %dma_start3A_169 : memref<1x128xi32, #tpu.memory_space<vmem>> -> memref<128xi32, #tpu.memory_space<vmem>>
        %dma_start3A_171 = arith.constant 0 : i32
        %dma_start3A_172 = arith.constant 0 : i32
        %dma_start3A_173 = tpu.memref_slice %arg14[%dma_start3A_171, %dma_start3A_172] : memref<10240x64xf32, #tpu.memory_space<vmem_shared>> -> memref<10240x64xf32, #tpu.memory_space<vmem_shared>>
        tpu.enqueue_indirect_dma source(%arg8 : memref<128x64xf32, #tpu.memory_space<vmem>>) target(%dma_start3A_173 : memref<10240x64xf32, #tpu.memory_space<vmem_shared>>) offsets(%dma_start3A_170 : memref<128xi32, #tpu.memory_space<vmem>>) semaphore(%arg20 : memref<!tpu.dma_semaphore, #tpu.memory_space<semaphore_mem>>) {add = true}
      } else {
      }
      %mul3A_130 = arith.constant 5 : i32
      %mul3A_131 = arith.muli %scan3A_20, %mul3A_130 : i32
      %add3A_132 = arith.constant 4 : i32
      %add3A_133 = arith.addi %mul3A_131, %add3A_132 : i32
      %ge3A_134 = arith.constant 5 : i32
      %ge3A_135 = arith.cmpi sge, %add3A_133, %ge3A_134 : i32
      %sub3A_136 = arith.constant 5 : i32
      %sub3A_137 = arith.subi %add3A_133, %sub3A_136 : i32
      %lt3A_138 = arith.constant 160 : i32
      %lt3A_139 = arith.cmpi slt, %sub3A_137, %lt3A_138 : i32
      %and3A_140 = arith.andi %ge3A_135, %lt3A_139 : i1
      %convert_element_type3A_141 = arith.extui %and3A_140 : i1 to i32
      %cond3A_142 = arith.constant 0 : i32
      %cond3A_143 = arith.cmpi ne, %convert_element_type3A_141, %cond3A_142 : i32
      scf.if %cond3A_143 {
        %dma_wait3A = arith.constant 0 : i32
        %dma_wait3A_159 = arith.constant 0 : i32
        %dma_wait3A_160 = tpu.memref_slice %arg7[%dma_wait3A, %dma_wait3A_159] : memref<160x128xi32, #tpu.memory_space<vmem>> -> memref<1x128xi32, #tpu.memory_space<vmem>>
        %dma_wait3A_161 = tpu.memref_squeeze %dma_wait3A_160 : memref<1x128xi32, #tpu.memory_space<vmem>> -> memref<128xi32, #tpu.memory_space<vmem>>
        %dma_wait3A_162 = arith.constant 0 : i32
        %dma_wait3A_163 = arith.constant 0 : i32
        %dma_wait3A_164 = tpu.memref_slice %arg14[%dma_wait3A_162, %dma_wait3A_163] : memref<10240x64xf32, #tpu.memory_space<vmem_shared>> -> memref<10240x64xf32, #tpu.memory_space<vmem_shared>>
        tpu.wait_indirect_dma semaphore(%arg24 : memref<!tpu.dma_semaphore, #tpu.memory_space<semaphore_mem>>) src(%arg12 : memref<128x64xf32, #tpu.memory_space<vmem>>) dst(%dma_wait3A_164 : memref<10240x64xf32, #tpu.memory_space<vmem_shared>>)
      } else {
      }
      %lt3A_144 = arith.constant 160 : i32
      %lt3A_145 = arith.cmpi slt, %add3A_133, %lt3A_144 : i32
      %convert_element_type3A_146 = arith.extui %lt3A_145 : i1 to i32
      %cond3A_147 = arith.constant 0 : i32
      %cond3A_148 = arith.cmpi ne, %convert_element_type3A_146, %cond3A_147 : i32
      scf.if %cond3A_148 {
        %dma_start3A = arith.constant 0 : i32
        %dma_start3A_159 = tpu.memref_slice %arg6[%add3A_133, %dma_start3A] : memref<160x128xi32, #tpu.memory_space<vmem>> -> memref<1x128xi32, #tpu.memory_space<vmem>>
        %dma_start3A_160 = tpu.memref_squeeze %dma_start3A_159 : memref<1x128xi32, #tpu.memory_space<vmem>> -> memref<128xi32, #tpu.memory_space<vmem>>
        %dma_start3A_161 = arith.constant 0 : i32
        %dma_start3A_162 = arith.constant 0 : i32
        %dma_start3A_163 = tpu.memref_slice %arg2[%arg0, %dma_start3A_161, %dma_start3A_162] : memref<2x10000x64xf32, #tpu.memory_space<hbm>> -> memref<1x10000x64xf32, #tpu.memory_space<hbm>>
        %dma_start3A_164 = tpu.memref_squeeze %dma_start3A_163 : memref<1x10000x64xf32, #tpu.memory_space<hbm>> -> memref<10000x64xf32, #tpu.memory_space<hbm>>
        %dma_start3A_165 = arith.constant 0 : i32
        %dma_start3A_166 = arith.constant 0 : i32
        %dma_start3A_167 = tpu.memref_slice %dma_start3A_164[%dma_start3A_165, %dma_start3A_166] : memref<10000x64xf32, #tpu.memory_space<hbm>> -> memref<10000x64xf32, #tpu.memory_space<hbm>>
        tpu.enqueue_indirect_dma source(%dma_start3A_167 : memref<10000x64xf32, #tpu.memory_space<hbm>>) target(%arg12 : memref<128x64xf32, #tpu.memory_space<vmem>>) offsets(%dma_start3A_160 : memref<128xi32, #tpu.memory_space<vmem>>) semaphore(%arg19 : memref<!tpu.dma_semaphore, #tpu.memory_space<semaphore_mem>>)
      } else {
      }
      %sub3A_149 = arith.constant 3 : i32
      %sub3A_150 = arith.subi %add3A_133, %sub3A_149 : i32
      %ge3A_151 = arith.constant 0 : i32
      %ge3A_152 = arith.cmpi sge, %sub3A_150, %ge3A_151 : i32
      %lt3A_153 = arith.constant 160 : i32
      %lt3A_154 = arith.cmpi slt, %sub3A_150, %lt3A_153 : i32
      %and3A_155 = arith.andi %ge3A_152, %lt3A_154 : i1
      %convert_element_type3A_156 = arith.extui %and3A_155 : i1 to i32
      %cond3A_157 = arith.constant 0 : i32
      %cond3A_158 = arith.cmpi ne, %convert_element_type3A_156, %cond3A_157 : i32
      scf.if %cond3A_158 {
        %dma_wait3A = arith.constant 0 : i32
        %dma_wait3A_159 = arith.constant 0 : i32
        %dma_wait3A_160 = tpu.memref_slice %arg6[%dma_wait3A, %dma_wait3A_159] : memref<160x128xi32, #tpu.memory_space<vmem>> -> memref<1x128xi32, #tpu.memory_space<vmem>>
        %dma_wait3A_161 = tpu.memref_squeeze %dma_wait3A_160 : memref<1x128xi32, #tpu.memory_space<vmem>> -> memref<128xi32, #tpu.memory_space<vmem>>
        %dma_wait3A_162 = arith.constant 0 : i32
        %dma_wait3A_163 = arith.constant 0 : i32
        %dma_wait3A_164 = tpu.memref_slice %arg2[%arg0, %dma_wait3A_162, %dma_wait3A_163] : memref<2x10000x64xf32, #tpu.memory_space<hbm>> -> memref<1x10000x64xf32, #tpu.memory_space<hbm>>
        %dma_wait3A_165 = tpu.memref_squeeze %dma_wait3A_164 : memref<1x10000x64xf32, #tpu.memory_space<hbm>> -> memref<10000x64xf32, #tpu.memory_space<hbm>>
        %dma_wait3A_166 = arith.constant 0 : i32
        %dma_wait3A_167 = arith.constant 0 : i32
        %dma_wait3A_168 = tpu.memref_slice %dma_wait3A_165[%dma_wait3A_166, %dma_wait3A_167] : memref<10000x64xf32, #tpu.memory_space<hbm>> -> memref<10000x64xf32, #tpu.memory_space<hbm>>
        tpu.wait_indirect_dma semaphore(%arg16 : memref<!tpu.dma_semaphore, #tpu.memory_space<semaphore_mem>>) src(%dma_wait3A_168 : memref<10000x64xf32, #tpu.memory_space<hbm>>) dst(%arg9 : memref<128x64xf32, #tpu.memory_space<vmem>>)
        %dma_start3A = arith.constant 0 : i32
        %dma_start3A_169 = tpu.memref_slice %arg7[%sub3A_150, %dma_start3A] : memref<160x128xi32, #tpu.memory_space<vmem>> -> memref<1x128xi32, #tpu.memory_space<vmem>>
        %dma_start3A_170 = tpu.memref_squeeze %dma_start3A_169 : memref<1x128xi32, #tpu.memory_space<vmem>> -> memref<128xi32, #tpu.memory_space<vmem>>
        %dma_start3A_171 = arith.constant 0 : i32
        %dma_start3A_172 = arith.constant 0 : i32
        %dma_start3A_173 = tpu.memref_slice %arg14[%dma_start3A_171, %dma_start3A_172] : memref<10240x64xf32, #tpu.memory_space<vmem_shared>> -> memref<10240x64xf32, #tpu.memory_space<vmem_shared>>
        tpu.enqueue_indirect_dma source(%arg9 : memref<128x64xf32, #tpu.memory_space<vmem>>) target(%dma_start3A_173 : memref<10240x64xf32, #tpu.memory_space<vmem_shared>>) offsets(%dma_start3A_170 : memref<128xi32, #tpu.memory_space<vmem>>) semaphore(%arg21 : memref<!tpu.dma_semaphore, #tpu.memory_space<semaphore_mem>>) {add = true}
      } else {
      }
    }
    %scan3A_18 = arith.constant 33 : i32
    %barrier3A_19 = arith.constant 0 : index
    tpu.barrier barrier_id(%barrier3A_19)
    "tpu.region"() ({
      %run_scoped3A = tpu.sem_alloc : memref<!tpu.dma_semaphore, #tpu.memory_space<semaphore_mem>>
      %dma_start3A = arith.constant 0 : i32
      %dma_start3A_20 = tpu.memref_slice %arg5[%arg0, %mul3A_6, %dma_start3A] : memref<2x10240x64xf32, #tpu.memory_space<hbm>> -> memref<1x640x64xf32, #tpu.memory_space<hbm>>
      %dma_start3A_21 = tpu.memref_squeeze %dma_start3A_20 : memref<1x640x64xf32, #tpu.memory_space<hbm>> -> memref<640x64xf32, #tpu.memory_space<hbm>>
      %dma_start3A_22 = arith.constant 0 : i32
      %dma_start3A_23 = tpu.memref_slice %arg14[%mul3A_6, %dma_start3A_22] : memref<10240x64xf32, #tpu.memory_space<vmem_shared>> -> memref<640x64xf32, #tpu.memory_space<vmem_shared>>
      tpu.enqueue_dma source(%dma_start3A_23 : memref<640x64xf32, #tpu.memory_space<vmem_shared>>) target(%dma_start3A_21 : memref<640x64xf32, #tpu.memory_space<hbm>>) target_semaphore(%run_scoped3A : memref<!tpu.dma_semaphore, #tpu.memory_space<semaphore_mem>>)
      %dma_wait3A = arith.constant 0 : i32
      %dma_wait3A_24 = tpu.memref_slice %arg5[%arg0, %mul3A_6, %dma_wait3A] : memref<2x10240x64xf32, #tpu.memory_space<hbm>> -> memref<1x640x64xf32, #tpu.memory_space<hbm>>
      %dma_wait3A_25 = tpu.memref_squeeze %dma_wait3A_24 : memref<1x640x64xf32, #tpu.memory_space<hbm>> -> memref<640x64xf32, #tpu.memory_space<hbm>>
      %dma_wait3A_26 = arith.constant 0 : i32
      %dma_wait3A_27 = tpu.memref_slice %arg14[%mul3A_6, %dma_wait3A_26] : memref<10240x64xf32, #tpu.memory_space<vmem_shared>> -> memref<640x64xf32, #tpu.memory_space<vmem_shared>>
      tpu.wait_dma2 semaphore(%run_scoped3A : memref<!tpu.dma_semaphore, #tpu.memory_space<semaphore_mem>>) src(%dma_wait3A_27 : memref<640x64xf32, #tpu.memory_space<vmem_shared>>) dst(%dma_wait3A_25 : memref<640x64xf32, #tpu.memory_space<hbm>>)
      tpu.yield
    }) : () -> ()
    return
  }
}

#map = affine_map<(d0, d1) -> (0, 0, 0, 0)>
#map1 = affine_map<(d0, d1) -> (0, 0)>
module attributes {stable_mosaic.version = 14 : i64} {
  func.func @_sc_deg(%arg0: i32, %arg1: i32, %arg2: memref<2x16x80x128xi32, #tpu.memory_space<hbm>>, %arg3: memref<2x10240xf32, #tpu.memory_space<hbm>>, %arg4: memref<80x128xi32, #tpu.memory_space<vmem>>, %arg5: memref<128xf32, #tpu.memory_space<vmem>>, %arg6: memref<640xf32, #tpu.memory_space<vmem>>, %arg7: memref<10240xf32, #tpu.memory_space<vmem_shared>>) attributes {dimension_semantics = [#tpu.dimension_semantics<core_parallel>, #tpu.dimension_semantics<subcore_parallel>], iteration_bounds = array<i64: 2, 16>, scalar_prefetch = 0 : i64, scratch_operands = 4 : i64, tpu.core_type = #tpu.core_type<sc_vector_subcore>, window_params = [{transform_indices = #map}, {transform_indices = #map1}]} {
    "tpu.region"() ({
      %run_scoped3A = tpu.sem_alloc : memref<!tpu.dma_semaphore, #tpu.memory_space<semaphore_mem>>
      %dma_start3A = arith.constant 0 : i32
      %dma_start3A_47 = arith.constant 0 : i32
      %dma_start3A_48 = tpu.memref_slice %arg2[%arg0, %arg1, %dma_start3A, %dma_start3A_47] : memref<2x16x80x128xi32, #tpu.memory_space<hbm>> -> memref<1x1x80x128xi32, #tpu.memory_space<hbm>>
      %dma_start3A_49 = tpu.memref_squeeze %dma_start3A_48 : memref<1x1x80x128xi32, #tpu.memory_space<hbm>> -> memref<80x128xi32, #tpu.memory_space<hbm>>
      %dma_start3A_50 = arith.constant 0 : i32
      %dma_start3A_51 = arith.constant 0 : i32
      %dma_start3A_52 = tpu.memref_slice %arg2[%arg0, %arg1, %dma_start3A_50, %dma_start3A_51] : memref<2x16x80x128xi32, #tpu.memory_space<hbm>> -> memref<1x1x80x128xi32, #tpu.memory_space<hbm>>
      %dma_start3A_53 = tpu.memref_squeeze %dma_start3A_52 : memref<1x1x80x128xi32, #tpu.memory_space<hbm>> -> memref<80x128xi32, #tpu.memory_space<hbm>>
      tpu.enqueue_dma source(%dma_start3A_53 : memref<80x128xi32, #tpu.memory_space<hbm>>) target(%arg4 : memref<80x128xi32, #tpu.memory_space<vmem>>) target_semaphore(%run_scoped3A : memref<!tpu.dma_semaphore, #tpu.memory_space<semaphore_mem>>)
      %dma_wait3A = arith.constant 0 : i32
      %dma_wait3A_54 = arith.constant 0 : i32
      %dma_wait3A_55 = tpu.memref_slice %arg2[%arg0, %arg1, %dma_wait3A, %dma_wait3A_54] : memref<2x16x80x128xi32, #tpu.memory_space<hbm>> -> memref<1x1x80x128xi32, #tpu.memory_space<hbm>>
      %dma_wait3A_56 = tpu.memref_squeeze %dma_wait3A_55 : memref<1x1x80x128xi32, #tpu.memory_space<hbm>> -> memref<80x128xi32, #tpu.memory_space<hbm>>
      %dma_wait3A_57 = arith.constant 0 : i32
      %dma_wait3A_58 = arith.constant 0 : i32
      %dma_wait3A_59 = tpu.memref_slice %arg2[%arg0, %arg1, %dma_wait3A_57, %dma_wait3A_58] : memref<2x16x80x128xi32, #tpu.memory_space<hbm>> -> memref<1x1x80x128xi32, #tpu.memory_space<hbm>>
      %dma_wait3A_60 = tpu.memref_squeeze %dma_wait3A_59 : memref<1x1x80x128xi32, #tpu.memory_space<hbm>> -> memref<80x128xi32, #tpu.memory_space<hbm>>
      tpu.wait_dma2 semaphore(%run_scoped3A : memref<!tpu.dma_semaphore, #tpu.memory_space<semaphore_mem>>) src(%dma_wait3A_60 : memref<80x128xi32, #tpu.memory_space<hbm>>) dst(%arg4 : memref<80x128xi32, #tpu.memory_space<vmem>>)
      tpu.yield
    }) : () -> ()
    %broadcast_in_dim3A = arith.constant 1.000000e+00 : f32
    %broadcast_in_dim3A_0 = vector.broadcast %broadcast_in_dim3A : f32 to vector<16xf32>
    %swap3A = arith.constant 0 : index
    %swap3A_1 = tpu.vector_load %arg5[%swap3A] {strides = array<i32>} : memref<128xf32, #tpu.memory_space<vmem>>, vector<16xf32>,
    %swap3A_2 = vector.shape_cast %swap3A_1 : vector<16xf32> to vector<16xf32>
    %swap3A_3 = vector.shape_cast %broadcast_in_dim3A_0 : vector<16xf32> to vector<16xf32>
    tpu.vector_store %arg5[%swap3A], %swap3A_3 {strides = array<i32>} : memref<128xf32, #tpu.memory_space<vmem>>, vector<16xf32>,
    %swap3A_4 = arith.constant 16 : index
    %swap3A_5 = tpu.vector_load %arg5[%swap3A_4] {strides = array<i32>} : memref<128xf32, #tpu.memory_space<vmem>>, vector<16xf32>,
    %swap3A_6 = vector.shape_cast %swap3A_5 : vector<16xf32> to vector<16xf32>
    %swap3A_7 = vector.shape_cast %broadcast_in_dim3A_0 : vector<16xf32> to vector<16xf32>
    tpu.vector_store %arg5[%swap3A_4], %swap3A_7 {strides = array<i32>} : memref<128xf32, #tpu.memory_space<vmem>>, vector<16xf32>,
    %swap3A_8 = arith.constant 32 : index
    %swap3A_9 = tpu.vector_load %arg5[%swap3A_8] {strides = array<i32>} : memref<128xf32, #tpu.memory_space<vmem>>, vector<16xf32>,
    %swap3A_10 = vector.shape_cast %swap3A_9 : vector<16xf32> to vector<16xf32>
    %swap3A_11 = vector.shape_cast %broadcast_in_dim3A_0 : vector<16xf32> to vector<16xf32>
    tpu.vector_store %arg5[%swap3A_8], %swap3A_11 {strides = array<i32>} : memref<128xf32, #tpu.memory_space<vmem>>, vector<16xf32>,
    %swap3A_12 = arith.constant 48 : index
    %swap3A_13 = tpu.vector_load %arg5[%swap3A_12] {strides = array<i32>} : memref<128xf32, #tpu.memory_space<vmem>>, vector<16xf32>,
    %swap3A_14 = vector.shape_cast %swap3A_13 : vector<16xf32> to vector<16xf32>
    %swap3A_15 = vector.shape_cast %broadcast_in_dim3A_0 : vector<16xf32> to vector<16xf32>
    tpu.vector_store %arg5[%swap3A_12], %swap3A_15 {strides = array<i32>} : memref<128xf32, #tpu.memory_space<vmem>>, vector<16xf32>,
    %swap3A_16 = arith.constant 64 : index
    %swap3A_17 = tpu.vector_load %arg5[%swap3A_16] {strides = array<i32>} : memref<128xf32, #tpu.memory_space<vmem>>, vector<16xf32>,
    %swap3A_18 = vector.shape_cast %swap3A_17 : vector<16xf32> to vector<16xf32>
    %swap3A_19 = vector.shape_cast %broadcast_in_dim3A_0 : vector<16xf32> to vector<16xf32>
    tpu.vector_store %arg5[%swap3A_16], %swap3A_19 {strides = array<i32>} : memref<128xf32, #tpu.memory_space<vmem>>, vector<16xf32>,
    %swap3A_20 = arith.constant 80 : index
    %swap3A_21 = tpu.vector_load %arg5[%swap3A_20] {strides = array<i32>} : memref<128xf32, #tpu.memory_space<vmem>>, vector<16xf32>,
    %swap3A_22 = vector.shape_cast %swap3A_21 : vector<16xf32> to vector<16xf32>
    %swap3A_23 = vector.shape_cast %broadcast_in_dim3A_0 : vector<16xf32> to vector<16xf32>
    tpu.vector_store %arg5[%swap3A_20], %swap3A_23 {strides = array<i32>} : memref<128xf32, #tpu.memory_space<vmem>>, vector<16xf32>,
    %swap3A_24 = arith.constant 96 : index
    %swap3A_25 = tpu.vector_load %arg5[%swap3A_24] {strides = array<i32>} : memref<128xf32, #tpu.memory_space<vmem>>, vector<16xf32>,
    %swap3A_26 = vector.shape_cast %swap3A_25 : vector<16xf32> to vector<16xf32>
    %swap3A_27 = vector.shape_cast %broadcast_in_dim3A_0 : vector<16xf32> to vector<16xf32>
    tpu.vector_store %arg5[%swap3A_24], %swap3A_27 {strides = array<i32>} : memref<128xf32, #tpu.memory_space<vmem>>, vector<16xf32>,
    %swap3A_28 = arith.constant 112 : index
    %swap3A_29 = tpu.vector_load %arg5[%swap3A_28] {strides = array<i32>} : memref<128xf32, #tpu.memory_space<vmem>>, vector<16xf32>,
    %swap3A_30 = vector.shape_cast %swap3A_29 : vector<16xf32> to vector<16xf32>
    %swap3A_31 = vector.shape_cast %broadcast_in_dim3A_0 : vector<16xf32> to vector<16xf32>
    tpu.vector_store %arg5[%swap3A_28], %swap3A_31 {strides = array<i32>} : memref<128xf32, #tpu.memory_space<vmem>>, vector<16xf32>,
    %broadcast_in_dim3A_32 = arith.constant 0.000000e+00 : f32
    %broadcast_in_dim3A_33 = vector.broadcast %broadcast_in_dim3A_32 : f32 to vector<16xf32>
    %scan3A = arith.constant 0 : i32
    %scan3A_34 = arith.constant 0 : i32
    %scan3A_35 = arith.constant 40 : i32
    %scan3A_36 = arith.addi %scan3A_34, %scan3A_35 : i32
    %scan3A_37 = arith.constant 1 : i32
    scf.for %scan3A_47 = %scan3A_34 to %scan3A_36 step %scan3A_37  : i32 {
      %mul3A_48 = arith.constant 16 : i32
      %mul3A_49 = arith.muli %scan3A_47, %mul3A_48 : i32
      %swap3A_50 = arith.index_cast %mul3A_49 : i32 to index
      %swap3A_51 = tpu.vector_load %arg6[%swap3A_50] {strides = array<i32>} : memref<640xf32, #tpu.memory_space<vmem>>, vector<16xf32>,
      %swap3A_52 = vector.shape_cast %swap3A_51 : vector<16xf32> to vector<16xf32>
      %swap3A_53 = vector.shape_cast %broadcast_in_dim3A_33 : vector<16xf32> to vector<16xf32>
      tpu.vector_store %arg6[%swap3A_50], %swap3A_53 {strides = array<i32>} : memref<640xf32, #tpu.memory_space<vmem>>, vector<16xf32>,
    }
    %scan3A_38 = arith.constant 40 : i32
    %mul3A = arith.constant 640 : i32
    %mul3A_39 = arith.muli %arg1, %mul3A : i32
    "tpu.region"() ({
      %run_scoped3A = tpu.sem_alloc : memref<!tpu.dma_semaphore, #tpu.memory_space<semaphore_mem>>
      %dma_start3A = tpu.memref_slice %arg7[%mul3A_39] : memref<10240xf32, #tpu.memory_space<vmem_shared>> -> memref<640xf32, #tpu.memory_space<vmem_shared>>
      %dma_start3A_47 = tpu.memref_slice %arg7[%mul3A_39] : memref<10240xf32, #tpu.memory_space<vmem_shared>> -> memref<640xf32, #tpu.memory_space<vmem_shared>>
      tpu.enqueue_dma source(%arg6 : memref<640xf32, #tpu.memory_space<vmem>>) target(%dma_start3A_47 : memref<640xf32, #tpu.memory_space<vmem_shared>>) target_semaphore(%run_scoped3A : memref<!tpu.dma_semaphore, #tpu.memory_space<semaphore_mem>>)
      %dma_wait3A = tpu.memref_slice %arg7[%mul3A_39] : memref<10240xf32, #tpu.memory_space<vmem_shared>> -> memref<640xf32, #tpu.memory_space<vmem_shared>>
      %dma_wait3A_48 = tpu.memref_slice %arg7[%mul3A_39] : memref<10240xf32, #tpu.memory_space<vmem_shared>> -> memref<640xf32, #tpu.memory_space<vmem_shared>>
      tpu.wait_dma2 semaphore(%run_scoped3A : memref<!tpu.dma_semaphore, #tpu.memory_space<semaphore_mem>>) src(%arg6 : memref<640xf32, #tpu.memory_space<vmem>>) dst(%dma_wait3A_48 : memref<640xf32, #tpu.memory_space<vmem_shared>>)
      tpu.yield
    }) : () -> ()
    %barrier3A = arith.constant 0 : index
    tpu.barrier barrier_id(%barrier3A)
    %scan3A_40 = arith.constant 0 : i32
    %scan3A_41 = arith.constant 0 : i32
    %scan3A_42 = arith.constant 80 : i32
    %scan3A_43 = arith.addi %scan3A_41, %scan3A_42 : i32
    %scan3A_44 = arith.constant 1 : i32
    scf.for %scan3A_47 = %scan3A_41 to %scan3A_43 step %scan3A_44  : i32 {
      "tpu.region"() ({
        %run_scoped3A = tpu.sem_alloc : memref<!tpu.dma_semaphore, #tpu.memory_space<semaphore_mem>>
        %dma_start3A = arith.constant 0 : i32
        %dma_start3A_48 = tpu.memref_slice %arg4[%scan3A_47, %dma_start3A] : memref<80x128xi32, #tpu.memory_space<vmem>> -> memref<1x128xi32, #tpu.memory_space<vmem>>
        %dma_start3A_49 = tpu.memref_squeeze %dma_start3A_48 : memref<1x128xi32, #tpu.memory_space<vmem>> -> memref<128xi32, #tpu.memory_space<vmem>>
        %dma_start3A_50 = arith.constant 0 : i32
        %dma_start3A_51 = tpu.memref_slice %arg7[%dma_start3A_50] : memref<10240xf32, #tpu.memory_space<vmem_shared>> -> memref<10240xf32, #tpu.memory_space<vmem_shared>>
        tpu.enqueue_indirect_dma source(%arg5 : memref<128xf32, #tpu.memory_space<vmem>>) target(%dma_start3A_51 : memref<10240xf32, #tpu.memory_space<vmem_shared>>) offsets(%dma_start3A_49 : memref<128xi32, #tpu.memory_space<vmem>>) semaphore(%run_scoped3A : memref<!tpu.dma_semaphore, #tpu.memory_space<semaphore_mem>>) {add = true}
        %dma_wait3A = arith.constant 0 : i32
        %dma_wait3A_52 = tpu.memref_slice %arg4[%scan3A_47, %dma_wait3A] : memref<80x128xi32, #tpu.memory_space<vmem>> -> memref<1x128xi32, #tpu.memory_space<vmem>>
        %dma_wait3A_53 = tpu.memref_squeeze %dma_wait3A_52 : memref<1x128xi32, #tpu.memory_space<vmem>> -> memref<128xi32, #tpu.memory_space<vmem>>
        %dma_wait3A_54 = arith.constant 0 : i32
        %dma_wait3A_55 = tpu.memref_slice %arg7[%dma_wait3A_54] : memref<10240xf32, #tpu.memory_space<vmem_shared>> -> memref<10240xf32, #tpu.memory_space<vmem_shared>>
        tpu.wait_indirect_dma semaphore(%run_scoped3A : memref<!tpu.dma_semaphore, #tpu.memory_space<semaphore_mem>>) src(%arg5 : memref<128xf32, #tpu.memory_space<vmem>>) dst(%dma_wait3A_55 : memref<10240xf32, #tpu.memory_space<vmem_shared>>)
        tpu.yield
      }) : () -> ()
    }
    %scan3A_45 = arith.constant 80 : i32
    %barrier3A_46 = arith.constant 0 : index
    tpu.barrier barrier_id(%barrier3A_46)
    "tpu.region"() ({
      %run_scoped3A = tpu.sem_alloc : memref<!tpu.dma_semaphore, #tpu.memory_space<semaphore_mem>>
      %dma_start3A = tpu.memref_slice %arg3[%arg0, %mul3A_39] : memref<2x10240xf32, #tpu.memory_space<hbm>> -> memref<1x640xf32, #tpu.memory_space<hbm>>
      %dma_start3A_47 = tpu.memref_squeeze %dma_start3A : memref<1x640xf32, #tpu.memory_space<hbm>> -> memref<640xf32, #tpu.memory_space<hbm>>
      %dma_start3A_48 = tpu.memref_slice %arg7[%mul3A_39] : memref<10240xf32, #tpu.memory_space<vmem_shared>> -> memref<640xf32, #tpu.memory_space<vmem_shared>>
      tpu.enqueue_dma source(%dma_start3A_48 : memref<640xf32, #tpu.memory_space<vmem_shared>>) target(%dma_start3A_47 : memref<640xf32, #tpu.memory_space<hbm>>) target_semaphore(%run_scoped3A : memref<!tpu.dma_semaphore, #tpu.memory_space<semaphore_mem>>)
      %dma_wait3A = tpu.memref_slice %arg3[%arg0, %mul3A_39] : memref<2x10240xf32, #tpu.memory_space<hbm>> -> memref<1x640xf32, #tpu.memory_space<hbm>>
      %dma_wait3A_49 = tpu.memref_squeeze %dma_wait3A : memref<1x640xf32, #tpu.memory_space<hbm>> -> memref<640xf32, #tpu.memory_space<hbm>>
      %dma_wait3A_50 = tpu.memref_slice %arg7[%mul3A_39] : memref<10240xf32, #tpu.memory_space<vmem_shared>> -> memref<640xf32, #tpu.memory_space<vmem_shared>>
      tpu.wait_dma2 semaphore(%run_scoped3A : memref<!tpu.dma_semaphore, #tpu.memory_space<semaphore_mem>>) src(%dma_wait3A_50 : memref<640xf32, #tpu.memory_space<vmem_shared>>) dst(%dma_wait3A_49 : memref<640xf32, #tpu.memory_space<hbm>>)
      tpu.yield
    }) : () -> ()
    return
  }
}

module attributes {stable_mosaic.version = 14 : i64} {
  func.func @_mm_body(%arg0: memref<10000x128xf32, #tpu.memory_space<vmem>>, %arg1: memref<128x128xf32, #tpu.memory_space<vmem>>, %arg2: memref<10000x128xf32, #tpu.memory_space<vmem>>) attributes {dimension_semantics = [], scalar_prefetch = 0 : i64, scratch_operands = 0 : i64, tpu.core_type = #tpu.core_type<tc>} {
    %get3A = arith.constant 0 : index
    %get3A_0 = arith.constant 0 : index
    %get3A_1 = vector.load %arg0[%get3A, %get3A_0] : memref<10000x128xf32, #tpu.memory_space<vmem>>, vector<10000x128xf32>
    %get3A_2 = arith.constant 0 : index
    %get3A_3 = arith.constant 0 : index
    %get3A_4 = vector.load %arg1[%get3A_2, %get3A_3] : memref<128x128xf32, #tpu.memory_space<vmem>>, vector<128x128xf32>
    %dot_general3A = arith.constant dense<0.000000e+00> : vector<10000x128xf32>
    %dot_general3A_5 = tpu.matmul %get3A_1, %get3A_4, %dot_general3A {dimension_numbers = #tpu.dot_dimension_numbers<[1], [0], [0], [1], [0, 0, 1, 1], [], []>, precision = #tpu.contract_precision<fp32>, transpose_lhs_hint = false} : vector<10000x128xf32>, vector<128x128xf32>, vector<10000x128xf32> -> vector<10000x128xf32>
    %swap3A = arith.constant 0 : index
    %swap3A_6 = arith.constant 0 : index
    %swap3A_7 = vector.load %arg2[%swap3A, %swap3A_6] : memref<10000x128xf32, #tpu.memory_space<vmem>>, vector<10000x128xf32>
    tpu.vector_store %arg2[%swap3A, %swap3A_6], %dot_general3A_5 {strides = array<i32>} : memref<10000x128xf32, #tpu.memory_space<vmem>>, vector<10000x128xf32>,
    return
  }
}

module attributes {stable_mosaic.version = 14 : i64} {
  func.func @_finish_deg_body(%arg0: memref<2x10240xf32, #tpu.memory_space<vmem>>, %arg1: memref<10000x128xf32, #tpu.memory_space<vmem>>, %arg2: memref<10000x1xf32, #tpu.memory_space<vmem>>, %arg3: memref<2x10000x64xf32, #tpu.memory_space<vmem>>) attributes {dimension_semantics = [], scalar_prefetch = 0 : i64, scratch_operands = 0 : i64, tpu.core_type = #tpu.core_type<tc>} {
    %get3A = arith.constant 0 : index
    %get3A_0 = arith.constant 0 : index
    %get3A_1 = vector.load %arg0[%get3A, %get3A_0] : memref<2x10240xf32, #tpu.memory_space<vmem>>, vector<1x10240xf32>
    %get3A_2 = vector.shape_cast %get3A_1 : vector<1x10240xf32> to vector<10240xf32>
    %get3A_3 = arith.constant 1 : index
    %get3A_4 = arith.constant 0 : index
    %get3A_5 = vector.load %arg0[%get3A_3, %get3A_4] : memref<2x10240xf32, #tpu.memory_space<vmem>>, vector<1x10240xf32>
    %get3A_6 = vector.shape_cast %get3A_5 : vector<1x10240xf32> to vector<10240xf32>
    %add3A = arith.addf %get3A_2, %get3A_6 : vector<10240xf32>
    %add3A_7 = arith.constant 1.000000e+00 : f32
    %add3A_8 = vector.broadcast %add3A_7 : f32 to vector<10240xf32>
    %add3A_9 = arith.addf %add3A, %add3A_8 : vector<10240xf32>
    %rsqrt3A = math.rsqrt %add3A_9 : vector<10240xf32>
    %slice3A = vector.extract_strided_slice %rsqrt3A {offsets = [0], sizes = [10000], strides = [1]} : vector<10240xf32> to vector<10000xf32>
    %broadcast_in_dim3A = vector.shape_cast %slice3A : vector<10000xf32> to vector<10000x1xf32>
    %swap3A = arith.constant 0 : index
    %swap3A_10 = arith.constant 0 : index
    %swap3A_11 = vector.load %arg2[%swap3A, %swap3A_10] : memref<10000x1xf32, #tpu.memory_space<vmem>>, vector<10000x1xf32>
    tpu.vector_store %arg2[%swap3A, %swap3A_10], %broadcast_in_dim3A {strides = array<i32>} : memref<10000x1xf32, #tpu.memory_space<vmem>>, vector<10000x1xf32>,
    %get3A_12 = arith.constant 0 : index
    %get3A_13 = arith.constant 0 : index
    %get3A_14 = vector.load %arg1[%get3A_12, %get3A_13] : memref<10000x128xf32, #tpu.memory_space<vmem>>, vector<10000x128xf32>
    %mul3A = vector.broadcast %broadcast_in_dim3A : vector<10000x1xf32> to vector<10000x128xf32>
    %mul3A_15 = arith.mulf %mul3A, %get3A_14 : vector<10000x128xf32>
    %slice3A_16 = vector.extract_strided_slice %mul3A_15 {offsets = [0, 0], sizes = [10000, 64], strides = [1, 1]} : vector<10000x128xf32> to vector<10000x64xf32>
    %swap3A_17 = arith.constant 0 : index
    %swap3A_18 = arith.constant 0 : index
    %swap3A_19 = arith.constant 0 : index
    %swap3A_20 = vector.load %arg3[%swap3A_17, %swap3A_18, %swap3A_19] : memref<2x10000x64xf32, #tpu.memory_space<vmem>>, vector<1x10000x64xf32>
    %swap3A_21 = vector.shape_cast %swap3A_20 : vector<1x10000x64xf32> to vector<10000x64xf32>
    %swap3A_22 = vector.shape_cast %slice3A_16 : vector<10000x64xf32> to vector<1x10000x64xf32>
    tpu.vector_store %arg3[%swap3A_17, %swap3A_18, %swap3A_19], %swap3A_22 {strides = array<i32>} : memref<2x10000x64xf32, #tpu.memory_space<vmem>>, vector<1x10000x64xf32>,
    %slice3A_23 = vector.extract_strided_slice %mul3A_15 {offsets = [0, 64], sizes = [10000, 64], strides = [1, 1]} : vector<10000x128xf32> to vector<10000x64xf32>
    %swap3A_24 = arith.constant 1 : index
    %swap3A_25 = arith.constant 0 : index
    %swap3A_26 = arith.constant 0 : index
    %swap3A_27 = vector.load %arg3[%swap3A_24, %swap3A_25, %swap3A_26] : memref<2x10000x64xf32, #tpu.memory_space<vmem>>, vector<1x10000x64xf32>
    %swap3A_28 = vector.shape_cast %swap3A_27 : vector<1x10000x64xf32> to vector<10000x64xf32>
    %swap3A_29 = vector.shape_cast %slice3A_23 : vector<10000x64xf32> to vector<1x10000x64xf32>
    tpu.vector_store %arg3[%swap3A_24, %swap3A_25, %swap3A_26], %swap3A_29 {strides = array<i32>} : memref<2x10000x64xf32, #tpu.memory_space<vmem>>, vector<1x10000x64xf32>,
    return
  }
}

module attributes {stable_mosaic.version = 14 : i64} {
  func.func @_layer_body(%arg0: memref<2x10240x64xf32, #tpu.memory_space<vmem>>, %arg1: memref<2x10000x64xf32, #tpu.memory_space<vmem>>, %arg2: memref<10000x1xf32, #tpu.memory_space<vmem>>, %arg3: memref<1x128xf32, #tpu.memory_space<vmem>>, %arg4: memref<128x128xf32, #tpu.memory_space<vmem>>, %arg5: memref<2x10000x64xf32, #tpu.memory_space<vmem>>) attributes {dimension_semantics = [], scalar_prefetch = 0 : i64, scratch_operands = 0 : i64, tpu.core_type = #tpu.core_type<tc>} {
    %get3A = arith.constant 0 : index
    %get3A_0 = arith.constant 0 : index
    %get3A_1 = vector.load %arg2[%get3A, %get3A_0] : memref<10000x1xf32, #tpu.memory_space<vmem>>, vector<10000x1xf32>
    %get3A_2 = arith.constant 0 : index
    %get3A_3 = arith.constant 0 : index
    %get3A_4 = arith.constant 0 : index
    %get3A_5 = vector.load %arg0[%get3A_2, %get3A_3, %get3A_4] : memref<2x10240x64xf32, #tpu.memory_space<vmem>>, vector<1x10000x64xf32>
    %get3A_6 = vector.shape_cast %get3A_5 : vector<1x10000x64xf32> to vector<10000x64xf32>
    %get3A_7 = arith.constant 1 : index
    %get3A_8 = arith.constant 0 : index
    %get3A_9 = arith.constant 0 : index
    %get3A_10 = vector.load %arg0[%get3A_7, %get3A_8, %get3A_9] : memref<2x10240x64xf32, #tpu.memory_space<vmem>>, vector<1x10000x64xf32>
    %get3A_11 = vector.shape_cast %get3A_10 : vector<1x10000x64xf32> to vector<10000x64xf32>
    %concatenate3A = tpu.concatenate %get3A_6, %get3A_11 in 1 : vector<10000x64xf32>, vector<10000x64xf32> -> vector<10000x128xf32>
    %get3A_12 = arith.constant 0 : index
    %get3A_13 = arith.constant 0 : index
    %get3A_14 = arith.constant 0 : index
    %get3A_15 = vector.load %arg1[%get3A_12, %get3A_13, %get3A_14] : memref<2x10000x64xf32, #tpu.memory_space<vmem>>, vector<1x10000x64xf32>
    %get3A_16 = vector.shape_cast %get3A_15 : vector<1x10000x64xf32> to vector<10000x64xf32>
    %get3A_17 = arith.constant 1 : index
    %get3A_18 = arith.constant 0 : index
    %get3A_19 = arith.constant 0 : index
    %get3A_20 = vector.load %arg1[%get3A_17, %get3A_18, %get3A_19] : memref<2x10000x64xf32, #tpu.memory_space<vmem>>, vector<1x10000x64xf32>
    %get3A_21 = vector.shape_cast %get3A_20 : vector<1x10000x64xf32> to vector<10000x64xf32>
    %concatenate3A_22 = tpu.concatenate %get3A_16, %get3A_21 in 1 : vector<10000x64xf32>, vector<10000x64xf32> -> vector<10000x128xf32>
    %add3A = arith.addf %concatenate3A, %concatenate3A_22 : vector<10000x128xf32>
    %mul3A = vector.broadcast %get3A_1 : vector<10000x1xf32> to vector<10000x128xf32>
    %mul3A_23 = arith.mulf %mul3A, %add3A : vector<10000x128xf32>
    %get3A_24 = arith.constant 0 : index
    %get3A_25 = arith.constant 0 : index
    %get3A_26 = vector.load %arg3[%get3A_24, %get3A_25] : memref<1x128xf32, #tpu.memory_space<vmem>>, vector<1x128xf32>
    %add3A_27 = vector.broadcast %get3A_26 : vector<1x128xf32> to vector<10000x128xf32>
    %add3A_28 = arith.addf %mul3A_23, %add3A_27 : vector<10000x128xf32>
    %max3A = arith.constant 0.000000e+00 : f32
    %max3A_29 = vector.broadcast %max3A : f32 to vector<10000x128xf32>
    %max3A_30 = arith.maximumf %add3A_28, %max3A_29 : vector<10000x128xf32>
    %get3A_31 = arith.constant 0 : index
    %get3A_32 = arith.constant 0 : index
    %get3A_33 = vector.load %arg4[%get3A_31, %get3A_32] : memref<128x128xf32, #tpu.memory_space<vmem>>, vector<128x128xf32>
    %dot_general3A = arith.constant dense<0.000000e+00> : vector<10000x128xf32>
    %dot_general3A_34 = tpu.matmul %max3A_30, %get3A_33, %dot_general3A {dimension_numbers = #tpu.dot_dimension_numbers<[1], [0], [0], [1], [0, 0, 1, 1], [], []>, precision = #tpu.contract_precision<fp32>, transpose_lhs_hint = false} : vector<10000x128xf32>, vector<128x128xf32>, vector<10000x128xf32> -> vector<10000x128xf32>
    %mul3A_35 = vector.broadcast %get3A_1 : vector<10000x1xf32> to vector<10000x128xf32>
    %mul3A_36 = arith.mulf %mul3A_35, %dot_general3A_34 : vector<10000x128xf32>
    %slice3A = vector.extract_strided_slice %mul3A_36 {offsets = [0, 0], sizes = [10000, 64], strides = [1, 1]} : vector<10000x128xf32> to vector<10000x64xf32>
    %swap3A = arith.constant 0 : index
    %swap3A_37 = arith.constant 0 : index
    %swap3A_38 = arith.constant 0 : index
    %swap3A_39 = vector.load %arg5[%swap3A, %swap3A_37, %swap3A_38] : memref<2x10000x64xf32, #tpu.memory_space<vmem>>, vector<1x10000x64xf32>
    %swap3A_40 = vector.shape_cast %swap3A_39 : vector<1x10000x64xf32> to vector<10000x64xf32>
    %swap3A_41 = vector.shape_cast %slice3A : vector<10000x64xf32> to vector<1x10000x64xf32>
    tpu.vector_store %arg5[%swap3A, %swap3A_37, %swap3A_38], %swap3A_41 {strides = array<i32>} : memref<2x10000x64xf32, #tpu.memory_space<vmem>>, vector<1x10000x64xf32>,
    %slice3A_42 = vector.extract_strided_slice %mul3A_36 {offsets = [0, 64], sizes = [10000, 64], strides = [1, 1]} : vector<10000x128xf32> to vector<10000x64xf32>
    %swap3A_43 = arith.constant 1 : index
    %swap3A_44 = arith.constant 0 : index
    %swap3A_45 = arith.constant 0 : index
    %swap3A_46 = vector.load %arg5[%swap3A_43, %swap3A_44, %swap3A_45] : memref<2x10000x64xf32, #tpu.memory_space<vmem>>, vector<1x10000x64xf32>
    %swap3A_47 = vector.shape_cast %swap3A_46 : vector<1x10000x64xf32> to vector<10000x64xf32>
    %swap3A_48 = vector.shape_cast %slice3A_42 : vector<10000x64xf32> to vector<1x10000x64xf32>
    tpu.vector_store %arg5[%swap3A_43, %swap3A_44, %swap3A_45], %swap3A_48 {strides = array<i32>} : memref<2x10000x64xf32, #tpu.memory_space<vmem>>, vector<1x10000x64xf32>,
    return
  }
}

module attributes {stable_mosaic.version = 14 : i64} {
  func.func @_lstm_body(%arg0: memref<2x10240x64xf32, #tpu.memory_space<vmem>>, %arg1: memref<2x10000x64xf32, #tpu.memory_space<vmem>>, %arg2: memref<10000x1xf32, #tpu.memory_space<vmem>>, %arg3: memref<1x128xf32, #tpu.memory_space<vmem>>, %arg4: memref<512x128xf32, #tpu.memory_space<vmem>>, %arg5: memref<1x512xf32, #tpu.memory_space<vmem>>, %arg6: memref<2x10000x64xf32, #tpu.memory_space<vmem>>) attributes {dimension_semantics = [], scalar_prefetch = 0 : i64, scratch_operands = 0 : i64, tpu.core_type = #tpu.core_type<tc>} {
    %get3A = arith.constant 0 : index
    %get3A_0 = arith.constant 0 : index
    %get3A_1 = vector.load %arg2[%get3A, %get3A_0] : memref<10000x1xf32, #tpu.memory_space<vmem>>, vector<10000x1xf32>
    %get3A_2 = arith.constant 0 : index
    %get3A_3 = arith.constant 0 : index
    %get3A_4 = arith.constant 0 : index
    %get3A_5 = vector.load %arg0[%get3A_2, %get3A_3, %get3A_4] : memref<2x10240x64xf32, #tpu.memory_space<vmem>>, vector<1x10000x64xf32>
    %get3A_6 = vector.shape_cast %get3A_5 : vector<1x10000x64xf32> to vector<10000x64xf32>
    %get3A_7 = arith.constant 1 : index
    %get3A_8 = arith.constant 0 : index
    %get3A_9 = arith.constant 0 : index
    %get3A_10 = vector.load %arg0[%get3A_7, %get3A_8, %get3A_9] : memref<2x10240x64xf32, #tpu.memory_space<vmem>>, vector<1x10000x64xf32>
    %get3A_11 = vector.shape_cast %get3A_10 : vector<1x10000x64xf32> to vector<10000x64xf32>
    %concatenate3A = tpu.concatenate %get3A_6, %get3A_11 in 1 : vector<10000x64xf32>, vector<10000x64xf32> -> vector<10000x128xf32>
    %get3A_12 = arith.constant 0 : index
    %get3A_13 = arith.constant 0 : index
    %get3A_14 = arith.constant 0 : index
    %get3A_15 = vector.load %arg1[%get3A_12, %get3A_13, %get3A_14] : memref<2x10000x64xf32, #tpu.memory_space<vmem>>, vector<1x10000x64xf32>
    %get3A_16 = vector.shape_cast %get3A_15 : vector<1x10000x64xf32> to vector<10000x64xf32>
    %get3A_17 = arith.constant 1 : index
    %get3A_18 = arith.constant 0 : index
    %get3A_19 = arith.constant 0 : index
    %get3A_20 = vector.load %arg1[%get3A_17, %get3A_18, %get3A_19] : memref<2x10000x64xf32, #tpu.memory_space<vmem>>, vector<1x10000x64xf32>
    %get3A_21 = vector.shape_cast %get3A_20 : vector<1x10000x64xf32> to vector<10000x64xf32>
    %concatenate3A_22 = tpu.concatenate %get3A_16, %get3A_21 in 1 : vector<10000x64xf32>, vector<10000x64xf32> -> vector<10000x128xf32>
    %add3A = arith.addf %concatenate3A, %concatenate3A_22 : vector<10000x128xf32>
    %mul3A = vector.broadcast %get3A_1 : vector<10000x1xf32> to vector<10000x128xf32>
    %mul3A_23 = arith.mulf %mul3A, %add3A : vector<10000x128xf32>
    %get3A_24 = arith.constant 0 : index
    %get3A_25 = arith.constant 0 : index
    %get3A_26 = vector.load %arg3[%get3A_24, %get3A_25] : memref<1x128xf32, #tpu.memory_space<vmem>>, vector<1x128xf32>
    %add3A_27 = vector.broadcast %get3A_26 : vector<1x128xf32> to vector<10000x128xf32>
    %add3A_28 = arith.addf %mul3A_23, %add3A_27 : vector<10000x128xf32>
    %max3A = arith.constant 0.000000e+00 : f32
    %max3A_29 = vector.broadcast %max3A : f32 to vector<10000x128xf32>
    %max3A_30 = arith.maximumf %add3A_28, %max3A_29 : vector<10000x128xf32>
    %reduce_sum3A = arith.constant dense<0.000000e+00> : vector<128xf32>
    %reduce_sum3A_31 = vector.multi_reduction <add>, %max3A_30, %reduce_sum3A [0] : vector<10000x128xf32> to vector<128xf32>
    %broadcast_in_dim3A = vector.shape_cast %reduce_sum3A_31 : vector<128xf32> to vector<1x128xf32>
    %div3A = arith.constant 1.000000e+04 : f32
    %div3A_32 = vector.broadcast %div3A : f32 to vector<1x128xf32>
    %div3A_33 = arith.divf %broadcast_in_dim3A, %div3A_32 : vector<1x128xf32>
    %get3A_34 = arith.constant 0 : index
    %get3A_35 = arith.constant 0 : index
    %get3A_36 = vector.load %arg4[%get3A_34, %get3A_35] : memref<512x128xf32, #tpu.memory_space<vmem>>, vector<512x128xf32>
    %dot_general3A = arith.constant dense<0.000000e+00> : vector<1x512xf32>
    %dot_general3A_37 = tpu.matmul %div3A_33, %get3A_36, %dot_general3A {dimension_numbers = #tpu.dot_dimension_numbers<[1], [1], [0], [0], [0, 0, 1, 0], [], []>, precision = #tpu.contract_precision<fp32>, transpose_lhs_hint = false} : vector<1x128xf32>, vector<512x128xf32>, vector<1x512xf32> -> vector<1x512xf32>
    %get3A_38 = arith.constant 0 : index
    %get3A_39 = arith.constant 0 : index
    %get3A_40 = vector.load %arg5[%get3A_38, %get3A_39] : memref<1x512xf32, #tpu.memory_space<vmem>>, vector<1x512xf32>
    %add3A_41 = arith.addf %dot_general3A_37, %get3A_40 : vector<1x512xf32>
    %slice3A = vector.extract_strided_slice %add3A_41 {offsets = [0, 0], sizes = [1, 128], strides = [1, 1]} : vector<1x512xf32> to vector<1x128xf32>
    %slice3A_42 = vector.extract_strided_slice %add3A_41 {offsets = [0, 256], sizes = [1, 128], strides = [1, 1]} : vector<1x512xf32> to vector<1x128xf32>
    %slice3A_43 = vector.extract_strided_slice %add3A_41 {offsets = [0, 384], sizes = [1, 128], strides = [1, 1]} : vector<1x512xf32> to vector<1x128xf32>
    %logistic3A = arith.negf %slice3A : vector<1x128xf32>
    %logistic3A_44 = math.exp %logistic3A : vector<1x128xf32>
    %logistic3A_45 = arith.constant 1.000000e+00 : f32
    %logistic3A_46 = vector.broadcast %logistic3A_45 : f32 to vector<1x128xf32>
    %logistic3A_47 = arith.addf %logistic3A_46, %logistic3A_44 : vector<1x128xf32>
    %logistic3A_48 = arith.divf %logistic3A_46, %logistic3A_47 : vector<1x128xf32>
    %tanh3A = math.tanh %slice3A_42 : vector<1x128xf32>
    %mul3A_49 = arith.mulf %logistic3A_48, %tanh3A : vector<1x128xf32>
    %logistic3A_50 = arith.negf %slice3A_43 : vector<1x128xf32>
    %logistic3A_51 = math.exp %logistic3A_50 : vector<1x128xf32>
    %logistic3A_52 = arith.constant 1.000000e+00 : f32
    %logistic3A_53 = vector.broadcast %logistic3A_52 : f32 to vector<1x128xf32>
    %logistic3A_54 = arith.addf %logistic3A_53, %logistic3A_51 : vector<1x128xf32>
    %logistic3A_55 = arith.divf %logistic3A_53, %logistic3A_54 : vector<1x128xf32>
    %tanh3A_56 = math.tanh %mul3A_49 : vector<1x128xf32>
    %mul3A_57 = arith.mulf %logistic3A_55, %tanh3A_56 : vector<1x128xf32>
    %add3A_58 = vector.broadcast %mul3A_57 : vector<1x128xf32> to vector<10000x128xf32>
    %add3A_59 = arith.addf %max3A_30, %add3A_58 : vector<10000x128xf32>
    %mul3A_60 = vector.broadcast %get3A_1 : vector<10000x1xf32> to vector<10000x128xf32>
    %mul3A_61 = arith.mulf %mul3A_60, %add3A_59 : vector<10000x128xf32>
    %slice3A_62 = vector.extract_strided_slice %mul3A_61 {offsets = [0, 0], sizes = [10000, 64], strides = [1, 1]} : vector<10000x128xf32> to vector<10000x64xf32>
    %swap3A = arith.constant 0 : index
    %swap3A_63 = arith.constant 0 : index
    %swap3A_64 = arith.constant 0 : index
    %swap3A_65 = vector.load %arg6[%swap3A, %swap3A_63, %swap3A_64] : memref<2x10000x64xf32, #tpu.memory_space<vmem>>, vector<1x10000x64xf32>
    %swap3A_66 = vector.shape_cast %swap3A_65 : vector<1x10000x64xf32> to vector<10000x64xf32>
    %swap3A_67 = vector.shape_cast %slice3A_62 : vector<10000x64xf32> to vector<1x10000x64xf32>
    tpu.vector_store %arg6[%swap3A, %swap3A_63, %swap3A_64], %swap3A_67 {strides = array<i32>} : memref<2x10000x64xf32, #tpu.memory_space<vmem>>, vector<1x10000x64xf32>,
    %slice3A_68 = vector.extract_strided_slice %mul3A_61 {offsets = [0, 64], sizes = [10000, 64], strides = [1, 1]} : vector<10000x128xf32> to vector<10000x64xf32>
    %swap3A_69 = arith.constant 1 : index
    %swap3A_70 = arith.constant 0 : index
    %swap3A_71 = arith.constant 0 : index
    %swap3A_72 = vector.load %arg6[%swap3A_69, %swap3A_70, %swap3A_71] : memref<2x10000x64xf32, #tpu.memory_space<vmem>>, vector<1x10000x64xf32>
    %swap3A_73 = vector.shape_cast %swap3A_72 : vector<1x10000x64xf32> to vector<10000x64xf32>
    %swap3A_74 = vector.shape_cast %slice3A_68 : vector<10000x64xf32> to vector<1x10000x64xf32>
    tpu.vector_store %arg6[%swap3A_69, %swap3A_70, %swap3A_71], %swap3A_74 {strides = array<i32>} : memref<2x10000x64xf32, #tpu.memory_space<vmem>>, vector<1x10000x64xf32>,
    return
  }
}

module attributes {stable_mosaic.version = 14 : i64} {
  func.func @_head_body(%arg0: memref<2x10240x64xf32, #tpu.memory_space<vmem>>, %arg1: memref<2x10000x64xf32, #tpu.memory_space<vmem>>, %arg2: memref<10000x1xf32, #tpu.memory_space<vmem>>, %arg3: memref<128x64xf32, #tpu.memory_space<vmem>>, %arg4: memref<1x64xf32, #tpu.memory_space<vmem>>, %arg5: memref<128x64xf32, #tpu.memory_space<vmem>>, %arg6: memref<1x64xf32, #tpu.memory_space<vmem>>, %arg7: memref<10000x64xf32, #tpu.memory_space<vmem>>, %arg8: memref<10000x64xf32, #tpu.memory_space<vmem>>) attributes {dimension_semantics = [], scalar_prefetch = 0 : i64, scratch_operands = 0 : i64, tpu.core_type = #tpu.core_type<tc>} {
    %get3A = arith.constant 0 : index
    %get3A_0 = arith.constant 0 : index
    %get3A_1 = vector.load %arg2[%get3A, %get3A_0] : memref<10000x1xf32, #tpu.memory_space<vmem>>, vector<10000x1xf32>
    %get3A_2 = arith.constant 0 : index
    %get3A_3 = arith.constant 0 : index
    %get3A_4 = arith.constant 0 : index
    %get3A_5 = vector.load %arg0[%get3A_2, %get3A_3, %get3A_4] : memref<2x10240x64xf32, #tpu.memory_space<vmem>>, vector<1x10000x64xf32>
    %get3A_6 = vector.shape_cast %get3A_5 : vector<1x10000x64xf32> to vector<10000x64xf32>
    %get3A_7 = arith.constant 1 : index
    %get3A_8 = arith.constant 0 : index
    %get3A_9 = arith.constant 0 : index
    %get3A_10 = vector.load %arg0[%get3A_7, %get3A_8, %get3A_9] : memref<2x10240x64xf32, #tpu.memory_space<vmem>>, vector<1x10000x64xf32>
    %get3A_11 = vector.shape_cast %get3A_10 : vector<1x10000x64xf32> to vector<10000x64xf32>
    %concatenate3A = tpu.concatenate %get3A_6, %get3A_11 in 1 : vector<10000x64xf32>, vector<10000x64xf32> -> vector<10000x128xf32>
    %get3A_12 = arith.constant 0 : index
    %get3A_13 = arith.constant 0 : index
    %get3A_14 = arith.constant 0 : index
    %get3A_15 = vector.load %arg1[%get3A_12, %get3A_13, %get3A_14] : memref<2x10000x64xf32, #tpu.memory_space<vmem>>, vector<1x10000x64xf32>
    %get3A_16 = vector.shape_cast %get3A_15 : vector<1x10000x64xf32> to vector<10000x64xf32>
    %get3A_17 = arith.constant 1 : index
    %get3A_18 = arith.constant 0 : index
    %get3A_19 = arith.constant 0 : index
    %get3A_20 = vector.load %arg1[%get3A_17, %get3A_18, %get3A_19] : memref<2x10000x64xf32, #tpu.memory_space<vmem>>, vector<1x10000x64xf32>
    %get3A_21 = vector.shape_cast %get3A_20 : vector<1x10000x64xf32> to vector<10000x64xf32>
    %concatenate3A_22 = tpu.concatenate %get3A_16, %get3A_21 in 1 : vector<10000x64xf32>, vector<10000x64xf32> -> vector<10000x128xf32>
    %add3A = arith.addf %concatenate3A, %concatenate3A_22 : vector<10000x128xf32>
    %mul3A = vector.broadcast %get3A_1 : vector<10000x1xf32> to vector<10000x128xf32>
    %mul3A_23 = arith.mulf %mul3A, %add3A : vector<10000x128xf32>
    %get3A_24 = arith.constant 0 : index
    %get3A_25 = arith.constant 0 : index
    %get3A_26 = vector.load %arg3[%get3A_24, %get3A_25] : memref<128x64xf32, #tpu.memory_space<vmem>>, vector<128x64xf32>
    %dot_general3A = arith.constant dense<0.000000e+00> : vector<10000x64xf32>
    %dot_general3A_27 = tpu.matmul %mul3A_23, %get3A_26, %dot_general3A {dimension_numbers = #tpu.dot_dimension_numbers<[1], [0], [0], [1], [0, 0, 1, 1], [], []>, precision = #tpu.contract_precision<fp32>, transpose_lhs_hint = false} : vector<10000x128xf32>, vector<128x64xf32>, vector<10000x64xf32> -> vector<10000x64xf32>
    %get3A_28 = arith.constant 0 : index
    %get3A_29 = arith.constant 0 : index
    %get3A_30 = vector.load %arg4[%get3A_28, %get3A_29] : memref<1x64xf32, #tpu.memory_space<vmem>>, vector<1x64xf32>
    %add3A_31 = vector.broadcast %get3A_30 : vector<1x64xf32> to vector<10000x64xf32>
    %add3A_32 = arith.addf %dot_general3A_27, %add3A_31 : vector<10000x64xf32>
    %swap3A = arith.constant 0 : index
    %swap3A_33 = arith.constant 0 : index
    %swap3A_34 = vector.load %arg7[%swap3A, %swap3A_33] : memref<10000x64xf32, #tpu.memory_space<vmem>>, vector<10000x64xf32>
    tpu.vector_store %arg7[%swap3A, %swap3A_33], %add3A_32 {strides = array<i32>} : memref<10000x64xf32, #tpu.memory_space<vmem>>, vector<10000x64xf32>,
    %get3A_35 = arith.constant 0 : index
    %get3A_36 = arith.constant 0 : index
    %get3A_37 = vector.load %arg5[%get3A_35, %get3A_36] : memref<128x64xf32, #tpu.memory_space<vmem>>, vector<128x64xf32>
    %dot_general3A_38 = arith.constant dense<0.000000e+00> : vector<10000x64xf32>
    %dot_general3A_39 = tpu.matmul %mul3A_23, %get3A_37, %dot_general3A_38 {dimension_numbers = #tpu.dot_dimension_numbers<[1], [0], [0], [1], [0, 0, 1, 1], [], []>, precision = #tpu.contract_precision<fp32>, transpose_lhs_hint = false} : vector<10000x128xf32>, vector<128x64xf32>, vector<10000x64xf32> -> vector<10000x64xf32>
    %get3A_40 = arith.constant 0 : index
    %get3A_41 = arith.constant 0 : index
    %get3A_42 = vector.load %arg6[%get3A_40, %get3A_41] : memref<1x64xf32, #tpu.memory_space<vmem>>, vector<1x64xf32>
    %add3A_43 = vector.broadcast %get3A_42 : vector<1x64xf32> to vector<10000x64xf32>
    %add3A_44 = arith.addf %dot_general3A_39, %add3A_43 : vector<10000x64xf32>
    %min3A = arith.constant 1.000000e+01 : f32
    %min3A_45 = vector.broadcast %min3A : f32 to vector<10000x64xf32>
    %min3A_46 = arith.minimumf %add3A_44, %min3A_45 : vector<10000x64xf32>
    %swap3A_47 = arith.constant 0 : index
    %swap3A_48 = arith.constant 0 : index
    %swap3A_49 = vector.load %arg8[%swap3A_47, %swap3A_48] : memref<10000x64xf32, #tpu.memory_space<vmem>>, vector<10000x64xf32>
    tpu.vector_store %arg8[%swap3A_47, %swap3A_48], %min3A_46 {strides = array<i32>} : memref<10000x64xf32, #tpu.memory_space<vmem>>, vector<10000x64xf32>,
    return
  }
}

</mosaic_0001>

<sc_bundles>
// kernel: kernel.11.cloned.1.call-start
scs
__scs_entry_jumppad:
0x0: {  	(pc) =	sbr.rel $0x88, $3  }
0x1: {  	(tag) =	ssettag $0x0;
	lr =	simm.s32 $0x1  }
0x2: {  	[smem:$0x3F94] =	sst lr;
	_ =	strace $0xD0000000  }
0x3: {  	_ = 	snop  }
0x4: {  	_ = 	snop  }
0x5: {  	_ = 	snop  }
0x6: {  	_ = 	snop  }
0x7: {  	_ = 	snop  }
__scs_overlays_trampoline_lowered:
0x8: {  	[smem:$0x3FA3] =	sst s0  }
0x9: {  	[smem:$0x3FA4] =	sst s1  }
0xa: {  	[smem:$0x3FA5] =	sst s2  }
0xb: {  	[smem:$0x3FA6] =	sst s3  }
0xc: {  	[smem:$0x3FA7] =	sst s4  }
0xd: {  	[smem:$0x3FA8] =	sst s5  }
0xe: {  	[smem:$0x3FA9] =	sst s6  }
0xf: {  	[smem:$0x3FAA] =	sst s7  }
0x10: {  	[smem:$0x3FAB] =	sst s8  }
0x11: {  	[smem:$0x3FAC] =	sst s9;
	s0 =	simm.s32 @!p0 $0x0  }
0x12: {  	s1 =	sld [smem:$0x3F92];
	s0 =	simm.s32 @p0 $0x1  }
0x13: {  	[smem:$0x3FAD] =	sst s0;
	s0 =	simm.s32 @!p1 $0x0  }
0x14: {  	s2 =	sld [smem:$0x3F91];
	s0 =	simm.s32 @p1 $0x1  }
0x15: {  	[smem:$0x3FAE] =	sst s0;
	s0 =	simm.s32 @!p2 $0x0  }
0x16: {  	s3 =	sld [smem:$0x3FDB];
	s0 =	simm.s32 @p2 $0x1  }
0x17: {  	s4 =	simm.s32 $0x1BF5;
	[smem:$0x3FB0] =	sst s0  }
0x18: {  	s0 =	sld [smem:$0x3F93];
	_ =	swait.ge [sflag:s4], $0x0  }
0x19: {  	s7 =	sld [smem:$0x3F94]  }
0x1a: {  	s8 =	sadd.s32 $0xFFFFE003, lr  }
0x1b: {  	s9 =	sadd.s32 $0xFFFFFEF7, lr;
	s5 =	simm.s32 $0xFFFFFFFF;
	p2 =	slt.u32 s8, $0xFFFFF086  }
0x1c: {  	p1 =	slt.u32 s9, $0xF7A;
	s5 =	simm.s32 @!p2 $0x0  }
0x1d: {  	s5 =	simm.s32 @p1 $0x1;
	p0 =	seq.s32 s7, s2  }
0x1e: {  	s7 =	smul.u32 @!p0 $0xF7A, s2;
	p2 =	seq.s32 @!p0 s5, $0x0  }
0x1f: {  	s9 =	smul.u32 $0xF7A, s1;
	s8 =	simm.s32 @!p0 $0x1BF5;
	p2 =	por !p2, p0  }
0x20: {  	[sflag:s8] =	ssyncset.s32 @!p0 $0xFFFFF086;
	s6 =	sadd.s32 @!p0 s3, s7;
	s7 =	simm.s32 @!p0 $0x108  }
0x21: {  	s3 =	sadd.s32 s3, s9;
	s6 =	sadd.s32 @!p0 $0x88, s6;
	s7 =	simm.s32 @p2 $0x1082  }
0x22: {  	[simem:s7], [sflag:s8] =	dma.local @!p0 [hbm:s6], $0xF7A  }
0x23: {  	s9 =	sor.u32 $0xD0000000, s2;
	s6 =	simm.s32 $0x108;
	_ =	swait.ge @!p0 [sflag:s8], $0x0  }
0x24: {  	s3 =	sadd.s32 $0x88, s3;
	s6 =	simm.s32 @!p1 $0x1082;
	[sflag:s4] =	ssyncset.s32 $0xFFFFF086  }
0x25: {  	[simem:s6], [sflag:s4] =	dma.local [hbm:s3], $0xF7A  }
0x26: {  	[smem:$0x3F94] =	sst s1;
	(tag) =	ssettag s2;
	_ =	strace s9  }
0x27: {  	s1 =	sld [smem:$0x3FA4]  }
0x28: {  	s2 =	sld [smem:$0x3FA5]  }
0x29: {  	s4 =	sld [smem:$0x3FA7]  }
0x2a: {  	p0 =	seq.s32 s5, $0x0;
	s5 =	sld [smem:$0x3FA8]  }
0x2b: {  	s6 =	sld [smem:$0x3FA9]  }
0x2c: {  	s7 =	sld [smem:$0x3FAA]  }
0x2d: {  	s3 =	simm.s32 $0x108;
	s8 =	sld [smem:$0x3FAB]  }
0x2e: {  	s3 =	simm.s32 @!p0 $0x1082;
	s9 =	sld [smem:$0x3FAC]  }
0x2f: {  	lr =	sadd.s32 s0, s3;
	s0 =	sld [smem:$0x3FA3]  }
0x30: {  	s3 =	sld [smem:$0x3FA6]  }
0x31: {  	[smem:$0x3FAF] =	sst s10  }
0x32: {  	s10 =	sld [smem:$0x3FAD];
	_ =	sdelay $0x3  }
0x33: {  	p0 =	seq.s32 s10, $0x1;
	s10 =	sld [smem:$0x3FAF];
	_ =	sdelay $0x3  }
0x34: {  	[smem:$0x3FAF] =	sst s10  }
0x35: {  	s10 =	sld [smem:$0x3FAE];
	_ =	sdelay $0x3  }
0x36: {  	p1 =	seq.s32 s10, $0x1;
	s10 =	sld [smem:$0x3FAF];
	_ =	sdelay $0x3  }
0x37: {  	[smem:$0x3FAF] =	sst s10  }
0x38: {  	s10 =	sld [smem:$0x3FB0]  }
0x39: {  	_ = 	snop;
	(pc) =	sbr.ind lr, $3  }
0x3a: {  	_ = 	snop  }
0x3b: {  	_ = 	snop  }
0x3c: {  	p2 =	seq.s32 s10, $0x1;
	s10 =	sld [smem:$0x3FAF]  }
0x3d: {  	_ =	shalt  }
0x3e: {  	_ =	shalt  }
0x3f: {  	_ =	shalt  }
0x40: {  	_ =	shalt  }
0x41: {  	_ =	shalt  }
0x42: {  	_ =	shalt  }
0x43: {  	_ =	shalt  }
0x44: {  	_ =	shalt  }
0x45: {  	_ =	shalt  }
0x46: {  	_ =	shalt  }
0x47: {  	_ =	shalt  }
0x48: {  	_ =	shalt  }
0x49: {  	_ =	shalt  }
0x4a: {  	_ =	shalt  }
0x4b: {  	_ =	shalt  }
0x4c: {  	_ =	shalt  }
0x4d: {  	_ =	shalt  }
0x4e: {  	_ =	shalt  }
0x4f: {  	_ =	shalt  }
0x50: {  	_ =	shalt  }
0x51: {  	_ =	shalt  }
0x52: {  	_ =	shalt  }
0x53: {  	_ =	shalt  }
0x54: {  	_ =	shalt  }
0x55: {  	_ =	shalt  }
0x56: {  	_ =	shalt  }
0x57: {  	_ =	shalt  }
0x58: {  	_ =	shalt  }
0x59: {  	_ =	shalt  }
0x5a: {  	_ =	shalt  }
0x5b: {  	_ =	shalt  }
0x5c: {  	_ =	shalt  }
0x5d: {  	_ =	shalt  }
0x5e: {  	_ =	shalt  }
0x5f: {  	_ =	shalt  }
0x60: {  	_ =	shalt  }
0x61: {  	_ =	shalt  }
0x62: {  	_ =	shalt  }
0x63: {  	_ =	shalt  }
0x64: {  	_ =	shalt  }
0x65: {  	_ =	shalt  }
0x66: {  	_ =	shalt  }
0x67: {  	_ =	shalt  }
0x68: {  	_ =	shalt  }
0x69: {  	_ =	shalt  }
0x6a: {  	_ =	shalt  }
0x6b: {  	_ =	shalt  }
0x6c: {  	_ =	shalt  }
0x6d: {  	_ =	shalt  }
0x6e: {  	_ =	shalt  }
0x6f: {  	_ =	shalt  }
0x70: {  	_ =	shalt  }
0x71: {  	_ =	shalt  }
0x72: {  	_ =	shalt  }
0x73: {  	_ =	shalt  }
0x74: {  	_ =	shalt  }
0x75: {  	_ =	shalt  }
0x76: {  	_ =	shalt  }
0x77: {  	_ =	shalt  }
0x78: {  	_ =	shalt  }
0x79: {  	_ =	shalt  }
0x7a: {  	_ =	shalt  }
0x7b: {  	_ =	shalt  }
0x7c: {  	_ =	shalt  }
0x7d: {  	_ =	shalt  }
0x7e: {  	_ =	shalt  }
0x7f: {  	_ =	shalt  }
0x80: {  	_ =	shalt  }
0x81: {  	_ =	shalt  }
0x82: {  	_ =	shalt  }
0x83: {  	_ =	shalt  }
0x84: {  	_ =	shalt  }
0x85: {  	_ =	shalt  }
0x86: {  	_ =	shalt  }
0x87: {  	_ =	shalt  }
.Lfunc_end0:
.L_simem_size_0:
called_computation_lowered:
.L_overlay_start_0:
0x88: {  	s2 =	sld [smem:$0x3FD9]  }
0x89: {  	s3 =	sld [smem:$0x3FFE];
	_ =	sdelay $0x1  }
0x8a: {  	s1 =	srdreg.scid  }
0x8b: {  	s0 =	sand.u32 $0x1, s1  }
0x8c: {  	s14 =	sshll.u32 s0, $0xA;
	s2 =	sadd.s32 s3, s2  }
0x8d: {  	s2 =	sadd.s32 s2, s14  }
0x8e: {  	[smem:$0x3FBB] =	sst s2  }
0x8f: {  	_ = 	snop  }
0x90: {  	s2 =	sld [smem:$0x3FD0];
	_ =	sdelay $0x2  }
0x91: {  	s15 =	simm.s32 $0xA;
	s4 =	simm.s32 $0x10  }
0x92: {  	[smem:s4], [sflag:s15] =	dma.local [hbm:s2], $0x1  }
0x93: {  	_ =	swait.eq [sflag:s15], $0x1  }
0x94: {  	[sflag:s15] =	ssyncset.done $0x0  }
0x95: {  	[sflag:s15] =	ssyncadd.s32 $0xFFFFFFFF  }
0x96: {  	s16 =	sld [smem:$0x11];
	(tm) =	ssettm $0x1  }
0x97: {  	s17 =	sld [smem:$0x3FFB];
	_ =	sdelay $0x3  }
0x98: {  	_ =	strace s17  }
0x99: {  	s3 =	sld [smem:$0x3FFC];
	_ =	sdelay $0x3  }
0x9a: {  	_ =	strace s3  }
0x9b: {  	s3 =	sld [smem:$0x3FFD];
	_ =	sdelay $0x3  }
0x9c: {  	_ =	strace s3  }
0x9d: {  	_ =	strace $0x8FFFFFFF  }
0x9e: {  	s18 =	sld [smem:$0x3FDB];
	_ =	sdelay $0x1  }
0x9f: {  	s19 =	simm.s32 $_scs_section_size  }
0xa0: {  	s5 =	simm.s32 $_size__tile_overlayer_lowered;
	s6 =	simm.s32 $_tile_overlayer_lowered  }
0xa1: {  	s22 =	simm.s32 $0x1BFF;
	s21 =	sshll.u32 s6, $0x1;
	s3 =	sadd.s32 s19, s18  }
0xa2: {  	s7 =	simm.s32 $0x0;
	s20 =	sshll.u32 s5, $0x1;
	s5 =	sadd.s32 s21, s3  }
0xa3: {  	[timem:s7], [sflag:s22] =	dma.local [hbm:s5], s20  }
0xa4: {  	_ =	swait.ge [sflag:s22], s20  }
0xa5: {  	s4 =	ssub.s32 $0x0, s20;
	[sflag:s22] =	ssyncset.done $0x0  }
0xa6: {  	[sflag:s22] =	ssyncadd.s32 s4;
	_ =	sdelay $0x1  }
0xa7: {  	s23 =	simm.s32 $0x1B8B  }
0xa8: {  	_ =	swait.ge [sflag:s23], $0x1  }
0xa9: {  	[sflag:s23] =	ssyncset.done $0x0  }
0xaa: {  	s25 =	simm.s32 $0x1B8E;
	s24 =	sld [smem:$0x3FFE];
	[sflag:s23] =	ssyncadd.s32 $0xFFFFFFFF  }
0xab: {  	s26 =	simm.s32 $execute0_lowered;
	[smem:$0x3FD2] =	sst s25  }
0xac: {  	s5 =	sshll.u32 s26, $0x1;
	_ =	strace $0x80000046;
	[dreg:$0x1] =	wrdreg $0xFFFFFFFF  }
0xad: {  	s28 =	simm.s32 $_size_execute0_lowered;
	s3 =	sadd.s32 s3, s5;
	[dreg:$0x0] =	wrdreg $0x0  }
0xae: {  	s5 =	sshll.u32 s28, $0x1;
	[dreg:$0x2] =	wrdreg s3  }
0xaf: {  	[dreg:$0x3] =	wrdreg s5  }
0xb0: {  	[dreg:$0x4] =	wrdreg $0xC0  }
0xb1: {  	_ =	task [dreg:s7], $0x5FFFF  }
0xb2: {  	[dreg:$0x1] =	wrdreg $0xFFFFFFFF  }
0xb3: {  	[dreg:$0x0] =	wrdreg $0x60  }
0xb4: {  	[dreg:$0x2] =	wrdreg s16  }
0xb5: {  	[dreg:$0x3] =	wrdreg s24  }
0xb6: {  	[dreg:$0x4] =	wrdreg $0x2B000  }
0xb7: {  	[dreg:$0x5] =	wrdreg $0x9  }
0xb8: {  	_ =	task.clear_ibuf [dreg:s7], $0x6FFFF;
	_ =	strace $0x90000046  }
0xb9: {  	s29 =	simm.s32 $0x9;
	_ =	strace $0x80000048  }
0xba: {  	_ =	swait.ge [sflag:s29], $0x1  }
0xbb: {  	[sflag:s29] =	ssyncadd.s32 $0xFFFFFFFF  }
0xbc: {  	_ =	strace $0x90000048  }
0xbd: {  	_ =	sfence  }
0xbe: {  	s30 =	sld [smem:$0x0];
	_ =	sdelay $0x2  }
0xbf: {  	s31 =	sshll.u32 s1, $0xD;
	s1 =	sshrl.u32 s1, $0x2  }
0xc0: {  	s3 =	sand.u32 $0x4000, s31;
	s1 =	sadd.s32 s1, s30  }
0xc1: {  	s0 =	sor.u32 s3, s0;
	s1 =	sshll.u32 s1, $0x11  }
0xc2: {  	s0 =	sor.u32 s1, s0  }
0xc3: {  	s0 =	sadd.s32 $0x8F2B, s0  }
0xc4: {  	[sflag:s0] =	ssyncadd.remote.s32 $0x1  }
0xc5: {  	_ =	sfence.sel $0xFFFF  }
0xc6: {  	[dreg:$0x0] =	wrdreg $0xFFFFFFFF;
	(pc) =	sbr.abs _section_cstart, $3  }
0xc7: {  	[dreg:$0x1] =	wrdreg $0xFFFFFFFF  }
0xc8: {  	_ =	task.clear_ibuf [dreg:s7], $0x2FFFF;
	_ =	strace $0x9FFFFFFF  }
0xc9: {  	(tm) =	ssettm $0x7FFFFFFF  }
tec
execute0_lowered:
.L_overlay_start_1:
0x0: {  	(tag) =	ssettag $0x1  }
0x1: {  	s4 =	rddreg [dreg:$0x0]  }
0x2: {  	s5 =	rddreg [dreg:$0x1]  }
0x3: {  	s2 =	rddreg [dreg:$0x2]  }
0x4: {  	s3 =	srdreg.scid;
	s1 =	stileid.u32  }
0x5: {  	s0 =	rddreg [dreg:$0x3];
	s11 =	simm.s32 $0x2800;
	s14 =	simm.s32 $0x20  }
0x6: {  	s15 =	simm.s32 $0x10;
	s16 =	simm.s32 $0x0;
	s7 =	smul.u32 $0x500, s1  }
0x7: {  	s6 =	sand.u32 $0x1, s3;
	s3 =	simm.s32 $0x0;
	s26 =	smul.u32 $0x2800, s1  }
0x8: {  	s10 =	smul.u32 $0xA00, s1;
	s12 =	sshll.u32 s1, $0x6;
	s8 =	sshll.u32 s6, $0x7  }
0x9: {  	s9 =	smul.u32 $0x28000, s6;
	[smem:$0x7FF] =	sst s3;
	s28 =	ssub.s32 $0x2, s6  }
0xa: {  	s12 =	sor.u32 $0x1C01, s12;
	s7 =	sor.u32 s8, s7;
	_ =	strace $0x80000047  }
0xb: {  	s30 =	sshrl.u32 s28, $0x1;
	s31 =	sshrl.u32 s10, $0x2;
	s10 =	simm.s32 $0x80  }
0xc: {  	s7 =	sshrl.u32 s7, $0x3;
	s29 =	sadd.s32 s26, s9;
	s8 =	ssub.s32 s28, s30  }
0xd: {  	s9 =	simm.s32 $0x2880;
	s7 =	sadd.s32 s7, s5;
	s6 =	sshrl.u32 s29, $0x3  }
0xe: {  	s5 =	sadd.s32 s31, s2;
	s4 =	sadd.s32 s4, s6;
	s6 =	sadd.s32 $0xB400, s7  }
0xf: {  	v0 =	vimm.f32 $1.000000000e+00;
	v1 =	vimm.f32 $0.0e+00;
	s7 =	smax.u32 s8, $0x1;
	s8 =	simm.s32 $0x1;
	s13 =	sshrl.u32 s5, $0x3  }
.LBB2_1:
0x10: {  	[tilespmem:s3], [sflag:$0x1] =	stream.linear.gather [hbm4b:s4+s3], $0x2800, $0x38;
	[tilespmem:$0x2D80] =	vst v63  }
0x11: {  	_ =	swait.ge [sflag:s8], $0x2800  }
0x12: {  	[sflag:s8] =	ssyncset.done $0x0  }
0x13: {  	[sflag:s8] =	ssyncadd.s32 $0xFFFFD800  }
0x14: {  	[tilespmem:$0x2800] =	vst v0  }
0x15: {  	[tilespmem:$0x2810] =	vst v0  }
0x16: {  	[tilespmem:$0x2820] =	vst v0  }
0x17: {  	[tilespmem:$0x2830] =	vst v0  }
0x18: {  	[tilespmem:$0x2840] =	vst v0  }
0x19: {  	[tilespmem:$0x2850] =	vst v0  }
0x1a: {  	[tilespmem:$0x2860] =	vst v0  }
0x1b: {  	[tilespmem:$0x2870] =	vst v0  }
0x1c: {  	[tilespmem:$0x2880] =	vst v1  }
0x1d: {  	[tilespmem:$0x2890] =	vst v1  }
0x1e: {  	[tilespmem:$0x28A0] =	vst v1  }
0x1f: {  	[tilespmem:$0x28B0] =	vst v1  }
0x20: {  	[tilespmem:$0x28C0] =	vst v1  }
0x21: {  	[tilespmem:$0x28D0] =	vst v1  }
0x22: {  	[tilespmem:$0x28E0] =	vst v1  }
0x23: {  	[tilespmem:$0x28F0] =	vst v1  }
0x24: {  	[tilespmem:$0x2900] =	vst v1  }
0x25: {  	[tilespmem:$0x2910] =	vst v1  }
0x26: {  	[tilespmem:$0x2920] =	vst v1  }
0x27: {  	[tilespmem:$0x2930] =	vst v1  }
0x28: {  	[tilespmem:$0x2940] =	vst v1  }
0x29: {  	[tilespmem:$0x2950] =	vst v1  }
0x2a: {  	[tilespmem:$0x2960] =	vst v1  }
0x2b: {  	[tilespmem:$0x2970] =	vst v1  }
0x2c: {  	[tilespmem:$0x2980] =	vst v1  }
0x2d: {  	[tilespmem:$0x2990] =	vst v1  }
0x2e: {  	[tilespmem:$0x29A0] =	vst v1  }
0x2f: {  	[tilespmem:$0x29B0] =	vst v1  }
0x30: {  	[tilespmem:$0x29C0] =	vst v1  }
0x31: {  	[tilespmem:$0x29D0] =	vst v1  }
0x32: {  	[tilespmem:$0x29E0] =	vst v1  }
0x33: {  	[tilespmem:$0x29F0] =	vst v1  }
0x34: {  	[tilespmem:$0x2A00] =	vst v1  }
0x35: {  	[tilespmem:$0x2A10] =	vst v1  }
0x36: {  	[tilespmem:$0x2A20] =	vst v1  }
0x37: {  	[tilespmem:$0x2A30] =	vst v1  }
0x38: {  	[tilespmem:$0x2A40] =	vst v1  }
0x39: {  	[tilespmem:$0x2A50] =	vst v1  }
0x3a: {  	[tilespmem:$0x2A60] =	vst v1  }
0x3b: {  	[tilespmem:$0x2A70] =	vst v1  }
0x3c: {  	[tilespmem:$0x2A80] =	vst v1  }
0x3d: {  	[tilespmem:$0x2A90] =	vst v1  }
0x3e: {  	[tilespmem:$0x2AA0] =	vst v1  }
0x3f: {  	[tilespmem:$0x2AB0] =	vst v1  }
0x40: {  	[tilespmem:$0x2AC0] =	vst v1  }
0x41: {  	[tilespmem:$0x2AD0] =	vst v1  }
0x42: {  	[tilespmem:$0x2AE0] =	vst v1  }
0x43: {  	[tilespmem:$0x2AF0] =	vst v1  }
0x44: {  	[spmem:s5] =	stream.linear.scatter [tilespmem:s9], [sflag:$0x1], $0x280, $0x38;
	[tilespmem:$0x2D80] =	vst v63  }
0x45: {  	_ =	swait.ge [sflag:s8], $0x280  }
0x46: {  	[sflag:s8] =	ssyncset.done $0x0  }
0x47: {  	[sflag:s8] =	ssyncadd.s32 $0xFFFFFD80  }
0x48: {  	s17 =	simm.s32 $0x0;
	[bflag:$0x0] =	sbarrier.arrive $0xFFFF  }
0x49: {  	[spmem:s2] =	stream.indirect.scatter.add.f32 [tilespmem:s11], [sflag:$0x1], $0x1, s17, s10, $0xb8;
	[tilespmem:$0x2D80] =	vst v63  }
0x4a: {  	_ =	swait.ge [sflag:s8], $0x80  }
0x4b: {  	s17 =	simm.s32 $0x200;
	[sflag:s8] =	ssyncset.done $0x0  }
.LBB2_2:
0x4c: {  	s18 =	sshra.s32 s17, $0x2;
	[sflag:s8] =	ssyncadd.s32 $0xFFFFFF80;
	p0 =	sne.s32 s17, $0x9E00  }
0x4d: {  	[spmem:s2] =	stream.indirect.scatter.add.f32 [tilespmem:s11], [sflag:$0x1], $0x1, s18, s10, $0xb8;
	[tilespmem:$0x2D80] =	vst v63  }
.Ltmp0:
0x4e: {  	_ = 	snop;
	(pc) =	sbr.rel @p0 .LBB2_2-.Ltmp0, $4  }
0x4f: {  	_ = 	snop  }
0x50: {  	s17 =	sadd.s32 $0x200, s17  }
0x51: {  	_ =	swait.ge [sflag:s8], $0x80  }
0x52: {  	[sflag:s8] =	ssyncset.done $0x0  }
0x53: {  	s16 =	sadd.s32 $0x1, s16  }
0x54: {  	[sflag:s8] =	ssyncadd.s32 $0xFFFFFF80;
	p0 =	sne.s32 s16, s7  }
.Ltmp1:
0x55: {  	[bflag:$0x0] =	sbarrier.arrive $0xFFFF;
	(pc) =	sbr.rel @p0 .LBB2_1-.Ltmp1, $4  }
0x56: {  	[hbm:s6@s14], [sflag:s12] =	dma.strided [spmem:s13@s15], $0x50, s8, $0x10   }
0x57: {  	_ =	swait.ge [sflag:s8], $0x50  }
0x58: {  	[sflag:s8] =	ssyncset.done $0x0  }
0x59: {  	[sflag:s8] =	ssyncadd.s32 $0xFFFFFFB0  }
0x5a: {  	_ =	sfence.sel $0x180000  }
0x5b: {  	[bflag:$0x0] =	sbarrier.arrive $0xFFFF  }
0x5c: {  	p0 =	sne.s32 s1, $0x0;
	_ =	strace $0x90000047  }
0x5d: {  	s0 =	sadd.s32 @!p0 $0x100000, s0;
	[bflag:$0x2] =	sbarrier.arrive $0xFFFF  }
0x5e: {  	[sflag:s0] =	ssyncadd.tile.s32 @!p0 $0x1;
	_ =	shalt  }
.Lfunc_end2:
_tile_overlayer_lowered:
.L_overlay_start_2:
0x5f: {  	(tag) =	ssettag $0x2  }
0x60: {  	s0 =	rddreg [dreg:$0x0];
	s2 =	stileid.u32  }
0x61: {  	s1 =	rddreg [dreg:$0x1];
	p0 =	sne.s32 s2, $0x0  }
0x62: {  	s3 =	rddreg [dreg:$0x2];
	[bflag:$0x3] =	sbarrier.arrive $0xFFFF;
	s2 =	simm.s32 @!p0 $0x1C01  }
0x63: {  	[timem:s3], [sflag:s2] =	dma.local @!p0 [hbm:s0], s1  }
0x64: {  	s0 =	simm.s32 @!p0 $0x1  }
0x65: {  	_ =	swait.ge @!p0 [sflag:s0], s1  }
0x66: {  	s1 =	ssub.s32 @!p0 $0x0, s1;
	[sflag:s0] =	ssyncset.done @!p0 $0x0  }
0x67: {  	[sflag:s0] =	ssyncadd.s32 @!p0 s1  }
0x68: {  	[bflag:$0x3] =	sbarrier.arrive $0xFFFF  }
0x69: {  	_ =	shalt  }

// kernel: kernel.14.cloned.1.call-start
scs
__scs_entry_jumppad:
0x0: {  	(pc) =	sbr.rel $0x88, $3  }
0x1: {  	(tag) =	ssettag $0x0;
	lr =	simm.s32 $0x1  }
0x2: {  	[smem:$0x3F94] =	sst lr;
	_ =	strace $0xD0000000  }
0x3: {  	_ = 	snop  }
0x4: {  	_ = 	snop  }
0x5: {  	_ = 	snop  }
0x6: {  	_ = 	snop  }
0x7: {  	_ = 	snop  }
__scs_overlays_trampoline_lowered:
0x8: {  	[smem:$0x3FA3] =	sst s0  }
0x9: {  	[smem:$0x3FA4] =	sst s1  }
0xa: {  	[smem:$0x3FA5] =	sst s2  }
0xb: {  	[smem:$0x3FA6] =	sst s3  }
0xc: {  	[smem:$0x3FA7] =	sst s4  }
0xd: {  	[smem:$0x3FA8] =	sst s5  }
0xe: {  	[smem:$0x3FA9] =	sst s6  }
0xf: {  	[smem:$0x3FAA] =	sst s7  }
0x10: {  	[smem:$0x3FAB] =	sst s8  }
0x11: {  	[smem:$0x3FAC] =	sst s9;
	s0 =	simm.s32 @!p0 $0x0  }
0x12: {  	s1 =	sld [smem:$0x3F92];
	s0 =	simm.s32 @p0 $0x1  }
0x13: {  	[smem:$0x3FAD] =	sst s0;
	s0 =	simm.s32 @!p1 $0x0  }
0x14: {  	s2 =	sld [smem:$0x3F91];
	s0 =	simm.s32 @p1 $0x1  }
0x15: {  	[smem:$0x3FAE] =	sst s0;
	s0 =	simm.s32 @!p2 $0x0  }
0x16: {  	s3 =	sld [smem:$0x3FDB];
	s0 =	simm.s32 @p2 $0x1  }
0x17: {  	s4 =	simm.s32 $0x1BF5;
	[smem:$0x3FB0] =	sst s0  }
0x18: {  	s0 =	sld [smem:$0x3F93];
	_ =	swait.ge [sflag:s4], $0x0  }
0x19: {  	s7 =	sld [smem:$0x3F94]  }
0x1a: {  	s8 =	sadd.s32 $0xFFFFE003, lr  }
0x1b: {  	s9 =	sadd.s32 $0xFFFFFEF7, lr;
	s5 =	simm.s32 $0xFFFFFFFF;
	p2 =	slt.u32 s8, $0xFFFFF086  }
0x1c: {  	p1 =	slt.u32 s9, $0xF7A;
	s5 =	simm.s32 @!p2 $0x0  }
0x1d: {  	s5 =	simm.s32 @p1 $0x1;
	p0 =	seq.s32 s7, s2  }
0x1e: {  	s7 =	smul.u32 @!p0 $0xF7A, s2;
	p2 =	seq.s32 @!p0 s5, $0x0  }
0x1f: {  	s9 =	smul.u32 $0xF7A, s1;
	s8 =	simm.s32 @!p0 $0x1BF5;
	p2 =	por !p2, p0  }
0x20: {  	[sflag:s8] =	ssyncset.s32 @!p0 $0xFFFFF086;
	s6 =	sadd.s32 @!p0 s3, s7;
	s7 =	simm.s32 @!p0 $0x108  }
0x21: {  	s3 =	sadd.s32 s3, s9;
	s6 =	sadd.s32 @!p0 $0x88, s6;
	s7 =	simm.s32 @p2 $0x1082  }
0x22: {  	[simem:s7], [sflag:s8] =	dma.local @!p0 [hbm:s6], $0xF7A  }
0x23: {  	s9 =	sor.u32 $0xD0000000, s2;
	s6 =	simm.s32 $0x108;
	_ =	swait.ge @!p0 [sflag:s8], $0x0  }
0x24: {  	s3 =	sadd.s32 $0x88, s3;
	s6 =	simm.s32 @!p1 $0x1082;
	[sflag:s4] =	ssyncset.s32 $0xFFFFF086  }
0x25: {  	[simem:s6], [sflag:s4] =	dma.local [hbm:s3], $0xF7A  }
0x26: {  	[smem:$0x3F94] =	sst s1;
	(tag) =	ssettag s2;
	_ =	strace s9  }
0x27: {  	s1 =	sld [smem:$0x3FA4]  }
0x28: {  	s2 =	sld [smem:$0x3FA5]  }
0x29: {  	s4 =	sld [smem:$0x3FA7]  }
0x2a: {  	p0 =	seq.s32 s5, $0x0;
	s5 =	sld [smem:$0x3FA8]  }
0x2b: {  	s6 =	sld [smem:$0x3FA9]  }
0x2c: {  	s7 =	sld [smem:$0x3FAA]  }
0x2d: {  	s3 =	simm.s32 $0x108;
	s8 =	sld [smem:$0x3FAB]  }
0x2e: {  	s3 =	simm.s32 @!p0 $0x1082;
	s9 =	sld [smem:$0x3FAC]  }
0x2f: {  	lr =	sadd.s32 s0, s3;
	s0 =	sld [smem:$0x3FA3]  }
0x30: {  	s3 =	sld [smem:$0x3FA6]  }
0x31: {  	[smem:$0x3FAF] =	sst s10  }
0x32: {  	s10 =	sld [smem:$0x3FAD];
	_ =	sdelay $0x3  }
0x33: {  	p0 =	seq.s32 s10, $0x1;
	s10 =	sld [smem:$0x3FAF];
	_ =	sdelay $0x3  }
0x34: {  	[smem:$0x3FAF] =	sst s10  }
0x35: {  	s10 =	sld [smem:$0x3FAE];
	_ =	sdelay $0x3  }
0x36: {  	p1 =	seq.s32 s10, $0x1;
	s10 =	sld [smem:$0x3FAF];
	_ =	sdelay $0x3  }
0x37: {  	[smem:$0x3FAF] =	sst s10  }
0x38: {  	s10 =	sld [smem:$0x3FB0]  }
0x39: {  	_ = 	snop;
	(pc) =	sbr.ind lr, $3  }
0x3a: {  	_ = 	snop  }
0x3b: {  	_ = 	snop  }
0x3c: {  	p2 =	seq.s32 s10, $0x1;
	s10 =	sld [smem:$0x3FAF]  }
0x3d: {  	_ =	shalt  }
0x3e: {  	_ =	shalt  }
0x3f: {  	_ =	shalt  }
0x40: {  	_ =	shalt  }
0x41: {  	_ =	shalt  }
0x42: {  	_ =	shalt  }
0x43: {  	_ =	shalt  }
0x44: {  	_ =	shalt  }
0x45: {  	_ =	shalt  }
0x46: {  	_ =	shalt  }
0x47: {  	_ =	shalt  }
0x48: {  	_ =	shalt  }
0x49: {  	_ =	shalt  }
0x4a: {  	_ =	shalt  }
0x4b: {  	_ =	shalt  }
0x4c: {  	_ =	shalt  }
0x4d: {  	_ =	shalt  }
0x4e: {  	_ =	shalt  }
0x4f: {  	_ =	shalt  }
0x50: {  	_ =	shalt  }
0x51: {  	_ =	shalt  }
0x52: {  	_ =	shalt  }
0x53: {  	_ =	shalt  }
0x54: {  	_ =	shalt  }
0x55: {  	_ =	shalt  }
0x56: {  	_ =	shalt  }
0x57: {  	_ =	shalt  }
0x58: {  	_ =	shalt  }
0x59: {  	_ =	shalt  }
0x5a: {  	_ =	shalt  }
0x5b: {  	_ =	shalt  }
0x5c: {  	_ =	shalt  }
0x5d: {  	_ =	shalt  }
0x5e: {  	_ =	shalt  }
0x5f: {  	_ =	shalt  }
0x60: {  	_ =	shalt  }
0x61: {  	_ =	shalt  }
0x62: {  	_ =	shalt  }
0x63: {  	_ =	shalt  }
0x64: {  	_ =	shalt  }
0x65: {  	_ =	shalt  }
0x66: {  	_ =	shalt  }
0x67: {  	_ =	shalt  }
0x68: {  	_ =	shalt  }
0x69: {  	_ =	shalt  }
0x6a: {  	_ =	shalt  }
0x6b: {  	_ =	shalt  }
0x6c: {  	_ =	shalt  }
0x6d: {  	_ =	shalt  }
0x6e: {  	_ =	shalt  }
0x6f: {  	_ =	shalt  }
0x70: {  	_ =	shalt  }
0x71: {  	_ =	shalt  }
0x72: {  	_ =	shalt  }
0x73: {  	_ =	shalt  }
0x74: {  	_ =	shalt  }
0x75: {  	_ =	shalt  }
0x76: {  	_ =	shalt  }
0x77: {  	_ =	shalt  }
0x78: {  	_ =	shalt  }
0x79: {  	_ =	shalt  }
0x7a: {  	_ =	shalt  }
0x7b: {  	_ =	shalt  }
0x7c: {  	_ =	shalt  }
0x7d: {  	_ =	shalt  }
0x7e: {  	_ =	shalt  }
0x7f: {  	_ =	shalt  }
0x80: {  	_ =	shalt  }
0x81: {  	_ =	shalt  }
0x82: {  	_ =	shalt  }
0x83: {  	_ =	shalt  }
0x84: {  	_ =	shalt  }
0x85: {  	_ =	shalt  }
0x86: {  	_ =	shalt  }
0x87: {  	_ =	shalt  }
.Lfunc_end0:
.L_simem_size_0:
called_computation.1_lowered:
.L_overlay_start_0:
0x88: {  	s2 =	sld [smem:$0x3FD9]  }
0x89: {  	s3 =	sld [smem:$0x3FFE];
	_ =	sdelay $0x1  }
0x8a: {  	s1 =	srdreg.scid  }
0x8b: {  	s0 =	sand.u32 $0x1, s1  }
0x8c: {  	s14 =	sshll.u32 s0, $0xA;
	s2 =	sadd.s32 s3, s2  }
0x8d: {  	s2 =	sadd.s32 s2, s14  }
0x8e: {  	[smem:$0x3FBB] =	sst s2  }
0x8f: {  	_ = 	snop  }
0x90: {  	s2 =	sld [smem:$0x3FD0];
	_ =	sdelay $0x2  }
0x91: {  	s15 =	simm.s32 $0xA;
	s4 =	simm.s32 $0x10  }
0x92: {  	[smem:s4], [sflag:s15] =	dma.local [hbm:s2], $0x1  }
0x93: {  	_ =	swait.eq [sflag:s15], $0x1  }
0x94: {  	[sflag:s15] =	ssyncset.done $0x0  }
0x95: {  	s16 =	sld [smem:$0x10];
	[sflag:s15] =	ssyncadd.s32 $0xFFFFFFFF  }
0x96: {  	s17 =	sld [smem:$0x11];
	(tm) =	ssettm $0x1  }
0x97: {  	s18 =	sld [smem:$0x3FFB];
	_ =	sdelay $0x3  }
0x98: {  	_ =	strace s18  }
0x99: {  	s4 =	sld [smem:$0x3FFC];
	_ =	sdelay $0x3  }
0x9a: {  	_ =	strace s4  }
0x9b: {  	s4 =	sld [smem:$0x3FFD];
	_ =	sdelay $0x3  }
0x9c: {  	_ =	strace s4  }
0x9d: {  	_ =	strace $0x8FFFFFFF  }
0x9e: {  	s19 =	sld [smem:$0x3FDB];
	_ =	sdelay $0x1  }
0x9f: {  	s5 =	simm.s32 $_scs_section_size  }
0xa0: {  	s6 =	simm.s32 $_size__tile_overlayer_lowered;
	s7 =	simm.s32 $_tile_overlayer_lowered  }
0xa1: {  	s22 =	simm.s32 $0x1BFF;
	s21 =	sshll.u32 s7, $0x1;
	s4 =	sadd.s32 s5, s19  }
0xa2: {  	s8 =	simm.s32 $0x0;
	s20 =	sshll.u32 s6, $0x1;
	s6 =	sadd.s32 s21, s4  }
0xa3: {  	[timem:s8], [sflag:s22] =	dma.local [hbm:s6], s20  }
0xa4: {  	_ =	swait.ge [sflag:s22], s20  }
0xa5: {  	s5 =	ssub.s32 $0x0, s20;
	[sflag:s22] =	ssyncset.done $0x0  }
0xa6: {  	[sflag:s22] =	ssyncadd.s32 s5;
	_ =	sdelay $0x1  }
0xa7: {  	s23 =	simm.s32 $0x1B8B  }
0xa8: {  	_ =	swait.ge [sflag:s23], $0x1  }
0xa9: {  	[sflag:s23] =	ssyncset.done $0x0  }
0xaa: {  	s25 =	simm.s32 $0x1B8E;
	s24 =	sld [smem:$0x3FFE];
	[sflag:s23] =	ssyncadd.s32 $0xFFFFFFFF  }
0xab: {  	s26 =	simm.s32 $execute0_lowered;
	[smem:$0x3FD2] =	sst s25  }
0xac: {  	s6 =	sshll.u32 s26, $0x1;
	_ =	strace $0x80000049;
	[dreg:$0x1] =	wrdreg $0xFFFFFFFF  }
0xad: {  	s28 =	simm.s32 $_size_execute0_lowered;
	s4 =	sadd.s32 s4, s6;
	[dreg:$0x0] =	wrdreg $0x0  }
0xae: {  	s6 =	sshll.u32 s28, $0x1;
	[dreg:$0x2] =	wrdreg s4  }
0xaf: {  	[dreg:$0x3] =	wrdreg s6  }
0xb0: {  	[dreg:$0x4] =	wrdreg $0xC0  }
0xb1: {  	_ =	task [dreg:s8], $0x5FFFF  }
0xb2: {  	[dreg:$0x1] =	wrdreg $0xFFFFFFFF  }
0xb3: {  	[dreg:$0x0] =	wrdreg $0x60  }
0xb4: {  	[dreg:$0x2] =	wrdreg s24  }
0xb5: {  	[dreg:$0x3] =	wrdreg s16  }
0xb6: {  	[dreg:$0x4] =	wrdreg s17  }
0xb7: {  	[dreg:$0x5] =	wrdreg $0x148000  }
0xb8: {  	[dreg:$0x6] =	wrdreg $0x9  }
0xb9: {  	_ =	task.clear_ibuf [dreg:s8], $0x7FFFF;
	_ =	strace $0x90000049  }
0xba: {  	s29 =	simm.s32 $0x9;
	_ =	strace $0x8000004B  }
0xbb: {  	_ =	swait.ge [sflag:s29], $0x1  }
0xbc: {  	[sflag:s29] =	ssyncadd.s32 $0xFFFFFFFF  }
0xbd: {  	_ =	strace $0x9000004B  }
0xbe: {  	_ =	sfence  }
0xbf: {  	s30 =	sld [smem:$0x0];
	_ =	sdelay $0x2  }
0xc0: {  	s31 =	sshll.u32 s1, $0xD;
	s1 =	sshrl.u32 s1, $0x2  }
0xc1: {  	s3 =	sand.u32 $0x4000, s31;
	s1 =	sadd.s32 s1, s30  }
0xc2: {  	s0 =	sor.u32 s3, s0;
	s1 =	sshll.u32 s1, $0x11  }
0xc3: {  	s0 =	sor.u32 s1, s0  }
0xc4: {  	s0 =	sadd.s32 $0x8F2B, s0  }
0xc5: {  	[sflag:s0] =	ssyncadd.remote.s32 $0x1  }
0xc6: {  	_ =	sfence.sel $0xFFFF  }
0xc7: {  	[dreg:$0x0] =	wrdreg $0xFFFFFFFF;
	(pc) =	sbr.abs _section_cstart, $3  }
0xc8: {  	[dreg:$0x1] =	wrdreg $0xFFFFFFFF  }
0xc9: {  	_ =	task.clear_ibuf [dreg:s8], $0x2FFFF;
	_ =	strace $0x9FFFFFFF  }
0xca: {  	(tm) =	ssettm $0x7FFFFFFF  }
0xcb: {  	_ =	shalt  }
tec
execute0_lowered:
.L_overlay_start_1:
0x0: {  	(tag) =	ssettag $0x1  }
0x1: {  	s0 =	rddreg [dreg:$0x0]  }
0x2: {  	s1 =	rddreg [dreg:$0x1]  }
0x3: {  	s3 =	rddreg [dreg:$0x2];
	s9 =	stileid.u32  }
0x4: {  	s4 =	srdreg.scid;
	s8 =	smul.u32 $0xA000, s9  }
0x5: {  	s2 =	rddreg [dreg:$0x3];
	s7 =	smul.u32 $0xA00, s9  }
0x6: {  	s6 =	simm.s32 $0x0;
	s4 =	sand.u32 $0x1, s4;
	s9 =	smul.u32 $0x28000, s9  }
0x7: {  	p0 =	por $0x0, $0x0;
	[smem:$0x7FF] =	sst s6;
	s5 =	smul.u32 $0xA0000, s4  }
0x8: {  	s26 =	smul.u32 $0x13880, s4;
	_ =	strace $0x8000004A;
	s4 =	ssub.s32 $0x2, s4  }
0x9: {  	s6 =	sshrl.u32 s4, $0x1;
	s1 =	sadd.s32 s1, s7;
	s9 =	sshrl.u32 s9, $0x2  }
0xa: {  	s3 =	sadd.s32 s3, s7;
	s4 =	ssub.s32 s4, s6;
	[dreg:$0x5] =	wrdreg s1  }
0xb: {  	[dreg:$0x6] =	wrdreg s3;
	s6 =	sadd.s32 s9, s2;
	s11 =	smax.u32 s4, $0x1  }
0xc: {  	s31 =	simm.s32 $0xB;
	s12 =	sadd.s32 $0x800, s6;
	[dreg:$0x8] =	wrdreg s11  }
0xd: {  	s5 =	sadd.s32 s8, s5;
	s13 =	sadd.s32 $0x1000, s6;
	[dreg:$0x9] =	wrdreg s12  }
0xe: {  	s10 =	sadd.s32 s26, s0;
	s14 =	sadd.s32 $0x1800, s6;
	[dreg:$0xa] =	wrdreg s13  }
0xf: {  	s1 =	simm.s32 $0x14000;
	s15 =	sadd.s32 $0x2000, s6;
	[dreg:$0xb] =	wrdreg s14  }
0x10: {  	s3 =	simm.s32 $0x80;
	s16 =	sadd.s32 $0x2800, s6;
	[dreg:$0xc] =	wrdreg s15  }
0x11: {  	s9 =	simm.s32 $0x8;
	s17 =	sadd.s32 $0x3000, s6;
	[dreg:$0xd] =	wrdreg s16  }
0x12: {  	s5 =	sshrl.u32 s5, $0x3;
	s18 =	sadd.s32 $0x3800, s6;
	[dreg:$0xe] =	wrdreg s17  }
0x13: {  	s7 =	sadd.s32 $0x1600, s10;
	s19 =	sadd.s32 $0x4000, s6;
	[dreg:$0xf] =	wrdreg s18  }
0x14: {  	s10 =	sadd.s32 s8, s2;
	s20 =	sadd.s32 $0x4800, s6;
	[dreg:$0x10] =	wrdreg s19  }
0x15: {  	s21 =	sadd.s32 $0x5000, s6;
	s22 =	sadd.s32 $0x5800, s6;
	[dreg:$0x11] =	wrdreg s20  }
0x16: {  	s23 =	sadd.s32 $0x6000, s6;
	s24 =	sadd.s32 $0x6800, s6;
	[dreg:$0x12] =	wrdreg s21  }
0x17: {  	s25 =	sadd.s32 $0x7000, s6;
	s26 =	sadd.s32 $0x7800, s6;
	[dreg:$0x13] =	wrdreg s22  }
0x18: {  	s28 =	sadd.s32 $0x8800, s6;
	s29 =	sadd.s32 $0x9000, s6;
	[dreg:$0x14] =	wrdreg s23  }
0x19: {  	s30 =	sadd.s32 $0x9800, s6;
	s4 =	simm.s32 $0xE000;
	[dreg:$0x15] =	wrdreg s24  }
0x1a: {  	s8 =	simm.s32 $0x10000;
	s0 =	sadd.s32 s5, s0;
	[dreg:$0x16] =	wrdreg s25  }
0x1b: {  	[dreg:$0x17] =	wrdreg s26;
	s26 =	sadd.s32 $0x8000, s6;
	s5 =	simm.s32 $0x4  }
.Ltmp0:
0x1c: {  	s11 =	simm.s32 $0x12000;
	s12 =	simm.s32 $0x9;
	(pc) =	sbr.rel .LBB2_1-.Ltmp0, $4  }
0x1d: {  	s13 =	simm.s32 $0xA;
	s14 =	simm.s32 $0x1;
	s15 =	simm.s32 $0xA000  }
0x1e: {  	s16 =	simm.s32 $0x2;
	s17 =	simm.s32 $0xC000;
	s0 =	sadd.s32 $0xA8400, s0  }
0x1f: {  	s18 =	simm.s32 $0x0;
	[dreg:$0x7] =	wrdreg s0;
	s0 =	sshrl.u32 s10, $0x3  }
0x20: {  	v0 =	vimm.f32 $0.0e+00;
	s10 =	simm.s32 $0x5;
	[dreg:$0x18] =	wrdreg s0;
	s0 =	simm.s32 $0x3  }
.LBB2_16:
0x21: {  	_ =	swait.ge [sflag:s13], $0x2000  }
0x22: {  	[sflag:s13] =	ssyncset.done $0x0  }
0x23: {  	[sflag:s13] =	ssyncadd.s32 $0xFFFFE000  }
0x24: {  	s19 =	stileid.u32;
	[bflag:$0x0] =	sbarrier.arrive $0xFFFF  }
0x25: {  	s19 =	sshll.u32 s19, $0x6;
	s20 =	rddreg [dreg:$0x7]  }
0x26: {  	s19 =	sor.u32 $0x1C0B, s19;
	s21 =	rddreg [dreg:$0x18]  }
0x27: {  	[hbm:s20], [sflag:s19] =	dma.local [spmem:s21], $0x1400  }
0x28: {  	_ =	swait.ge [sflag:s31], $0x1400  }
0x29: {  	s18 =	sadd.s32 $0x1, s18;
	s25 =	rddreg [dreg:$0x8]  }
0x2a: {  	p1 =	sne.s32 s18, s25  }
.Ltmp1:
0x2b: {  	_ = 	snop;
	(pc) =	sbr.rel @!p1 .LBB2_17-.Ltmp1, $3  }
0x2c: {  	_ =	sdelay $0x1  }
0x2d: {  	[sflag:s31] =	ssyncset.done $0x0  }
0x2e: {  	[sflag:s31] =	ssyncadd.s32 $0xFFFFEC00  }
.LBB2_1:
0x2f: {  	s19 =	simm.s32 $0x0;
	s20 =	rddreg [dreg:$0x5]  }
0x30: {  	[tilespmem:s19], [sflag:$0xB] =	stream.linear.gather [hbm4b:s20+s19], $0x5000, $0x38;
	[tilespmem:$0x1E800] =	vst v63  }
0x31: {  	_ =	swait.ge [sflag:s31], $0x5000  }
0x32: {  	[sflag:s31] =	ssyncset.done $0x0  }
0x33: {  	s21 =	simm.s32 $0x5000;
	s25 =	rddreg [dreg:$0x6];
	[sflag:s31] =	ssyncadd.s32 $0xFFFFB000  }
0x34: {  	[tilespmem:s21], [sflag:$0xB] =	stream.linear.gather [hbm4b:s25+s19], $0x5000, $0x38;
	[tilespmem:$0x1E800] =	vst v63  }
0x35: {  	_ =	swait.ge [sflag:s31], $0x5000  }
0x36: {  	[sflag:s31] =	ssyncset.done $0x0  }
0x37: {  	s20 =	simm.s32 $0x100;
	s19 =	simm.s32 $0x0;
	[sflag:s31] =	ssyncadd.s32 $0xFFFFB000  }
.LBB2_2:
0x38: {  	p1 =	sne.s32 s20, $0x1F00;
	[tilespmem:s19+$0x14030] =	vst v0;
	s21 =	smov.u32 s20;
	s20 =	sadd.s32 $0x100, s20  }
.Ltmp2:
0x39: {  	[tilespmem:s19+$0x14020] =	vst v0;
	(pc) =	sbr.rel @p1 .LBB2_2-.Ltmp2, $3  }
0x3a: {  	[tilespmem:s19+$0x14000] =	vst v0  }
0x3b: {  	[tilespmem:s19+$0x14010] =	vst v0;
	_ =	sdelay $0x1  }
0x3c: {  	s19 =	sshra.s32 s21, $0x2  }
0x3d: {  	[tilespmem:s19+$0x14030] =	vst v0  }
0x3e: {  	[tilespmem:s19+$0x14020] =	vst v0  }
0x3f: {  	[tilespmem:s19+$0x14000] =	vst v0  }
0x40: {  	[tilespmem:s19+$0x14010] =	vst v0  }
0x41: {  	[spmem:s6] =	stream.linear.scatter [tilespmem:s1], [sflag:$0xB], $0x800, $0x38;
	[tilespmem:$0x1E800] =	vst v63  }
0x42: {  	_ =	swait.ge [sflag:s31], $0x800  }
0x43: {  	[sflag:s31] =	ssyncset.done $0x0  }
0x44: {  	s23 =	rddreg [dreg:$0x9];
	[sflag:s31] =	ssyncadd.s32 $0xFFFFF800  }
0x45: {  	[spmem:s23] =	stream.linear.scatter [tilespmem:s1], [sflag:$0xB], $0x800, $0x38;
	[tilespmem:$0x1E800] =	vst v63  }
0x46: {  	_ =	swait.ge [sflag:s31], $0x800  }
0x47: {  	[sflag:s31] =	ssyncset.done $0x0  }
0x48: {  	s24 =	rddreg [dreg:$0xa];
	[sflag:s31] =	ssyncadd.s32 $0xFFFFF800  }
0x49: {  	[spmem:s24] =	stream.linear.scatter [tilespmem:s1], [sflag:$0xB], $0x800, $0x38;
	[tilespmem:$0x1E800] =	vst v63  }
0x4a: {  	_ =	swait.ge [sflag:s31], $0x800  }
0x4b: {  	[sflag:s31] =	ssyncset.done $0x0  }
0x4c: {  	s25 =	rddreg [dreg:$0xb];
	[sflag:s31] =	ssyncadd.s32 $0xFFFFF800  }
0x4d: {  	[spmem:s25] =	stream.linear.scatter [tilespmem:s1], [sflag:$0xB], $0x800, $0x38;
	[tilespmem:$0x1E800] =	vst v63  }
0x4e: {  	_ =	swait.ge [sflag:s31], $0x800  }
0x4f: {  	[sflag:s31] =	ssyncset.done $0x0  }
0x50: {  	s20 =	rddreg [dreg:$0xc];
	[sflag:s31] =	ssyncadd.s32 $0xFFFFF800  }
0x51: {  	[spmem:s20] =	stream.linear.scatter [tilespmem:s1], [sflag:$0xB], $0x800, $0x38;
	[tilespmem:$0x1E800] =	vst v63  }
0x52: {  	_ =	swait.ge [sflag:s31], $0x800  }
0x53: {  	[sflag:s31] =	ssyncset.done $0x0  }
0x54: {  	s21 =	rddreg [dreg:$0xd];
	[sflag:s31] =	ssyncadd.s32 $0xFFFFF800  }
0x55: {  	[spmem:s21] =	stream.linear.scatter [tilespmem:s1], [sflag:$0xB], $0x800, $0x38;
	[tilespmem:$0x1E800] =	vst v63  }
0x56: {  	_ =	swait.ge [sflag:s31], $0x800  }
0x57: {  	[sflag:s31] =	ssyncset.done $0x0  }
0x58: {  	s22 =	rddreg [dreg:$0xe];
	[sflag:s31] =	ssyncadd.s32 $0xFFFFF800  }
0x59: {  	[spmem:s22] =	stream.linear.scatter [tilespmem:s1], [sflag:$0xB], $0x800, $0x38;
	[tilespmem:$0x1E800] =	vst v63  }
0x5a: {  	_ =	swait.ge [sflag:s31], $0x800  }
0x5b: {  	[sflag:s31] =	ssyncset.done $0x0  }
0x5c: {  	s23 =	rddreg [dreg:$0xf];
	[sflag:s31] =	ssyncadd.s32 $0xFFFFF800  }
0x5d: {  	[spmem:s23] =	stream.linear.scatter [tilespmem:s1], [sflag:$0xB], $0x800, $0x38;
	[tilespmem:$0x1E800] =	vst v63  }
0x5e: {  	_ =	swait.ge [sflag:s31], $0x800  }
0x5f: {  	[sflag:s31] =	ssyncset.done $0x0  }
0x60: {  	s24 =	rddreg [dreg:$0x10];
	[sflag:s31] =	ssyncadd.s32 $0xFFFFF800  }
0x61: {  	[spmem:s24] =	stream.linear.scatter [tilespmem:s1], [sflag:$0xB], $0x800, $0x38;
	[tilespmem:$0x1E800] =	vst v63  }
0x62: {  	_ =	swait.ge [sflag:s31], $0x800  }
0x63: {  	[sflag:s31] =	ssyncset.done $0x0  }
0x64: {  	s25 =	rddreg [dreg:$0x11];
	[sflag:s31] =	ssyncadd.s32 $0xFFFFF800  }
0x65: {  	[spmem:s25] =	stream.linear.scatter [tilespmem:s1], [sflag:$0xB], $0x800, $0x38;
	[tilespmem:$0x1E800] =	vst v63  }
0x66: {  	_ =	swait.ge [sflag:s31], $0x800  }
0x67: {  	[sflag:s31] =	ssyncset.done $0x0  }
0x68: {  	s20 =	rddreg [dreg:$0x12];
	[sflag:s31] =	ssyncadd.s32 $0xFFFFF800  }
0x69: {  	[spmem:s20] =	stream.linear.scatter [tilespmem:s1], [sflag:$0xB], $0x800, $0x38;
	[tilespmem:$0x1E800] =	vst v63  }
0x6a: {  	_ =	swait.ge [sflag:s31], $0x800  }
0x6b: {  	[sflag:s31] =	ssyncset.done $0x0  }
0x6c: {  	s21 =	rddreg [dreg:$0x13];
	[sflag:s31] =	ssyncadd.s32 $0xFFFFF800  }
0x6d: {  	[spmem:s21] =	stream.linear.scatter [tilespmem:s1], [sflag:$0xB], $0x800, $0x38;
	[tilespmem:$0x1E800] =	vst v63  }
0x6e: {  	_ =	swait.ge [sflag:s31], $0x800  }
0x6f: {  	[sflag:s31] =	ssyncset.done $0x0  }
0x70: {  	s22 =	rddreg [dreg:$0x14];
	[sflag:s31] =	ssyncadd.s32 $0xFFFFF800  }
0x71: {  	[spmem:s22] =	stream.linear.scatter [tilespmem:s1], [sflag:$0xB], $0x800, $0x38;
	[tilespmem:$0x1E800] =	vst v63  }
0x72: {  	_ =	swait.ge [sflag:s31], $0x800  }
0x73: {  	[sflag:s31] =	ssyncset.done $0x0  }
0x74: {  	s23 =	rddreg [dreg:$0x15];
	[sflag:s31] =	ssyncadd.s32 $0xFFFFF800  }
0x75: {  	[spmem:s23] =	stream.linear.scatter [tilespmem:s1], [sflag:$0xB], $0x800, $0x38;
	[tilespmem:$0x1E800] =	vst v63  }
0x76: {  	_ =	swait.ge [sflag:s31], $0x800  }
0x77: {  	[sflag:s31] =	ssyncset.done $0x0  }
0x78: {  	s24 =	rddreg [dreg:$0x16];
	[sflag:s31] =	ssyncadd.s32 $0xFFFFF800  }
0x79: {  	[spmem:s24] =	stream.linear.scatter [tilespmem:s1], [sflag:$0xB], $0x800, $0x38;
	[tilespmem:$0x1E800] =	vst v63  }
0x7a: {  	_ =	swait.ge [sflag:s31], $0x800  }
0x7b: {  	[sflag:s31] =	ssyncset.done $0x0  }
0x7c: {  	s25 =	rddreg [dreg:$0x17];
	[sflag:s31] =	ssyncadd.s32 $0xFFFFF800  }
0x7d: {  	[spmem:s25] =	stream.linear.scatter [tilespmem:s1], [sflag:$0xB], $0x800, $0x38;
	[tilespmem:$0x1E800] =	vst v63  }
0x7e: {  	_ =	swait.ge [sflag:s31], $0x800  }
0x7f: {  	[sflag:s31] =	ssyncset.done $0x0  }
0x80: {  	[sflag:s31] =	ssyncadd.s32 $0xFFFFF800  }
0x81: {  	[spmem:s26] =	stream.linear.scatter [tilespmem:s1], [sflag:$0xB], $0x800, $0x38;
	[tilespmem:$0x1E800] =	vst v63  }
0x82: {  	_ =	swait.ge [sflag:s31], $0x800  }
0x83: {  	[sflag:s31] =	ssyncset.done $0x0  }
0x84: {  	[sflag:s31] =	ssyncadd.s32 $0xFFFFF800  }
0x85: {  	[spmem:s28] =	stream.linear.scatter [tilespmem:s1], [sflag:$0xB], $0x800, $0x38;
	[tilespmem:$0x1E800] =	vst v63  }
0x86: {  	_ =	swait.ge [sflag:s31], $0x800  }
0x87: {  	[sflag:s31] =	ssyncset.done $0x0  }
0x88: {  	[sflag:s31] =	ssyncadd.s32 $0xFFFFF800  }
0x89: {  	[spmem:s29] =	stream.linear.scatter [tilespmem:s1], [sflag:$0xB], $0x800, $0x38;
	[tilespmem:$0x1E800] =	vst v63  }
0x8a: {  	_ =	swait.ge [sflag:s31], $0x800  }
0x8b: {  	[sflag:s31] =	ssyncset.done $0x0  }
0x8c: {  	[sflag:s31] =	ssyncadd.s32 $0xFFFFF800  }
0x8d: {  	[spmem:s30] =	stream.linear.scatter [tilespmem:s1], [sflag:$0xB], $0x800, $0x38;
	[tilespmem:$0x1E800] =	vst v63  }
.Ltmp3:
0x8e: {  	_ =	swait.ge [sflag:s31], $0x800;
	(pc) =	sbr.rel .LBB2_4-.Ltmp3, $4  }
0x8f: {  	[sflag:s31] =	ssyncset.done $0x0  }
0x90: {  	[sflag:s31] =	ssyncadd.s32 $0xFFFFF800  }
0x91: {  	s19 =	simm.s32 $0x0;
	[bflag:$0x0] =	sbarrier.arrive $0xFFFF  }
0x92: {  	s20 =	simm.s32 $0x200;
	s21 =	simm.s32 $0x5000;
	s22 =	simm.s32 $0x1  }
.LBB2_18:
.Ltmp4:
0x93: {  	(pc) =	sbr.rel @p1 .LBB2_16-.Ltmp4, $2  }
0x94: {  	_ =	sdelay $0x2  }
0x95: {  	p3 =	por $0x1, $0x1  }
.LBB2_19:
0x96: {  	s24 =	sadd.s32 $0xFFFFFF80, s20  }
0x97: {  	[tilespmem:s8], [sflag:$0x4] =	stream.indirect.gather [hbm4b:s7+s3], $0x40, s24, s3, $0xb8;
	[tilespmem:$0x1E800] =	vst v63  }
0x98: {  	_ =	swait.ge [sflag:s14], $0x2000  }
0x99: {  	[sflag:s14] =	ssyncset.done $0x0  }
0x9a: {  	s24 =	simm.s32 @p3 $0xA;
	[sflag:s14] =	ssyncadd.s32 $0xFFFFE000  }
0x9b: {  	[spmem:s2] =	stream.indirect.scatter.add.f32 [tilespmem:s15], [sflag:$0x6], $0x40, s21, s3, $0xb8;
	[tilespmem:$0x1E800] =	vst v63  }
0x9c: {  	_ =	swait.ge @p3 [sflag:s24], $0x2000  }
0x9d: {  	[sflag:s24] =	ssyncset.done @p3 $0x0  }
0x9e: {  	s23 =	sshll.u32 s23, $0x7;
	[sflag:s24] =	ssyncadd.s32 @p3 $0xFFFFE000  }
0x9f: {  	[tilespmem:s11], [sflag:$0x5] =	stream.indirect.gather [hbm4b:s7+s3], $0x40, s20, s3, $0xb8;
	[tilespmem:$0x1E800] =	vst v63  }
0xa0: {  	s19 =	sadd.s32 $0x1, s19;
	s23 =	sand.u32 $0x3FFFFF80, s23;
	_ =	swait.ge [sflag:s16], $0x2000  }
0xa1: {  	s22 =	sadd.s32 $0x5, s22;
	s23 =	sadd.s32 $0x5000, s23;
	[sflag:s16] =	ssyncset.done $0x0  }
0xa2: {  	s21 =	sadd.s32 $0x280, s21;
	s20 =	sadd.s32 $0x280, s20;
	[sflag:s16] =	ssyncadd.s32 $0xFFFFE000  }
0xa3: {  	[spmem:s2] =	stream.indirect.scatter.add.f32 [tilespmem:s17], [sflag:$0x7], $0x40, s23, s3, $0xb8;
	[tilespmem:$0x1E800] =	vst v63  }
.LBB2_4:
0xa4: {  	s23 =	sadd.s32 $0xFFFFFFFA, s22  }
0xa5: {  	p1 =	sgt.u32 s23, $0x9F  }
0xa6: {  	s23 =	simm.s32 @!p1 $0x6  }
0xa7: {  	_ =	swait.ge @!p1 [sflag:s23], $0x2000  }
0xa8: {  	[sflag:s23] =	ssyncset.done @!p1 $0x0  }
0xa9: {  	[sflag:s23] =	ssyncadd.s32 @!p1 $0xFFFFE000;
	p1 =	seq.s32 s22, $0xA1  }
0xaa: {  	s23 =	sadd.s32 @!p1 $0xFFFFFE00, s20;
	s24 =	simm.s32 @!p1 $0x80;
	s25 =	simm.s32 @!p1 $0xA000  }
0xab: {  	[tilespmem:s25], [sflag:$0x1] =	stream.indirect.gather @!p1 [hbm4b:s7+s24], $0x40, s23, s24, $0xb8;
	[tilespmem:$0x1E800] =	vst v63  }
0xac: {  	s23 =	sadd.s32 @!p1 $0xFFFFFFFC, s22  }
0xad: {  	p2 =	sgt.u32 @!p1 s23, $0x9F  }
0xae: {  	p2 =	por p1, !p2  }
.Ltmp5:
0xaf: {  	_ = 	snop;
	(pc) =	sbr.rel @!p2 .LBB2_7-.Ltmp5, $2  }
0xb0: {  	_ =	sdelay $0x2  }
0xb1: {  	p3 =	por @!p1 $0x0, $0x0  }
0xb2: {  	s23 =	simm.s32 @p1 $0x9D  }
0xb3: {  	_ =	swait.ge [sflag:s0], $0x2000;
	s23 =	sshll.u32 s23, $0x7  }
0xb4: {  	[sflag:s0] =	ssyncset.done $0x0;
	s23 =	sand.u32 $0x3FFFFF80, s23  }
0xb5: {  	s25 =	sadd.s32 $0xFFFFFFFB, s22;
	[sflag:s0] =	ssyncadd.s32 $0xFFFFE000;
	s23 =	sadd.s32 $0x5000, s23  }
0xb6: {  	[spmem:s2] =	stream.indirect.scatter.add.f32 [tilespmem:s4], [sflag:$0x8], $0x40, s23, s3, $0xb8;
	[tilespmem:$0x1E800] =	vst v63  }
.Ltmp6:
0xb7: {  	p2 =	sgt.u32 s25, $0x9F;
	(pc) =	sbr.rel @!p1 .LBB2_7-.Ltmp6, $4  }
0xb8: {  	s23 =	simm.s32 @!p2 $0x7  }
0xb9: {  	_ =	swait.ge @!p2 [sflag:s23], $0x2000  }
0xba: {  	[sflag:s23] =	ssyncset.done @!p2 $0x0  }
0xbb: {  	p3 =	por $0x1, $0x1;
	[sflag:s23] =	ssyncadd.s32 @!p2 $0xFFFFE000  }
.Ltmp7:
0xbc: {  	(pc) =	sbr.rel .LBB2_9-.Ltmp7, $3  }
0xbd: {  	_ = 	snop  }
0xbe: {  	s23 =	smul.u32 $0x5, s19;
	_ =	sdelay $0x1  }
0xbf: {  	s24 =	simm.s32 $0x9E;
	s23 =	sadd.s32 $0x1, s23  }
.LBB2_7:
0xc0: {  	s24 =	sadd.s32 $0xFFFFFFFD, s22  }
0xc1: {  	p2 =	sgt.u32 s24, $0x9F  }
.Ltmp8:
0xc2: {  	_ = 	snop;
	(pc) =	sbr.rel @p2 .LBB2_10-.Ltmp8, $3  }
0xc3: {  	_ =	sdelay $0x1  }
0xc4: {  	s23 =	sadd.s32 $0xFFFFFE80, s20  }
0xc5: {  	[tilespmem:s17], [sflag:$0x2] =	stream.indirect.gather [hbm4b:s7+s3], $0x40, s23, s3, $0xb8;
	[tilespmem:$0x1E800] =	vst v63  }
0xc6: {  	s23 =	smov.u32 s22  }
.LBB2_9:
.Ltmp9:
0xc7: {  	(pc) =	sbr.rel @p3 .LBB2_11-.Ltmp9, $4  }
.Ltmp10:
0xc8: {  	_ =	swait.ge [sflag:s5], $0x2000;
	s24 =	sshll.u32 s24, $0x7;
	(pc) =	sbr.rel @!p3 .LBB2_12-.Ltmp10, $4  }
0xc9: {  	[sflag:s5] =	ssyncset.done $0x0;
	s24 =	sand.u32 $0x3FFFFF80, s24  }
0xca: {  	p2 =	por $0x1, $0x1;
	[sflag:s5] =	ssyncadd.s32 $0xFFFFE000;
	s24 =	sadd.s32 $0x5000, s24  }
0xcb: {  	[spmem:s2] =	stream.indirect.scatter.add.f32 [tilespmem:s8], [sflag:$0x9], $0x40, s24, s3, $0xb8;
	[tilespmem:$0x1E800] =	vst v63  }
0xcc: {  	_ = 	snop  }
.LBB2_10:
.Ltmp11:
0xcd: {  	(pc) =	sbr.rel @!p3 .LBB2_13-.Ltmp11, $2  }
0xce: {  	_ =	sdelay $0x2  }
0xcf: {  	p2 =	por $0x0, $0x0;
	s23 =	smov.u32 s22  }
.LBB2_11:
0xd0: {  	_ =	swait.ge [sflag:s9], $0x2000  }
0xd1: {  	[sflag:s9] =	ssyncset.done $0x0  }
0xd2: {  	[sflag:s9] =	ssyncadd.s32 $0xFFFFE000  }
.LBB2_12:
.Ltmp12:
0xd3: {  	(pc) =	sbr.rel @p1 .LBB2_14-.Ltmp12, $2  }
0xd4: {  	_ =	sdelay $0x2  }
0xd5: {  	s24 =	simm.s32 $0x9F  }
.LBB2_13:
0xd6: {  	s24 =	sadd.s32 $0xFFFFFF00, s20  }
0xd7: {  	[tilespmem:s4], [sflag:$0x3] =	stream.indirect.gather [hbm4b:s7+s3], $0x40, s24, s3, $0xb8;
	[tilespmem:$0x1E800] =	vst v63  }
0xd8: {  	s24 =	sadd.s32 $0xFFFFFFFE, s22  }
0xd9: {  	p3 =	sgt.u32 s24, $0x9F  }
.Ltmp13:
0xda: {  	_ = 	snop;
	(pc) =	sbr.rel @p3 .LBB2_20-.Ltmp13, $1  }
0xdb: {  	_ =	sdelay $0x3  }
.LBB2_14:
.Ltmp14:
0xdc: {  	(pc) =	sbr.rel @!p2 .LBB2_18-.Ltmp14, $4  }
0xdd: {  	_ =	swait.ge [sflag:s10], $0x2000;
	s24 =	sshll.u32 s24, $0x7  }
0xde: {  	[sflag:s10] =	ssyncset.done $0x0;
	s24 =	sand.u32 $0x3FFFFF80, s24  }
0xdf: {  	[sflag:s10] =	ssyncadd.s32 $0xFFFFE000;
	s24 =	sadd.s32 $0x5000, s24  }
0xe0: {  	[spmem:s2] =	stream.indirect.scatter.add.f32 [tilespmem:s11], [sflag:$0xA], $0x40, s24, s3, $0xb8;
	[tilespmem:$0x1E800] =	vst v63  }
.Ltmp15:
0xe1: {  	(pc) =	sbr.rel @!p1 .LBB2_19-.Ltmp15, $4  }
.Ltmp16:
0xe2: {  	(pc) =	sbr.rel @p1 .LBB2_16-.Ltmp16, $4  }
0xe3: {  	_ =	swait.ge [sflag:s12], $0x2000  }
0xe4: {  	[sflag:s12] =	ssyncset.done $0x0  }
0xe5: {  	p3 =	por $0x1, $0x1;
	[sflag:s12] =	ssyncadd.s32 $0xFFFFE000  }
0xe6: {  	_ = 	snop  }
.LBB2_20:
.Ltmp17:
0xe7: {  	(pc) =	sbr.rel .LBB2_19-.Ltmp17, $4  }
0xe8: {  	s24 =	simm.s32 @p2 $0x9  }
0xe9: {  	_ =	swait.ge @p2 [sflag:s24], $0x2000  }
0xea: {  	p3 =	por @p2 $0x0, $0x0;
	[sflag:s24] =	ssyncset.done @p2 $0x0  }
0xeb: {  	p3 =	por @!p2 p0, p0;
	[sflag:s24] =	ssyncadd.s32 @p2 $0xFFFFE000  }
.LBB2_17:
0xec: {  	_ =	sfence.sel $0x180000  }
0xed: {  	[bflag:$0x0] =	sbarrier.arrive $0xFFFF  }
0xee: {  	_ =	strace $0x9000004A  }
0xef: {  	s0 =	stileid.u32;
	[bflag:$0x2] =	sbarrier.arrive $0xFFFF  }
0xf0: {  	p0 =	sne.s32 s0, $0x0;
	s0 =	rddreg [dreg:$0x4]  }
0xf1: {  	s0 =	sadd.s32 @!p0 $0x100000, s0  }
0xf2: {  	[sflag:s0] =	ssyncadd.tile.s32 @!p0 $0x1;
	_ =	shalt  }
.Lfunc_end2:
_tile_overlayer_lowered:
.L_overlay_start_2:
0xf3: {  	(tag) =	ssettag $0x2  }
0xf4: {  	s0 =	rddreg [dreg:$0x0];
	s2 =	stileid.u32  }
0xf5: {  	s1 =	rddreg [dreg:$0x1];
	p0 =	sne.s32 s2, $0x0  }
0xf6: {  	s3 =	rddreg [dreg:$0x2];
	[bflag:$0x3] =	sbarrier.arrive $0xFFFF;
	s2 =	simm.s32 @!p0 $0x1C0B  }
0xf7: {  	[timem:s3], [sflag:s2] =	dma.local @!p0 [hbm:s0], s1  }
0xf8: {  	s0 =	simm.s32 @!p0 $0xB  }
0xf9: {  	_ =	swait.ge @!p0 [sflag:s0], s1  }
0xfa: {  	s1 =	ssub.s32 @!p0 $0x0, s1;
	[sflag:s0] =	ssyncset.done @!p0 $0x0  }
0xfb: {  	[sflag:s0] =	ssyncadd.s32 @!p0 s1  }
0xfc: {  	[bflag:$0x3] =	sbarrier.arrive $0xFFFF  }
0xfd: {  	_ =	shalt  }

// kernel: kernel.17.cloned.1.call-start
scs
__scs_entry_jumppad:
0x0: {  	(pc) =	sbr.rel $0x88, $3  }
0x1: {  	(tag) =	ssettag $0x0;
	lr =	simm.s32 $0x1  }
0x2: {  	[smem:$0x3F94] =	sst lr;
	_ =	strace $0xD0000000  }
0x3: {  	_ = 	snop  }
0x4: {  	_ = 	snop  }
0x5: {  	_ = 	snop  }
0x6: {  	_ = 	snop  }
0x7: {  	_ = 	snop  }
__scs_overlays_trampoline_lowered:
0x8: {  	[smem:$0x3FA3] =	sst s0  }
0x9: {  	[smem:$0x3FA4] =	sst s1  }
0xa: {  	[smem:$0x3FA5] =	sst s2  }
0xb: {  	[smem:$0x3FA6] =	sst s3  }
0xc: {  	[smem:$0x3FA7] =	sst s4  }
0xd: {  	[smem:$0x3FA8] =	sst s5  }
0xe: {  	[smem:$0x3FA9] =	sst s6  }
0xf: {  	[smem:$0x3FAA] =	sst s7  }
0x10: {  	[smem:$0x3FAB] =	sst s8  }
0x11: {  	[smem:$0x3FAC] =	sst s9;
	s0 =	simm.s32 @!p0 $0x0  }
0x12: {  	s1 =	sld [smem:$0x3F92];
	s0 =	simm.s32 @p0 $0x1  }
0x13: {  	[smem:$0x3FAD] =	sst s0;
	s0 =	simm.s32 @!p1 $0x0  }
0x14: {  	s2 =	sld [smem:$0x3F91];
	s0 =	simm.s32 @p1 $0x1  }
0x15: {  	[smem:$0x3FAE] =	sst s0;
	s0 =	simm.s32 @!p2 $0x0  }
0x16: {  	s3 =	sld [smem:$0x3FDB];
	s0 =	simm.s32 @p2 $0x1  }
0x17: {  	s4 =	simm.s32 $0x1BF5;
	[smem:$0x3FB0] =	sst s0  }
0x18: {  	s0 =	sld [smem:$0x3F93];
	_ =	swait.ge [sflag:s4], $0x0  }
0x19: {  	s7 =	sld [smem:$0x3F94]  }
0x1a: {  	s8 =	sadd.s32 $0xFFFFE003, lr  }
0x1b: {  	s9 =	sadd.s32 $0xFFFFFEF7, lr;
	s5 =	simm.s32 $0xFFFFFFFF;
	p2 =	slt.u32 s8, $0xFFFFF086  }
0x1c: {  	p1 =	slt.u32 s9, $0xF7A;
	s5 =	simm.s32 @!p2 $0x0  }
0x1d: {  	s5 =	simm.s32 @p1 $0x1;
	p0 =	seq.s32 s7, s2  }
0x1e: {  	s7 =	smul.u32 @!p0 $0xF7A, s2;
	p2 =	seq.s32 @!p0 s5, $0x0  }
0x1f: {  	s9 =	smul.u32 $0xF7A, s1;
	s8 =	simm.s32 @!p0 $0x1BF5;
	p2 =	por !p2, p0  }
0x20: {  	[sflag:s8] =	ssyncset.s32 @!p0 $0xFFFFF086;
	s6 =	sadd.s32 @!p0 s3, s7;
	s7 =	simm.s32 @!p0 $0x108  }
0x21: {  	s3 =	sadd.s32 s3, s9;
	s6 =	sadd.s32 @!p0 $0x88, s6;
	s7 =	simm.s32 @p2 $0x1082  }
0x22: {  	[simem:s7], [sflag:s8] =	dma.local @!p0 [hbm:s6], $0xF7A  }
0x23: {  	s9 =	sor.u32 $0xD0000000, s2;
	s6 =	simm.s32 $0x108;
	_ =	swait.ge @!p0 [sflag:s8], $0x0  }
0x24: {  	s3 =	sadd.s32 $0x88, s3;
	s6 =	simm.s32 @!p1 $0x1082;
	[sflag:s4] =	ssyncset.s32 $0xFFFFF086  }
0x25: {  	[simem:s6], [sflag:s4] =	dma.local [hbm:s3], $0xF7A  }
0x26: {  	[smem:$0x3F94] =	sst s1;
	(tag) =	ssettag s2;
	_ =	strace s9  }
0x27: {  	s1 =	sld [smem:$0x3FA4]  }
0x28: {  	s2 =	sld [smem:$0x3FA5]  }
0x29: {  	s4 =	sld [smem:$0x3FA7]  }
0x2a: {  	p0 =	seq.s32 s5, $0x0;
	s5 =	sld [smem:$0x3FA8]  }
0x2b: {  	s6 =	sld [smem:$0x3FA9]  }
0x2c: {  	s7 =	sld [smem:$0x3FAA]  }
0x2d: {  	s3 =	simm.s32 $0x108;
	s8 =	sld [smem:$0x3FAB]  }
0x2e: {  	s3 =	simm.s32 @!p0 $0x1082;
	s9 =	sld [smem:$0x3FAC]  }
0x2f: {  	lr =	sadd.s32 s0, s3;
	s0 =	sld [smem:$0x3FA3]  }
0x30: {  	s3 =	sld [smem:$0x3FA6]  }
0x31: {  	[smem:$0x3FAF] =	sst s10  }
0x32: {  	s10 =	sld [smem:$0x3FAD];
	_ =	sdelay $0x3  }
0x33: {  	p0 =	seq.s32 s10, $0x1;
	s10 =	sld [smem:$0x3FAF];
	_ =	sdelay $0x3  }
0x34: {  	[smem:$0x3FAF] =	sst s10  }
0x35: {  	s10 =	sld [smem:$0x3FAE];
	_ =	sdelay $0x3  }
0x36: {  	p1 =	seq.s32 s10, $0x1;
	s10 =	sld [smem:$0x3FAF];
	_ =	sdelay $0x3  }
0x37: {  	[smem:$0x3FAF] =	sst s10  }
0x38: {  	s10 =	sld [smem:$0x3FB0]  }
0x39: {  	_ = 	snop;
	(pc) =	sbr.ind lr, $3  }
0x3a: {  	_ = 	snop  }
0x3b: {  	_ = 	snop  }
0x3c: {  	p2 =	seq.s32 s10, $0x1;
	s10 =	sld [smem:$0x3FAF]  }
0x3d: {  	_ =	shalt  }
0x3e: {  	_ =	shalt  }
0x3f: {  	_ =	shalt  }
0x40: {  	_ =	shalt  }
0x41: {  	_ =	shalt  }
0x42: {  	_ =	shalt  }
0x43: {  	_ =	shalt  }
0x44: {  	_ =	shalt  }
0x45: {  	_ =	shalt  }
0x46: {  	_ =	shalt  }
0x47: {  	_ =	shalt  }
0x48: {  	_ =	shalt  }
0x49: {  	_ =	shalt  }
0x4a: {  	_ =	shalt  }
0x4b: {  	_ =	shalt  }
0x4c: {  	_ =	shalt  }
0x4d: {  	_ =	shalt  }
0x4e: {  	_ =	shalt  }
0x4f: {  	_ =	shalt  }
0x50: {  	_ =	shalt  }
0x51: {  	_ =	shalt  }
0x52: {  	_ =	shalt  }
0x53: {  	_ =	shalt  }
0x54: {  	_ =	shalt  }
0x55: {  	_ =	shalt  }
0x56: {  	_ =	shalt  }
0x57: {  	_ =	shalt  }
0x58: {  	_ =	shalt  }
0x59: {  	_ =	shalt  }
0x5a: {  	_ =	shalt  }
0x5b: {  	_ =	shalt  }
0x5c: {  	_ =	shalt  }
0x5d: {  	_ =	shalt  }
0x5e: {  	_ =	shalt  }
0x5f: {  	_ =	shalt  }
0x60: {  	_ =	shalt  }
0x61: {  	_ =	shalt  }
0x62: {  	_ =	shalt  }
0x63: {  	_ =	shalt  }
0x64: {  	_ =	shalt  }
0x65: {  	_ =	shalt  }
0x66: {  	_ =	shalt  }
0x67: {  	_ =	shalt  }
0x68: {  	_ =	shalt  }
0x69: {  	_ =	shalt  }
0x6a: {  	_ =	shalt  }
0x6b: {  	_ =	shalt  }
0x6c: {  	_ =	shalt  }
0x6d: {  	_ =	shalt  }
0x6e: {  	_ =	shalt  }
0x6f: {  	_ =	shalt  }
0x70: {  	_ =	shalt  }
0x71: {  	_ =	shalt  }
0x72: {  	_ =	shalt  }
0x73: {  	_ =	shalt  }
0x74: {  	_ =	shalt  }
0x75: {  	_ =	shalt  }
0x76: {  	_ =	shalt  }
0x77: {  	_ =	shalt  }
0x78: {  	_ =	shalt  }
0x79: {  	_ =	shalt  }
0x7a: {  	_ =	shalt  }
0x7b: {  	_ =	shalt  }
0x7c: {  	_ =	shalt  }
0x7d: {  	_ =	shalt  }
0x7e: {  	_ =	shalt  }
0x7f: {  	_ =	shalt  }
0x80: {  	_ =	shalt  }
0x81: {  	_ =	shalt  }
0x82: {  	_ =	shalt  }
0x83: {  	_ =	shalt  }
0x84: {  	_ =	shalt  }
0x85: {  	_ =	shalt  }
0x86: {  	_ =	shalt  }
0x87: {  	_ =	shalt  }
.Lfunc_end0:
.L_simem_size_0:
called_computation.2_lowered:
.L_overlay_start_0:
0x88: {  	s2 =	sld [smem:$0x3FD9]  }
0x89: {  	s3 =	sld [smem:$0x3FFE];
	_ =	sdelay $0x1  }
0x8a: {  	s1 =	srdreg.scid  }
0x8b: {  	s0 =	sand.u32 $0x1, s1  }
0x8c: {  	s14 =	sshll.u32 s0, $0xA;
	s2 =	sadd.s32 s3, s2  }
0x8d: {  	s2 =	sadd.s32 s2, s14  }
0x8e: {  	[smem:$0x3FBB] =	sst s2  }
0x8f: {  	_ = 	snop  }
0x90: {  	s2 =	sld [smem:$0x3FD0];
	_ =	sdelay $0x2  }
0x91: {  	s15 =	simm.s32 $0xA;
	s4 =	simm.s32 $0x10  }
0x92: {  	[smem:s4], [sflag:s15] =	dma.local [hbm:s2], $0x1  }
0x93: {  	_ =	swait.eq [sflag:s15], $0x1  }
0x94: {  	[sflag:s15] =	ssyncset.done $0x0  }
0x95: {  	s16 =	sld [smem:$0x10];
	[sflag:s15] =	ssyncadd.s32 $0xFFFFFFFF  }
0x96: {  	s17 =	sld [smem:$0x11];
	(tm) =	ssettm $0x1  }
0x97: {  	s18 =	sld [smem:$0x3FFB];
	_ =	sdelay $0x3  }
0x98: {  	_ =	strace s18  }
0x99: {  	s4 =	sld [smem:$0x3FFC];
	_ =	sdelay $0x3  }
0x9a: {  	_ =	strace s4  }
0x9b: {  	s4 =	sld [smem:$0x3FFD];
	_ =	sdelay $0x3  }
0x9c: {  	_ =	strace s4  }
0x9d: {  	_ =	strace $0x8FFFFFFF  }
0x9e: {  	s19 =	sld [smem:$0x3FDB];
	_ =	sdelay $0x1  }
0x9f: {  	s5 =	simm.s32 $_scs_section_size  }
0xa0: {  	s6 =	simm.s32 $_size__tile_overlayer_lowered;
	s7 =	simm.s32 $_tile_overlayer_lowered  }
0xa1: {  	s22 =	simm.s32 $0x1BFF;
	s21 =	sshll.u32 s7, $0x1;
	s4 =	sadd.s32 s5, s19  }
0xa2: {  	s8 =	simm.s32 $0x0;
	s20 =	sshll.u32 s6, $0x1;
	s6 =	sadd.s32 s21, s4  }
0xa3: {  	[timem:s8], [sflag:s22] =	dma.local [hbm:s6], s20  }
0xa4: {  	_ =	swait.ge [sflag:s22], s20  }
0xa5: {  	s5 =	ssub.s32 $0x0, s20;
	[sflag:s22] =	ssyncset.done $0x0  }
0xa6: {  	[sflag:s22] =	ssyncadd.s32 s5;
	_ =	sdelay $0x1  }
0xa7: {  	s23 =	simm.s32 $0x1B8B  }
0xa8: {  	_ =	swait.ge [sflag:s23], $0x1  }
0xa9: {  	[sflag:s23] =	ssyncset.done $0x0  }
0xaa: {  	s25 =	simm.s32 $0x1B8E;
	s24 =	sld [smem:$0x3FFE];
	[sflag:s23] =	ssyncadd.s32 $0xFFFFFFFF  }
0xab: {  	s26 =	simm.s32 $execute0_lowered;
	[smem:$0x3FD2] =	sst s25  }
0xac: {  	s6 =	sshll.u32 s26, $0x1;
	_ =	strace $0x8000004C;
	[dreg:$0x1] =	wrdreg $0xFFFFFFFF  }
0xad: {  	s28 =	simm.s32 $_size_execute0_lowered;
	s4 =	sadd.s32 s4, s6;
	[dreg:$0x0] =	wrdreg $0x0  }
0xae: {  	s6 =	sshll.u32 s28, $0x1;
	[dreg:$0x2] =	wrdreg s4  }
0xaf: {  	[dreg:$0x3] =	wrdreg s6  }
0xb0: {  	[dreg:$0x4] =	wrdreg $0xC0  }
0xb1: {  	_ =	task [dreg:s8], $0x5FFFF  }
0xb2: {  	[dreg:$0x1] =	wrdreg $0xFFFFFFFF  }
0xb3: {  	[dreg:$0x0] =	wrdreg $0x60  }
0xb4: {  	[dreg:$0x2] =	wrdreg s24  }
0xb5: {  	[dreg:$0x3] =	wrdreg s16  }
0xb6: {  	[dreg:$0x4] =	wrdreg s17  }
0xb7: {  	[dreg:$0x5] =	wrdreg $0x148000  }
0xb8: {  	[dreg:$0x6] =	wrdreg $0x9  }
0xb9: {  	_ =	task.clear_ibuf [dreg:s8], $0x7FFFF;
	_ =	strace $0x9000004C  }
0xba: {  	s29 =	simm.s32 $0x9;
	_ =	strace $0x8000004E  }
0xbb: {  	_ =	swait.ge [sflag:s29], $0x1  }
0xbc: {  	[sflag:s29] =	ssyncadd.s32 $0xFFFFFFFF  }
0xbd: {  	_ =	strace $0x9000004E  }
0xbe: {  	_ =	sfence  }
0xbf: {  	s30 =	sld [smem:$0x0];
	_ =	sdelay $0x2  }
0xc0: {  	s31 =	sshll.u32 s1, $0xD;
	s1 =	sshrl.u32 s1, $0x2  }
0xc1: {  	s3 =	sand.u32 $0x4000, s31;
	s1 =	sadd.s32 s1, s30  }
0xc2: {  	s0 =	sor.u32 s3, s0;
	s1 =	sshll.u32 s1, $0x11  }
0xc3: {  	s0 =	sor.u32 s1, s0  }
0xc4: {  	s0 =	sadd.s32 $0x8F2B, s0  }
0xc5: {  	[sflag:s0] =	ssyncadd.remote.s32 $0x1  }
0xc6: {  	_ =	sfence.sel $0xFFFF  }
0xc7: {  	[dreg:$0x0] =	wrdreg $0xFFFFFFFF;
	(pc) =	sbr.abs _section_cstart, $3  }
0xc8: {  	[dreg:$0x1] =	wrdreg $0xFFFFFFFF  }
0xc9: {  	_ =	task.clear_ibuf [dreg:s8], $0x2FFFF;
	_ =	strace $0x9FFFFFFF  }
0xca: {  	(tm) =	ssettm $0x7FFFFFFF  }
0xcb: {  	_ =	shalt  }
tec
execute0_lowered:
.L_overlay_start_1:
0x0: {  	(tag) =	ssettag $0x1  }
0x1: {  	s0 =	rddreg [dreg:$0x0]  }
0x2: {  	s1 =	rddreg [dreg:$0x1]  }
0x3: {  	s3 =	rddreg [dreg:$0x2];
	s9 =	stileid.u32  }
0x4: {  	s4 =	srdreg.scid;
	s8 =	smul.u32 $0xA000, s9  }
0x5: {  	s2 =	rddreg [dreg:$0x3];
	s7 =	smul.u32 $0xA00, s9  }
0x6: {  	s6 =	simm.s32 $0x0;
	s4 =	sand.u32 $0x1, s4;
	s9 =	smul.u32 $0x28000, s9  }
0x7: {  	p0 =	por $0x0, $0x0;
	[smem:$0x7FF] =	sst s6;
	s5 =	smul.u32 $0xA0000, s4  }
0x8: {  	s26 =	smul.u32 $0x13880, s4;
	_ =	strace $0x8000004D;
	s4 =	ssub.s32 $0x2, s4  }
0x9: {  	s6 =	sshrl.u32 s4, $0x1;
	s1 =	sadd.s32 s1, s7;
	s9 =	sshrl.u32 s9, $0x2  }
0xa: {  	s3 =	sadd.s32 s3, s7;
	s4 =	ssub.s32 s4, s6;
	[dreg:$0x5] =	wrdreg s1  }
0xb: {  	[dreg:$0x6] =	wrdreg s3;
	s6 =	sadd.s32 s9, s2;
	s11 =	smax.u32 s4, $0x1  }
0xc: {  	s31 =	simm.s32 $0xB;
	s12 =	sadd.s32 $0x800, s6;
	[dreg:$0x8] =	wrdreg s11  }
0xd: {  	s5 =	sadd.s32 s8, s5;
	s13 =	sadd.s32 $0x1000, s6;
	[dreg:$0x9] =	wrdreg s12  }
0xe: {  	s10 =	sadd.s32 s26, s0;
	s14 =	sadd.s32 $0x1800, s6;
	[dreg:$0xa] =	wrdreg s13  }
0xf: {  	s1 =	simm.s32 $0x14000;
	s15 =	sadd.s32 $0x2000, s6;
	[dreg:$0xb] =	wrdreg s14  }
0x10: {  	s3 =	simm.s32 $0x80;
	s16 =	sadd.s32 $0x2800, s6;
	[dreg:$0xc] =	wrdreg s15  }
0x11: {  	s9 =	simm.s32 $0x8;
	s17 =	sadd.s32 $0x3000, s6;
	[dreg:$0xd] =	wrdreg s16  }
0x12: {  	s5 =	sshrl.u32 s5, $0x3;
	s18 =	sadd.s32 $0x3800, s6;
	[dreg:$0xe] =	wrdreg s17  }
0x13: {  	s7 =	sadd.s32 $0xA8400, s10;
	s19 =	sadd.s32 $0x4000, s6;
	[dreg:$0xf] =	wrdreg s18  }
0x14: {  	s10 =	sadd.s32 s8, s2;
	s20 =	sadd.s32 $0x4800, s6;
	[dreg:$0x10] =	wrdreg s19  }
0x15: {  	s21 =	sadd.s32 $0x5000, s6;
	s22 =	sadd.s32 $0x5800, s6;
	[dreg:$0x11] =	wrdreg s20  }
0x16: {  	s23 =	sadd.s32 $0x6000, s6;
	s24 =	sadd.s32 $0x6800, s6;
	[dreg:$0x12] =	wrdreg s21  }
0x17: {  	s25 =	sadd.s32 $0x7000, s6;
	s26 =	sadd.s32 $0x7800, s6;
	[dreg:$0x13] =	wrdreg s22  }
0x18: {  	s28 =	sadd.s32 $0x8800, s6;
	s29 =	sadd.s32 $0x9000, s6;
	[dreg:$0x14] =	wrdreg s23  }
0x19: {  	s30 =	sadd.s32 $0x9800, s6;
	s4 =	simm.s32 $0xE000;
	[dreg:$0x15] =	wrdreg s24  }
0x1a: {  	s8 =	simm.s32 $0x10000;
	s0 =	sadd.s32 s5, s0;
	[dreg:$0x16] =	wrdreg s25  }
0x1b: {  	[dreg:$0x17] =	wrdreg s26;
	s26 =	sadd.s32 $0x8000, s6;
	s5 =	simm.s32 $0x4  }
.Ltmp0:
0x1c: {  	s11 =	simm.s32 $0x12000;
	s12 =	simm.s32 $0x9;
	(pc) =	sbr.rel .LBB2_1-.Ltmp0, $4  }
0x1d: {  	s13 =	simm.s32 $0xA;
	s14 =	simm.s32 $0x1;
	s15 =	simm.s32 $0xA000  }
0x1e: {  	s16 =	simm.s32 $0x2;
	s17 =	simm.s32 $0xC000;
	s0 =	sadd.s32 $0xCF600, s0  }
0x1f: {  	s18 =	simm.s32 $0x0;
	[dreg:$0x7] =	wrdreg s0;
	s0 =	sshrl.u32 s10, $0x3  }
0x20: {  	v0 =	vimm.f32 $0.0e+00;
	s10 =	simm.s32 $0x5;
	[dreg:$0x18] =	wrdreg s0;
	s0 =	simm.s32 $0x3  }
.LBB2_16:
0x21: {  	_ =	swait.ge [sflag:s13], $0x2000  }
0x22: {  	[sflag:s13] =	ssyncset.done $0x0  }
0x23: {  	[sflag:s13] =	ssyncadd.s32 $0xFFFFE000  }
0x24: {  	s19 =	stileid.u32;
	[bflag:$0x0] =	sbarrier.arrive $0xFFFF  }
0x25: {  	s19 =	sshll.u32 s19, $0x6;
	s20 =	rddreg [dreg:$0x7]  }
0x26: {  	s19 =	sor.u32 $0x1C0B, s19;
	s21 =	rddreg [dreg:$0x18]  }
0x27: {  	[hbm:s20], [sflag:s19] =	dma.local [spmem:s21], $0x1400  }
0x28: {  	_ =	swait.ge [sflag:s31], $0x1400  }
0x29: {  	s18 =	sadd.s32 $0x1, s18;
	s25 =	rddreg [dreg:$0x8]  }
0x2a: {  	p1 =	sne.s32 s18, s25  }
.Ltmp1:
0x2b: {  	_ = 	snop;
	(pc) =	sbr.rel @!p1 .LBB2_17-.Ltmp1, $3  }
0x2c: {  	_ =	sdelay $0x1  }
0x2d: {  	[sflag:s31] =	ssyncset.done $0x0  }
0x2e: {  	[sflag:s31] =	ssyncadd.s32 $0xFFFFEC00  }
.LBB2_1:
0x2f: {  	s19 =	simm.s32 $0x0;
	s20 =	rddreg [dreg:$0x5]  }
0x30: {  	[tilespmem:s19], [sflag:$0xB] =	stream.linear.gather [hbm4b:s20+s19], $0x5000, $0x38;
	[tilespmem:$0x1E800] =	vst v63  }
0x31: {  	_ =	swait.ge [sflag:s31], $0x5000  }
0x32: {  	[sflag:s31] =	ssyncset.done $0x0  }
0x33: {  	s21 =	simm.s32 $0x5000;
	s25 =	rddreg [dreg:$0x6];
	[sflag:s31] =	ssyncadd.s32 $0xFFFFB000  }
0x34: {  	[tilespmem:s21], [sflag:$0xB] =	stream.linear.gather [hbm4b:s25+s19], $0x5000, $0x38;
	[tilespmem:$0x1E800] =	vst v63  }
0x35: {  	_ =	swait.ge [sflag:s31], $0x5000  }
0x36: {  	[sflag:s31] =	ssyncset.done $0x0  }
0x37: {  	s20 =	simm.s32 $0x100;
	s19 =	simm.s32 $0x0;
	[sflag:s31] =	ssyncadd.s32 $0xFFFFB000  }
.LBB2_2:
0x38: {  	p1 =	sne.s32 s20, $0x1F00;
	[tilespmem:s19+$0x14030] =	vst v0;
	s21 =	smov.u32 s20;
	s20 =	sadd.s32 $0x100, s20  }
.Ltmp2:
0x39: {  	[tilespmem:s19+$0x14020] =	vst v0;
	(pc) =	sbr.rel @p1 .LBB2_2-.Ltmp2, $3  }
0x3a: {  	[tilespmem:s19+$0x14000] =	vst v0  }
0x3b: {  	[tilespmem:s19+$0x14010] =	vst v0;
	_ =	sdelay $0x1  }
0x3c: {  	s19 =	sshra.s32 s21, $0x2  }
0x3d: {  	[tilespmem:s19+$0x14030] =	vst v0  }
0x3e: {  	[tilespmem:s19+$0x14020] =	vst v0  }
0x3f: {  	[tilespmem:s19+$0x14000] =	vst v0  }
0x40: {  	[tilespmem:s19+$0x14010] =	vst v0  }
0x41: {  	[spmem:s6] =	stream.linear.scatter [tilespmem:s1], [sflag:$0xB], $0x800, $0x38;
	[tilespmem:$0x1E800] =	vst v63  }
0x42: {  	_ =	swait.ge [sflag:s31], $0x800  }
0x43: {  	[sflag:s31] =	ssyncset.done $0x0  }
0x44: {  	s23 =	rddreg [dreg:$0x9];
	[sflag:s31] =	ssyncadd.s32 $0xFFFFF800  }
0x45: {  	[spmem:s23] =	stream.linear.scatter [tilespmem:s1], [sflag:$0xB], $0x800, $0x38;
	[tilespmem:$0x1E800] =	vst v63  }
0x46: {  	_ =	swait.ge [sflag:s31], $0x800  }
0x47: {  	[sflag:s31] =	ssyncset.done $0x0  }
0x48: {  	s24 =	rddreg [dreg:$0xa];
	[sflag:s31] =	ssyncadd.s32 $0xFFFFF800  }
0x49: {  	[spmem:s24] =	stream.linear.scatter [tilespmem:s1], [sflag:$0xB], $0x800, $0x38;
	[tilespmem:$0x1E800] =	vst v63  }
0x4a: {  	_ =	swait.ge [sflag:s31], $0x800  }
0x4b: {  	[sflag:s31] =	ssyncset.done $0x0  }
0x4c: {  	s25 =	rddreg [dreg:$0xb];
	[sflag:s31] =	ssyncadd.s32 $0xFFFFF800  }
0x4d: {  	[spmem:s25] =	stream.linear.scatter [tilespmem:s1], [sflag:$0xB], $0x800, $0x38;
	[tilespmem:$0x1E800] =	vst v63  }
0x4e: {  	_ =	swait.ge [sflag:s31], $0x800  }
0x4f: {  	[sflag:s31] =	ssyncset.done $0x0  }
0x50: {  	s20 =	rddreg [dreg:$0xc];
	[sflag:s31] =	ssyncadd.s32 $0xFFFFF800  }
0x51: {  	[spmem:s20] =	stream.linear.scatter [tilespmem:s1], [sflag:$0xB], $0x800, $0x38;
	[tilespmem:$0x1E800] =	vst v63  }
0x52: {  	_ =	swait.ge [sflag:s31], $0x800  }
0x53: {  	[sflag:s31] =	ssyncset.done $0x0  }
0x54: {  	s21 =	rddreg [dreg:$0xd];
	[sflag:s31] =	ssyncadd.s32 $0xFFFFF800  }
0x55: {  	[spmem:s21] =	stream.linear.scatter [tilespmem:s1], [sflag:$0xB], $0x800, $0x38;
	[tilespmem:$0x1E800] =	vst v63  }
0x56: {  	_ =	swait.ge [sflag:s31], $0x800  }
0x57: {  	[sflag:s31] =	ssyncset.done $0x0  }
0x58: {  	s22 =	rddreg [dreg:$0xe];
	[sflag:s31] =	ssyncadd.s32 $0xFFFFF800  }
0x59: {  	[spmem:s22] =	stream.linear.scatter [tilespmem:s1], [sflag:$0xB], $0x800, $0x38;
	[tilespmem:$0x1E800] =	vst v63  }
0x5a: {  	_ =	swait.ge [sflag:s31], $0x800  }
0x5b: {  	[sflag:s31] =	ssyncset.done $0x0  }
0x5c: {  	s23 =	rddreg [dreg:$0xf];
	[sflag:s31] =	ssyncadd.s32 $0xFFFFF800  }
0x5d: {  	[spmem:s23] =	stream.linear.scatter [tilespmem:s1], [sflag:$0xB], $0x800, $0x38;
	[tilespmem:$0x1E800] =	vst v63  }
0x5e: {  	_ =	swait.ge [sflag:s31], $0x800  }
0x5f: {  	[sflag:s31] =	ssyncset.done $0x0  }
0x60: {  	s24 =	rddreg [dreg:$0x10];
	[sflag:s31] =	ssyncadd.s32 $0xFFFFF800  }
0x61: {  	[spmem:s24] =	stream.linear.scatter [tilespmem:s1], [sflag:$0xB], $0x800, $0x38;
	[tilespmem:$0x1E800] =	vst v63  }
0x62: {  	_ =	swait.ge [sflag:s31], $0x800  }
0x63: {  	[sflag:s31] =	ssyncset.done $0x0  }
0x64: {  	s25 =	rddreg [dreg:$0x11];
	[sflag:s31] =	ssyncadd.s32 $0xFFFFF800  }
0x65: {  	[spmem:s25] =	stream.linear.scatter [tilespmem:s1], [sflag:$0xB], $0x800, $0x38;
	[tilespmem:$0x1E800] =	vst v63  }
0x66: {  	_ =	swait.ge [sflag:s31], $0x800  }
0x67: {  	[sflag:s31] =	ssyncset.done $0x0  }
0x68: {  	s20 =	rddreg [dreg:$0x12];
	[sflag:s31] =	ssyncadd.s32 $0xFFFFF800  }
0x69: {  	[spmem:s20] =	stream.linear.scatter [tilespmem:s1], [sflag:$0xB], $0x800, $0x38;
	[tilespmem:$0x1E800] =	vst v63  }
0x6a: {  	_ =	swait.ge [sflag:s31], $0x800  }
0x6b: {  	[sflag:s31] =	ssyncset.done $0x0  }
0x6c: {  	s21 =	rddreg [dreg:$0x13];
	[sflag:s31] =	ssyncadd.s32 $0xFFFFF800  }
0x6d: {  	[spmem:s21] =	stream.linear.scatter [tilespmem:s1], [sflag:$0xB], $0x800, $0x38;
	[tilespmem:$0x1E800] =	vst v63  }
0x6e: {  	_ =	swait.ge [sflag:s31], $0x800  }
0x6f: {  	[sflag:s31] =	ssyncset.done $0x0  }
0x70: {  	s22 =	rddreg [dreg:$0x14];
	[sflag:s31] =	ssyncadd.s32 $0xFFFFF800  }
0x71: {  	[spmem:s22] =	stream.linear.scatter [tilespmem:s1], [sflag:$0xB], $0x800, $0x38;
	[tilespmem:$0x1E800] =	vst v63  }
0x72: {  	_ =	swait.ge [sflag:s31], $0x800  }
0x73: {  	[sflag:s31] =	ssyncset.done $0x0  }
0x74: {  	s23 =	rddreg [dreg:$0x15];
	[sflag:s31] =	ssyncadd.s32 $0xFFFFF800  }
0x75: {  	[spmem:s23] =	stream.linear.scatter [tilespmem:s1], [sflag:$0xB], $0x800, $0x38;
	[tilespmem:$0x1E800] =	vst v63  }
0x76: {  	_ =	swait.ge [sflag:s31], $0x800  }
0x77: {  	[sflag:s31] =	ssyncset.done $0x0  }
0x78: {  	s24 =	rddreg [dreg:$0x16];
	[sflag:s31] =	ssyncadd.s32 $0xFFFFF800  }
0x79: {  	[spmem:s24] =	stream.linear.scatter [tilespmem:s1], [sflag:$0xB], $0x800, $0x38;
	[tilespmem:$0x1E800] =	vst v63  }
0x7a: {  	_ =	swait.ge [sflag:s31], $0x800  }
0x7b: {  	[sflag:s31] =	ssyncset.done $0x0  }
0x7c: {  	s25 =	rddreg [dreg:$0x17];
	[sflag:s31] =	ssyncadd.s32 $0xFFFFF800  }
0x7d: {  	[spmem:s25] =	stream.linear.scatter [tilespmem:s1], [sflag:$0xB], $0x800, $0x38;
	[tilespmem:$0x1E800] =	vst v63  }
0x7e: {  	_ =	swait.ge [sflag:s31], $0x800  }
0x7f: {  	[sflag:s31] =	ssyncset.done $0x0  }
0x80: {  	[sflag:s31] =	ssyncadd.s32 $0xFFFFF800  }
0x81: {  	[spmem:s26] =	stream.linear.scatter [tilespmem:s1], [sflag:$0xB], $0x800, $0x38;
	[tilespmem:$0x1E800] =	vst v63  }
0x82: {  	_ =	swait.ge [sflag:s31], $0x800  }
0x83: {  	[sflag:s31] =	ssyncset.done $0x0  }
0x84: {  	[sflag:s31] =	ssyncadd.s32 $0xFFFFF800  }
0x85: {  	[spmem:s28] =	stream.linear.scatter [tilespmem:s1], [sflag:$0xB], $0x800, $0x38;
	[tilespmem:$0x1E800] =	vst v63  }
0x86: {  	_ =	swait.ge [sflag:s31], $0x800  }
0x87: {  	[sflag:s31] =	ssyncset.done $0x0  }
0x88: {  	[sflag:s31] =	ssyncadd.s32 $0xFFFFF800  }
0x89: {  	[spmem:s29] =	stream.linear.scatter [tilespmem:s1], [sflag:$0xB], $0x800, $0x38;
	[tilespmem:$0x1E800] =	vst v63  }
0x8a: {  	_ =	swait.ge [sflag:s31], $0x800  }
0x8b: {  	[sflag:s31] =	ssyncset.done $0x0  }
0x8c: {  	[sflag:s31] =	ssyncadd.s32 $0xFFFFF800  }
0x8d: {  	[spmem:s30] =	stream.linear.scatter [tilespmem:s1], [sflag:$0xB], $0x800, $0x38;
	[tilespmem:$0x1E800] =	vst v63  }
.Ltmp3:
0x8e: {  	_ =	swait.ge [sflag:s31], $0x800;
	(pc) =	sbr.rel .LBB2_4-.Ltmp3, $4  }
0x8f: {  	[sflag:s31] =	ssyncset.done $0x0  }
0x90: {  	[sflag:s31] =	ssyncadd.s32 $0xFFFFF800  }
0x91: {  	s19 =	simm.s32 $0x0;
	[bflag:$0x0] =	sbarrier.arrive $0xFFFF  }
0x92: {  	s20 =	simm.s32 $0x200;
	s21 =	simm.s32 $0x5000;
	s22 =	simm.s32 $0x1  }
.LBB2_18:
.Ltmp4:
0x93: {  	(pc) =	sbr.rel @p1 .LBB2_16-.Ltmp4, $2  }
0x94: {  	_ =	sdelay $0x2  }
0x95: {  	p3 =	por $0x1, $0x1  }
.LBB2_19:
0x96: {  	s24 =	sadd.s32 $0xFFFFFF80, s20  }
0x97: {  	[tilespmem:s8], [sflag:$0x4] =	stream.indirect.gather [hbm4b:s7+s3], $0x40, s24, s3, $0xb8;
	[tilespmem:$0x1E800] =	vst v63  }
0x98: {  	_ =	swait.ge [sflag:s14], $0x2000  }
0x99: {  	[sflag:s14] =	ssyncset.done $0x0  }
0x9a: {  	s24 =	simm.s32 @p3 $0xA;
	[sflag:s14] =	ssyncadd.s32 $0xFFFFE000  }
0x9b: {  	[spmem:s2] =	stream.indirect.scatter.add.f32 [tilespmem:s15], [sflag:$0x6], $0x40, s21, s3, $0xb8;
	[tilespmem:$0x1E800] =	vst v63  }
0x9c: {  	_ =	swait.ge @p3 [sflag:s24], $0x2000  }
0x9d: {  	[sflag:s24] =	ssyncset.done @p3 $0x0  }
0x9e: {  	s23 =	sshll.u32 s23, $0x7;
	[sflag:s24] =	ssyncadd.s32 @p3 $0xFFFFE000  }
0x9f: {  	[tilespmem:s11], [sflag:$0x5] =	stream.indirect.gather [hbm4b:s7+s3], $0x40, s20, s3, $0xb8;
	[tilespmem:$0x1E800] =	vst v63  }
0xa0: {  	s19 =	sadd.s32 $0x1, s19;
	s23 =	sand.u32 $0x3FFFFF80, s23;
	_ =	swait.ge [sflag:s16], $0x2000  }
0xa1: {  	s22 =	sadd.s32 $0x5, s22;
	s23 =	sadd.s32 $0x5000, s23;
	[sflag:s16] =	ssyncset.done $0x0  }
0xa2: {  	s21 =	sadd.s32 $0x280, s21;
	s20 =	sadd.s32 $0x280, s20;
	[sflag:s16] =	ssyncadd.s32 $0xFFFFE000  }
0xa3: {  	[spmem:s2] =	stream.indirect.scatter.add.f32 [tilespmem:s17], [sflag:$0x7], $0x40, s23, s3, $0xb8;
	[tilespmem:$0x1E800] =	vst v63  }
.LBB2_4:
0xa4: {  	s23 =	sadd.s32 $0xFFFFFFFA, s22  }
0xa5: {  	p1 =	sgt.u32 s23, $0x9F  }
0xa6: {  	s23 =	simm.s32 @!p1 $0x6  }
0xa7: {  	_ =	swait.ge @!p1 [sflag:s23], $0x2000  }
0xa8: {  	[sflag:s23] =	ssyncset.done @!p1 $0x0  }
0xa9: {  	[sflag:s23] =	ssyncadd.s32 @!p1 $0xFFFFE000;
	p1 =	seq.s32 s22, $0xA1  }
0xaa: {  	s23 =	sadd.s32 @!p1 $0xFFFFFE00, s20;
	s24 =	simm.s32 @!p1 $0x80;
	s25 =	simm.s32 @!p1 $0xA000  }
0xab: {  	[tilespmem:s25], [sflag:$0x1] =	stream.indirect.gather @!p1 [hbm4b:s7+s24], $0x40, s23, s24, $0xb8;
	[tilespmem:$0x1E800] =	vst v63  }
0xac: {  	s23 =	sadd.s32 @!p1 $0xFFFFFFFC, s22  }
0xad: {  	p2 =	sgt.u32 @!p1 s23, $0x9F  }
0xae: {  	p2 =	por p1, !p2  }
.Ltmp5:
0xaf: {  	_ = 	snop;
	(pc) =	sbr.rel @!p2 .LBB2_7-.Ltmp5, $2  }
0xb0: {  	_ =	sdelay $0x2  }
0xb1: {  	p3 =	por @!p1 $0x0, $0x0  }
0xb2: {  	s23 =	simm.s32 @p1 $0x9D  }
0xb3: {  	_ =	swait.ge [sflag:s0], $0x2000;
	s23 =	sshll.u32 s23, $0x7  }
0xb4: {  	[sflag:s0] =	ssyncset.done $0x0;
	s23 =	sand.u32 $0x3FFFFF80, s23  }
0xb5: {  	s25 =	sadd.s32 $0xFFFFFFFB, s22;
	[sflag:s0] =	ssyncadd.s32 $0xFFFFE000;
	s23 =	sadd.s32 $0x5000, s23  }
0xb6: {  	[spmem:s2] =	stream.indirect.scatter.add.f32 [tilespmem:s4], [sflag:$0x8], $0x40, s23, s3, $0xb8;
	[tilespmem:$0x1E800] =	vst v63  }
.Ltmp6:
0xb7: {  	p2 =	sgt.u32 s25, $0x9F;
	(pc) =	sbr.rel @!p1 .LBB2_7-.Ltmp6, $4  }
0xb8: {  	s23 =	simm.s32 @!p2 $0x7  }
0xb9: {  	_ =	swait.ge @!p2 [sflag:s23], $0x2000  }
0xba: {  	[sflag:s23] =	ssyncset.done @!p2 $0x0  }
0xbb: {  	p3 =	por $0x1, $0x1;
	[sflag:s23] =	ssyncadd.s32 @!p2 $0xFFFFE000  }
.Ltmp7:
0xbc: {  	(pc) =	sbr.rel .LBB2_9-.Ltmp7, $3  }
0xbd: {  	_ = 	snop  }
0xbe: {  	s23 =	smul.u32 $0x5, s19;
	_ =	sdelay $0x1  }
0xbf: {  	s24 =	simm.s32 $0x9E;
	s23 =	sadd.s32 $0x1, s23  }
.LBB2_7:
0xc0: {  	s24 =	sadd.s32 $0xFFFFFFFD, s22  }
0xc1: {  	p2 =	sgt.u32 s24, $0x9F  }
.Ltmp8:
0xc2: {  	_ = 	snop;
	(pc) =	sbr.rel @p2 .LBB2_10-.Ltmp8, $3  }
0xc3: {  	_ =	sdelay $0x1  }
0xc4: {  	s23 =	sadd.s32 $0xFFFFFE80, s20  }
0xc5: {  	[tilespmem:s17], [sflag:$0x2] =	stream.indirect.gather [hbm4b:s7+s3], $0x40, s23, s3, $0xb8;
	[tilespmem:$0x1E800] =	vst v63  }
0xc6: {  	s23 =	smov.u32 s22  }
.LBB2_9:
.Ltmp9:
0xc7: {  	(pc) =	sbr.rel @p3 .LBB2_11-.Ltmp9, $4  }
.Ltmp10:
0xc8: {  	_ =	swait.ge [sflag:s5], $0x2000;
	s24 =	sshll.u32 s24, $0x7;
	(pc) =	sbr.rel @!p3 .LBB2_12-.Ltmp10, $4  }
0xc9: {  	[sflag:s5] =	ssyncset.done $0x0;
	s24 =	sand.u32 $0x3FFFFF80, s24  }
0xca: {  	p2 =	por $0x1, $0x1;
	[sflag:s5] =	ssyncadd.s32 $0xFFFFE000;
	s24 =	sadd.s32 $0x5000, s24  }
0xcb: {  	[spmem:s2] =	stream.indirect.scatter.add.f32 [tilespmem:s8], [sflag:$0x9], $0x40, s24, s3, $0xb8;
	[tilespmem:$0x1E800] =	vst v63  }
0xcc: {  	_ = 	snop  }
.LBB2_10:
.Ltmp11:
0xcd: {  	(pc) =	sbr.rel @!p3 .LBB2_13-.Ltmp11, $2  }
0xce: {  	_ =	sdelay $0x2  }
0xcf: {  	p2 =	por $0x0, $0x0;
	s23 =	smov.u32 s22  }
.LBB2_11:
0xd0: {  	_ =	swait.ge [sflag:s9], $0x2000  }
0xd1: {  	[sflag:s9] =	ssyncset.done $0x0  }
0xd2: {  	[sflag:s9] =	ssyncadd.s32 $0xFFFFE000  }
.LBB2_12:
.Ltmp12:
0xd3: {  	(pc) =	sbr.rel @p1 .LBB2_14-.Ltmp12, $2  }
0xd4: {  	_ =	sdelay $0x2  }
0xd5: {  	s24 =	simm.s32 $0x9F  }
.LBB2_13:
0xd6: {  	s24 =	sadd.s32 $0xFFFFFF00, s20  }
0xd7: {  	[tilespmem:s4], [sflag:$0x3] =	stream.indirect.gather [hbm4b:s7+s3], $0x40, s24, s3, $0xb8;
	[tilespmem:$0x1E800] =	vst v63  }
0xd8: {  	s24 =	sadd.s32 $0xFFFFFFFE, s22  }
0xd9: {  	p3 =	sgt.u32 s24, $0x9F  }
.Ltmp13:
0xda: {  	_ = 	snop;
	(pc) =	sbr.rel @p3 .LBB2_20-.Ltmp13, $1  }
0xdb: {  	_ =	sdelay $0x3  }
.LBB2_14:
.Ltmp14:
0xdc: {  	(pc) =	sbr.rel @!p2 .LBB2_18-.Ltmp14, $4  }
0xdd: {  	_ =	swait.ge [sflag:s10], $0x2000;
	s24 =	sshll.u32 s24, $0x7  }
0xde: {  	[sflag:s10] =	ssyncset.done $0x0;
	s24 =	sand.u32 $0x3FFFFF80, s24  }
0xdf: {  	[sflag:s10] =	ssyncadd.s32 $0xFFFFE000;
	s24 =	sadd.s32 $0x5000, s24  }
0xe0: {  	[spmem:s2] =	stream.indirect.scatter.add.f32 [tilespmem:s11], [sflag:$0xA], $0x40, s24, s3, $0xb8;
	[tilespmem:$0x1E800] =	vst v63  }
.Ltmp15:
0xe1: {  	(pc) =	sbr.rel @!p1 .LBB2_19-.Ltmp15, $4  }
.Ltmp16:
0xe2: {  	(pc) =	sbr.rel @p1 .LBB2_16-.Ltmp16, $4  }
0xe3: {  	_ =	swait.ge [sflag:s12], $0x2000  }
0xe4: {  	[sflag:s12] =	ssyncset.done $0x0  }
0xe5: {  	p3 =	por $0x1, $0x1;
	[sflag:s12] =	ssyncadd.s32 $0xFFFFE000  }
0xe6: {  	_ = 	snop  }
.LBB2_20:
.Ltmp17:
0xe7: {  	(pc) =	sbr.rel .LBB2_19-.Ltmp17, $4  }
0xe8: {  	s24 =	simm.s32 @p2 $0x9  }
0xe9: {  	_ =	swait.ge @p2 [sflag:s24], $0x2000  }
0xea: {  	p3 =	por @p2 $0x0, $0x0;
	[sflag:s24] =	ssyncset.done @p2 $0x0  }
0xeb: {  	p3 =	por @!p2 p0, p0;
	[sflag:s24] =	ssyncadd.s32 @p2 $0xFFFFE000  }
.LBB2_17:
0xec: {  	_ =	sfence.sel $0x180000  }
0xed: {  	[bflag:$0x0] =	sbarrier.arrive $0xFFFF  }
0xee: {  	_ =	strace $0x9000004D  }
0xef: {  	s0 =	stileid.u32;
	[bflag:$0x2] =	sbarrier.arrive $0xFFFF  }
0xf0: {  	p0 =	sne.s32 s0, $0x0;
	s0 =	rddreg [dreg:$0x4]  }
0xf1: {  	s0 =	sadd.s32 @!p0 $0x100000, s0  }
0xf2: {  	[sflag:s0] =	ssyncadd.tile.s32 @!p0 $0x1;
	_ =	shalt  }
.Lfunc_end2:
_tile_overlayer_lowered:
.L_overlay_start_2:
0xf3: {  	(tag) =	ssettag $0x2  }
0xf4: {  	s0 =	rddreg [dreg:$0x0];
	s2 =	stileid.u32  }
0xf5: {  	s1 =	rddreg [dreg:$0x1];
	p0 =	sne.s32 s2, $0x0  }
0xf6: {  	s3 =	rddreg [dreg:$0x2];
	[bflag:$0x3] =	sbarrier.arrive $0xFFFF;
	s2 =	simm.s32 @!p0 $0x1C0B  }
0xf7: {  	[timem:s3], [sflag:s2] =	dma.local @!p0 [hbm:s0], s1  }
0xf8: {  	s0 =	simm.s32 @!p0 $0xB  }
0xf9: {  	_ =	swait.ge @!p0 [sflag:s0], s1  }
0xfa: {  	s1 =	ssub.s32 @!p0 $0x0, s1;
	[sflag:s0] =	ssyncset.done @!p0 $0x0  }
0xfb: {  	[sflag:s0] =	ssyncadd.s32 @!p0 s1  }
0xfc: {  	[bflag:$0x3] =	sbarrier.arrive $0xFFFF  }
0xfd: {  	_ =	shalt  }

// kernel: kernel.20.cloned.1.call-start
scs
__scs_entry_jumppad:
0x0: {  	(pc) =	sbr.rel $0x88, $3  }
0x1: {  	(tag) =	ssettag $0x0;
	lr =	simm.s32 $0x1  }
0x2: {  	[smem:$0x3F94] =	sst lr;
	_ =	strace $0xD0000000  }
0x3: {  	_ = 	snop  }
0x4: {  	_ = 	snop  }
0x5: {  	_ = 	snop  }
0x6: {  	_ = 	snop  }
0x7: {  	_ = 	snop  }
__scs_overlays_trampoline_lowered:
0x8: {  	[smem:$0x3FA3] =	sst s0  }
0x9: {  	[smem:$0x3FA4] =	sst s1  }
0xa: {  	[smem:$0x3FA5] =	sst s2  }
0xb: {  	[smem:$0x3FA6] =	sst s3  }
0xc: {  	[smem:$0x3FA7] =	sst s4  }
0xd: {  	[smem:$0x3FA8] =	sst s5  }
0xe: {  	[smem:$0x3FA9] =	sst s6  }
0xf: {  	[smem:$0x3FAA] =	sst s7  }
0x10: {  	[smem:$0x3FAB] =	sst s8  }
0x11: {  	[smem:$0x3FAC] =	sst s9;
	s0 =	simm.s32 @!p0 $0x0  }
0x12: {  	s1 =	sld [smem:$0x3F92];
	s0 =	simm.s32 @p0 $0x1  }
0x13: {  	[smem:$0x3FAD] =	sst s0;
	s0 =	simm.s32 @!p1 $0x0  }
0x14: {  	s2 =	sld [smem:$0x3F91];
	s0 =	simm.s32 @p1 $0x1  }
0x15: {  	[smem:$0x3FAE] =	sst s0;
	s0 =	simm.s32 @!p2 $0x0  }
0x16: {  	s3 =	sld [smem:$0x3FDB];
	s0 =	simm.s32 @p2 $0x1  }
0x17: {  	s4 =	simm.s32 $0x1BF5;
	[smem:$0x3FB0] =	sst s0  }
0x18: {  	s0 =	sld [smem:$0x3F93];
	_ =	swait.ge [sflag:s4], $0x0  }
0x19: {  	s7 =	sld [smem:$0x3F94]  }
0x1a: {  	s8 =	sadd.s32 $0xFFFFE003, lr  }
0x1b: {  	s9 =	sadd.s32 $0xFFFFFEF7, lr;
	s5 =	simm.s32 $0xFFFFFFFF;
	p2 =	slt.u32 s8, $0xFFFFF086  }
0x1c: {  	p1 =	slt.u32 s9, $0xF7A;
	s5 =	simm.s32 @!p2 $0x0  }
0x1d: {  	s5 =	simm.s32 @p1 $0x1;
	p0 =	seq.s32 s7, s2  }
0x1e: {  	s7 =	smul.u32 @!p0 $0xF7A, s2;
	p2 =	seq.s32 @!p0 s5, $0x0  }
0x1f: {  	s9 =	smul.u32 $0xF7A, s1;
	s8 =	simm.s32 @!p0 $0x1BF5;
	p2 =	por !p2, p0  }
0x20: {  	[sflag:s8] =	ssyncset.s32 @!p0 $0xFFFFF086;
	s6 =	sadd.s32 @!p0 s3, s7;
	s7 =	simm.s32 @!p0 $0x108  }
0x21: {  	s3 =	sadd.s32 s3, s9;
	s6 =	sadd.s32 @!p0 $0x88, s6;
	s7 =	simm.s32 @p2 $0x1082  }
0x22: {  	[simem:s7], [sflag:s8] =	dma.local @!p0 [hbm:s6], $0xF7A  }
0x23: {  	s9 =	sor.u32 $0xD0000000, s2;
	s6 =	simm.s32 $0x108;
	_ =	swait.ge @!p0 [sflag:s8], $0x0  }
0x24: {  	s3 =	sadd.s32 $0x88, s3;
	s6 =	simm.s32 @!p1 $0x1082;
	[sflag:s4] =	ssyncset.s32 $0xFFFFF086  }
0x25: {  	[simem:s6], [sflag:s4] =	dma.local [hbm:s3], $0xF7A  }
0x26: {  	[smem:$0x3F94] =	sst s1;
	(tag) =	ssettag s2;
	_ =	strace s9  }
0x27: {  	s1 =	sld [smem:$0x3FA4]  }
0x28: {  	s2 =	sld [smem:$0x3FA5]  }
0x29: {  	s4 =	sld [smem:$0x3FA7]  }
0x2a: {  	p0 =	seq.s32 s5, $0x0;
	s5 =	sld [smem:$0x3FA8]  }
0x2b: {  	s6 =	sld [smem:$0x3FA9]  }
0x2c: {  	s7 =	sld [smem:$0x3FAA]  }
0x2d: {  	s3 =	simm.s32 $0x108;
	s8 =	sld [smem:$0x3FAB]  }
0x2e: {  	s3 =	simm.s32 @!p0 $0x1082;
	s9 =	sld [smem:$0x3FAC]  }
0x2f: {  	lr =	sadd.s32 s0, s3;
	s0 =	sld [smem:$0x3FA3]  }
0x30: {  	s3 =	sld [smem:$0x3FA6]  }
0x31: {  	[smem:$0x3FAF] =	sst s10  }
0x32: {  	s10 =	sld [smem:$0x3FAD];
	_ =	sdelay $0x3  }
0x33: {  	p0 =	seq.s32 s10, $0x1;
	s10 =	sld [smem:$0x3FAF];
	_ =	sdelay $0x3  }
0x34: {  	[smem:$0x3FAF] =	sst s10  }
0x35: {  	s10 =	sld [smem:$0x3FAE];
	_ =	sdelay $0x3  }
0x36: {  	p1 =	seq.s32 s10, $0x1;
	s10 =	sld [smem:$0x3FAF];
	_ =	sdelay $0x3  }
0x37: {  	[smem:$0x3FAF] =	sst s10  }
0x38: {  	s10 =	sld [smem:$0x3FB0]  }
0x39: {  	_ = 	snop;
	(pc) =	sbr.ind lr, $3  }
0x3a: {  	_ = 	snop  }
0x3b: {  	_ = 	snop  }
0x3c: {  	p2 =	seq.s32 s10, $0x1;
	s10 =	sld [smem:$0x3FAF]  }
0x3d: {  	_ =	shalt  }
0x3e: {  	_ =	shalt  }
0x3f: {  	_ =	shalt  }
0x40: {  	_ =	shalt  }
0x41: {  	_ =	shalt  }
0x42: {  	_ =	shalt  }
0x43: {  	_ =	shalt  }
0x44: {  	_ =	shalt  }
0x45: {  	_ =	shalt  }
0x46: {  	_ =	shalt  }
0x47: {  	_ =	shalt  }
0x48: {  	_ =	shalt  }
0x49: {  	_ =	shalt  }
0x4a: {  	_ =	shalt  }
0x4b: {  	_ =	shalt  }
0x4c: {  	_ =	shalt  }
0x4d: {  	_ =	shalt  }
0x4e: {  	_ =	shalt  }
0x4f: {  	_ =	shalt  }
0x50: {  	_ =	shalt  }
0x51: {  	_ =	shalt  }
0x52: {  	_ =	shalt  }
0x53: {  	_ =	shalt  }
0x54: {  	_ =	shalt  }
0x55: {  	_ =	shalt  }
0x56: {  	_ =	shalt  }
0x57: {  	_ =	shalt  }
0x58: {  	_ =	shalt  }
0x59: {  	_ =	shalt  }
0x5a: {  	_ =	shalt  }
0x5b: {  	_ =	shalt  }
0x5c: {  	_ =	shalt  }
0x5d: {  	_ =	shalt  }
0x5e: {  	_ =	shalt  }
0x5f: {  	_ =	shalt  }
0x60: {  	_ =	shalt  }
0x61: {  	_ =	shalt  }
0x62: {  	_ =	shalt  }
0x63: {  	_ =	shalt  }
0x64: {  	_ =	shalt  }
0x65: {  	_ =	shalt  }
0x66: {  	_ =	shalt  }
0x67: {  	_ =	shalt  }
0x68: {  	_ =	shalt  }
0x69: {  	_ =	shalt  }
0x6a: {  	_ =	shalt  }
0x6b: {  	_ =	shalt  }
0x6c: {  	_ =	shalt  }
0x6d: {  	_ =	shalt  }
0x6e: {  	_ =	shalt  }
0x6f: {  	_ =	shalt  }
0x70: {  	_ =	shalt  }
0x71: {  	_ =	shalt  }
0x72: {  	_ =	shalt  }
0x73: {  	_ =	shalt  }
0x74: {  	_ =	shalt  }
0x75: {  	_ =	shalt  }
0x76: {  	_ =	shalt  }
0x77: {  	_ =	shalt  }
0x78: {  	_ =	shalt  }
0x79: {  	_ =	shalt  }
0x7a: {  	_ =	shalt  }
0x7b: {  	_ =	shalt  }
0x7c: {  	_ =	shalt  }
0x7d: {  	_ =	shalt  }
0x7e: {  	_ =	shalt  }
0x7f: {  	_ =	shalt  }
0x80: {  	_ =	shalt  }
0x81: {  	_ =	shalt  }
0x82: {  	_ =	shalt  }
0x83: {  	_ =	shalt  }
0x84: {  	_ =	shalt  }
0x85: {  	_ =	shalt  }
0x86: {  	_ =	shalt  }
0x87: {  	_ =	shalt  }
.Lfunc_end0:
.L_simem_size_0:
called_computation.3_lowered:
.L_overlay_start_0:
0x88: {  	s2 =	sld [smem:$0x3FD9]  }
0x89: {  	s3 =	sld [smem:$0x3FFE];
	_ =	sdelay $0x1  }
0x8a: {  	s1 =	srdreg.scid  }
0x8b: {  	s0 =	sand.u32 $0x1, s1  }
0x8c: {  	s14 =	sshll.u32 s0, $0xA;
	s2 =	sadd.s32 s3, s2  }
0x8d: {  	s2 =	sadd.s32 s2, s14  }
0x8e: {  	[smem:$0x3FBB] =	sst s2  }
0x8f: {  	_ = 	snop  }
0x90: {  	s2 =	sld [smem:$0x3FD0];
	_ =	sdelay $0x2  }
0x91: {  	s15 =	simm.s32 $0xA;
	s4 =	simm.s32 $0x10  }
0x92: {  	[smem:s4], [sflag:s15] =	dma.local [hbm:s2], $0x1  }
0x93: {  	_ =	swait.eq [sflag:s15], $0x1  }
0x94: {  	[sflag:s15] =	ssyncset.done $0x0  }
0x95: {  	s16 =	sld [smem:$0x10];
	[sflag:s15] =	ssyncadd.s32 $0xFFFFFFFF  }
0x96: {  	s17 =	sld [smem:$0x11];
	(tm) =	ssettm $0x1  }
0x97: {  	s18 =	sld [smem:$0x3FFB];
	_ =	sdelay $0x3  }
0x98: {  	_ =	strace s18  }
0x99: {  	s4 =	sld [smem:$0x3FFC];
	_ =	sdelay $0x3  }
0x9a: {  	_ =	strace s4  }
0x9b: {  	s4 =	sld [smem:$0x3FFD];
	_ =	sdelay $0x3  }
0x9c: {  	_ =	strace s4  }
0x9d: {  	_ =	strace $0x8FFFFFFF  }
0x9e: {  	s19 =	sld [smem:$0x3FDB];
	_ =	sdelay $0x1  }
0x9f: {  	s5 =	simm.s32 $_scs_section_size  }
0xa0: {  	s6 =	simm.s32 $_size__tile_overlayer_lowered;
	s7 =	simm.s32 $_tile_overlayer_lowered  }
0xa1: {  	s22 =	simm.s32 $0x1BFF;
	s21 =	sshll.u32 s7, $0x1;
	s4 =	sadd.s32 s5, s19  }
0xa2: {  	s8 =	simm.s32 $0x0;
	s20 =	sshll.u32 s6, $0x1;
	s6 =	sadd.s32 s21, s4  }
0xa3: {  	[timem:s8], [sflag:s22] =	dma.local [hbm:s6], s20  }
0xa4: {  	_ =	swait.ge [sflag:s22], s20  }
0xa5: {  	s5 =	ssub.s32 $0x0, s20;
	[sflag:s22] =	ssyncset.done $0x0  }
0xa6: {  	[sflag:s22] =	ssyncadd.s32 s5;
	_ =	sdelay $0x1  }
0xa7: {  	s23 =	simm.s32 $0x1B8B  }
0xa8: {  	_ =	swait.ge [sflag:s23], $0x1  }
0xa9: {  	[sflag:s23] =	ssyncset.done $0x0  }
0xaa: {  	s25 =	simm.s32 $0x1B8E;
	s24 =	sld [smem:$0x3FFE];
	[sflag:s23] =	ssyncadd.s32 $0xFFFFFFFF  }
0xab: {  	s26 =	simm.s32 $execute0_lowered;
	[smem:$0x3FD2] =	sst s25  }
0xac: {  	s6 =	sshll.u32 s26, $0x1;
	_ =	strace $0x8000004F;
	[dreg:$0x1] =	wrdreg $0xFFFFFFFF  }
0xad: {  	s28 =	simm.s32 $_size_execute0_lowered;
	s4 =	sadd.s32 s4, s6;
	[dreg:$0x0] =	wrdreg $0x0  }
0xae: {  	s6 =	sshll.u32 s28, $0x1;
	[dreg:$0x2] =	wrdreg s4  }
0xaf: {  	[dreg:$0x3] =	wrdreg s6  }
0xb0: {  	[dreg:$0x4] =	wrdreg $0xC0  }
0xb1: {  	_ =	task [dreg:s8], $0x5FFFF  }
0xb2: {  	[dreg:$0x1] =	wrdreg $0xFFFFFFFF  }
0xb3: {  	[dreg:$0x0] =	wrdreg $0x60  }
0xb4: {  	[dreg:$0x2] =	wrdreg s24  }
0xb5: {  	[dreg:$0x3] =	wrdreg s16  }
0xb6: {  	[dreg:$0x4] =	wrdreg s17  }
0xb7: {  	[dreg:$0x5] =	wrdreg $0x148000  }
0xb8: {  	[dreg:$0x6] =	wrdreg $0x9  }
0xb9: {  	_ =	task.clear_ibuf [dreg:s8], $0x7FFFF;
	_ =	strace $0x9000004F  }
0xba: {  	s29 =	simm.s32 $0x9;
	_ =	strace $0x80000051  }
0xbb: {  	_ =	swait.ge [sflag:s29], $0x1  }
0xbc: {  	[sflag:s29] =	ssyncadd.s32 $0xFFFFFFFF  }
0xbd: {  	_ =	strace $0x90000051  }
0xbe: {  	_ =	sfence  }
0xbf: {  	s30 =	sld [smem:$0x0];
	_ =	sdelay $0x2  }
0xc0: {  	s31 =	sshll.u32 s1, $0xD;
	s1 =	sshrl.u32 s1, $0x2  }
0xc1: {  	s3 =	sand.u32 $0x4000, s31;
	s1 =	sadd.s32 s1, s30  }
0xc2: {  	s0 =	sor.u32 s3, s0;
	s1 =	sshll.u32 s1, $0x11  }
0xc3: {  	s0 =	sor.u32 s1, s0  }
0xc4: {  	s0 =	sadd.s32 $0x8F2B, s0  }
0xc5: {  	[sflag:s0] =	ssyncadd.remote.s32 $0x1  }
0xc6: {  	_ =	sfence.sel $0xFFFF  }
0xc7: {  	[dreg:$0x0] =	wrdreg $0xFFFFFFFF;
	(pc) =	sbr.abs _section_cstart, $3  }
0xc8: {  	[dreg:$0x1] =	wrdreg $0xFFFFFFFF  }
0xc9: {  	_ =	task.clear_ibuf [dreg:s8], $0x2FFFF;
	_ =	strace $0x9FFFFFFF  }
0xca: {  	(tm) =	ssettm $0x7FFFFFFF  }
0xcb: {  	_ =	shalt  }
tec
execute0_lowered:
.L_overlay_start_1:
0x0: {  	(tag) =	ssettag $0x1  }
0x1: {  	s0 =	rddreg [dreg:$0x0]  }
0x2: {  	s1 =	rddreg [dreg:$0x1]  }
0x3: {  	s3 =	rddreg [dreg:$0x2];
	s9 =	stileid.u32  }
0x4: {  	s4 =	srdreg.scid;
	s8 =	smul.u32 $0xA000, s9  }
0x5: {  	s2 =	rddreg [dreg:$0x3];
	s7 =	smul.u32 $0xA00, s9  }
0x6: {  	s6 =	simm.s32 $0x0;
	s4 =	sand.u32 $0x1, s4;
	s9 =	smul.u32 $0x28000, s9  }
0x7: {  	p0 =	por $0x0, $0x0;
	[smem:$0x7FF] =	sst s6;
	s5 =	smul.u32 $0xA0000, s4  }
0x8: {  	s26 =	smul.u32 $0x13880, s4;
	_ =	strace $0x80000050;
	s4 =	ssub.s32 $0x2, s4  }
0x9: {  	s6 =	sshrl.u32 s4, $0x1;
	s1 =	sadd.s32 s1, s7;
	s9 =	sshrl.u32 s9, $0x2  }
0xa: {  	s3 =	sadd.s32 s3, s7;
	s4 =	ssub.s32 s4, s6;
	[dreg:$0x5] =	wrdreg s1  }
0xb: {  	[dreg:$0x6] =	wrdreg s3;
	s6 =	sadd.s32 s9, s2;
	s11 =	smax.u32 s4, $0x1  }
0xc: {  	s31 =	simm.s32 $0xB;
	s12 =	sadd.s32 $0x800, s6;
	[dreg:$0x8] =	wrdreg s11  }
0xd: {  	s5 =	sadd.s32 s8, s5;
	s13 =	sadd.s32 $0x1000, s6;
	[dreg:$0x9] =	wrdreg s12  }
0xe: {  	s10 =	sadd.s32 s26, s0;
	s14 =	sadd.s32 $0x1800, s6;
	[dreg:$0xa] =	wrdreg s13  }
0xf: {  	s1 =	simm.s32 $0x14000;
	s15 =	sadd.s32 $0x2000, s6;
	[dreg:$0xb] =	wrdreg s14  }
0x10: {  	s3 =	simm.s32 $0x80;
	s16 =	sadd.s32 $0x2800, s6;
	[dreg:$0xc] =	wrdreg s15  }
0x11: {  	s9 =	simm.s32 $0x8;
	s17 =	sadd.s32 $0x3000, s6;
	[dreg:$0xd] =	wrdreg s16  }
0x12: {  	s5 =	sshrl.u32 s5, $0x3;
	s18 =	sadd.s32 $0x3800, s6;
	[dreg:$0xe] =	wrdreg s17  }
0x13: {  	s7 =	sadd.s32 $0x1600, s10;
	s19 =	sadd.s32 $0x4000, s6;
	[dreg:$0xf] =	wrdreg s18  }
0x14: {  	s10 =	sadd.s32 s8, s2;
	s20 =	sadd.s32 $0x4800, s6;
	[dreg:$0x10] =	wrdreg s19  }
0x15: {  	s21 =	sadd.s32 $0x5000, s6;
	s22 =	sadd.s32 $0x5800, s6;
	[dreg:$0x11] =	wrdreg s20  }
0x16: {  	s23 =	sadd.s32 $0x6000, s6;
	s24 =	sadd.s32 $0x6800, s6;
	[dreg:$0x12] =	wrdreg s21  }
0x17: {  	s25 =	sadd.s32 $0x7000, s6;
	s26 =	sadd.s32 $0x7800, s6;
	[dreg:$0x13] =	wrdreg s22  }
0x18: {  	s28 =	sadd.s32 $0x8800, s6;
	s29 =	sadd.s32 $0x9000, s6;
	[dreg:$0x14] =	wrdreg s23  }
0x19: {  	s30 =	sadd.s32 $0x9800, s6;
	s4 =	simm.s32 $0xE000;
	[dreg:$0x15] =	wrdreg s24  }
0x1a: {  	s8 =	simm.s32 $0x10000;
	s0 =	sadd.s32 s5, s0;
	[dreg:$0x16] =	wrdreg s25  }
0x1b: {  	[dreg:$0x17] =	wrdreg s26;
	s26 =	sadd.s32 $0x8000, s6;
	s5 =	simm.s32 $0x4  }
.Ltmp0:
0x1c: {  	s11 =	simm.s32 $0x12000;
	s12 =	simm.s32 $0x9;
	(pc) =	sbr.rel .LBB2_1-.Ltmp0, $4  }
0x1d: {  	s13 =	simm.s32 $0xA;
	s14 =	simm.s32 $0x1;
	s15 =	simm.s32 $0xA000  }
0x1e: {  	s16 =	simm.s32 $0x2;
	s17 =	simm.s32 $0xC000;
	s0 =	sadd.s32 $0x28800, s0  }
0x1f: {  	s18 =	simm.s32 $0x0;
	[dreg:$0x7] =	wrdreg s0;
	s0 =	sshrl.u32 s10, $0x3  }
0x20: {  	v0 =	vimm.f32 $0.0e+00;
	s10 =	simm.s32 $0x5;
	[dreg:$0x18] =	wrdreg s0;
	s0 =	simm.s32 $0x3  }
.LBB2_16:
0x21: {  	_ =	swait.ge [sflag:s13], $0x2000  }
0x22: {  	[sflag:s13] =	ssyncset.done $0x0  }
0x23: {  	[sflag:s13] =	ssyncadd.s32 $0xFFFFE000  }
0x24: {  	s19 =	stileid.u32;
	[bflag:$0x0] =	sbarrier.arrive $0xFFFF  }
0x25: {  	s19 =	sshll.u32 s19, $0x6;
	s20 =	rddreg [dreg:$0x7]  }
0x26: {  	s19 =	sor.u32 $0x1C0B, s19;
	s21 =	rddreg [dreg:$0x18]  }
0x27: {  	[hbm:s20], [sflag:s19] =	dma.local [spmem:s21], $0x1400  }
0x28: {  	_ =	swait.ge [sflag:s31], $0x1400  }
0x29: {  	s18 =	sadd.s32 $0x1, s18;
	s25 =	rddreg [dreg:$0x8]  }
0x2a: {  	p1 =	sne.s32 s18, s25  }
.Ltmp1:
0x2b: {  	_ = 	snop;
	(pc) =	sbr.rel @!p1 .LBB2_17-.Ltmp1, $3  }
0x2c: {  	_ =	sdelay $0x1  }
0x2d: {  	[sflag:s31] =	ssyncset.done $0x0  }
0x2e: {  	[sflag:s31] =	ssyncadd.s32 $0xFFFFEC00  }
.LBB2_1:
0x2f: {  	s19 =	simm.s32 $0x0;
	s20 =	rddreg [dreg:$0x5]  }
0x30: {  	[tilespmem:s19], [sflag:$0xB] =	stream.linear.gather [hbm4b:s20+s19], $0x5000, $0x38;
	[tilespmem:$0x1E800] =	vst v63  }
0x31: {  	_ =	swait.ge [sflag:s31], $0x5000  }
0x32: {  	[sflag:s31] =	ssyncset.done $0x0  }
0x33: {  	s21 =	simm.s32 $0x5000;
	s25 =	rddreg [dreg:$0x6];
	[sflag:s31] =	ssyncadd.s32 $0xFFFFB000  }
0x34: {  	[tilespmem:s21], [sflag:$0xB] =	stream.linear.gather [hbm4b:s25+s19], $0x5000, $0x38;
	[tilespmem:$0x1E800] =	vst v63  }
0x35: {  	_ =	swait.ge [sflag:s31], $0x5000  }
0x36: {  	[sflag:s31] =	ssyncset.done $0x0  }
0x37: {  	s20 =	simm.s32 $0x100;
	s19 =	simm.s32 $0x0;
	[sflag:s31] =	ssyncadd.s32 $0xFFFFB000  }
.LBB2_2:
0x38: {  	p1 =	sne.s32 s20, $0x1F00;
	[tilespmem:s19+$0x14030] =	vst v0;
	s21 =	smov.u32 s20;
	s20 =	sadd.s32 $0x100, s20  }
.Ltmp2:
0x39: {  	[tilespmem:s19+$0x14020] =	vst v0;
	(pc) =	sbr.rel @p1 .LBB2_2-.Ltmp2, $3  }
0x3a: {  	[tilespmem:s19+$0x14000] =	vst v0  }
0x3b: {  	[tilespmem:s19+$0x14010] =	vst v0;
	_ =	sdelay $0x1  }
0x3c: {  	s19 =	sshra.s32 s21, $0x2  }
0x3d: {  	[tilespmem:s19+$0x14030] =	vst v0  }
0x3e: {  	[tilespmem:s19+$0x14020] =	vst v0  }
0x3f: {  	[tilespmem:s19+$0x14000] =	vst v0  }
0x40: {  	[tilespmem:s19+$0x14010] =	vst v0  }
0x41: {  	[spmem:s6] =	stream.linear.scatter [tilespmem:s1], [sflag:$0xB], $0x800, $0x38;
	[tilespmem:$0x1E800] =	vst v63  }
0x42: {  	_ =	swait.ge [sflag:s31], $0x800  }
0x43: {  	[sflag:s31] =	ssyncset.done $0x0  }
0x44: {  	s23 =	rddreg [dreg:$0x9];
	[sflag:s31] =	ssyncadd.s32 $0xFFFFF800  }
0x45: {  	[spmem:s23] =	stream.linear.scatter [tilespmem:s1], [sflag:$0xB], $0x800, $0x38;
	[tilespmem:$0x1E800] =	vst v63  }
0x46: {  	_ =	swait.ge [sflag:s31], $0x800  }
0x47: {  	[sflag:s31] =	ssyncset.done $0x0  }
0x48: {  	s24 =	rddreg [dreg:$0xa];
	[sflag:s31] =	ssyncadd.s32 $0xFFFFF800  }
0x49: {  	[spmem:s24] =	stream.linear.scatter [tilespmem:s1], [sflag:$0xB], $0x800, $0x38;
	[tilespmem:$0x1E800] =	vst v63  }
0x4a: {  	_ =	swait.ge [sflag:s31], $0x800  }
0x4b: {  	[sflag:s31] =	ssyncset.done $0x0  }
0x4c: {  	s25 =	rddreg [dreg:$0xb];
	[sflag:s31] =	ssyncadd.s32 $0xFFFFF800  }
0x4d: {  	[spmem:s25] =	stream.linear.scatter [tilespmem:s1], [sflag:$0xB], $0x800, $0x38;
	[tilespmem:$0x1E800] =	vst v63  }
0x4e: {  	_ =	swait.ge [sflag:s31], $0x800  }
0x4f: {  	[sflag:s31] =	ssyncset.done $0x0  }
0x50: {  	s20 =	rddreg [dreg:$0xc];
	[sflag:s31] =	ssyncadd.s32 $0xFFFFF800  }
0x51: {  	[spmem:s20] =	stream.linear.scatter [tilespmem:s1], [sflag:$0xB], $0x800, $0x38;
	[tilespmem:$0x1E800] =	vst v63  }
0x52: {  	_ =	swait.ge [sflag:s31], $0x800  }
0x53: {  	[sflag:s31] =	ssyncset.done $0x0  }
0x54: {  	s21 =	rddreg [dreg:$0xd];
	[sflag:s31] =	ssyncadd.s32 $0xFFFFF800  }
0x55: {  	[spmem:s21] =	stream.linear.scatter [tilespmem:s1], [sflag:$0xB], $0x800, $0x38;
	[tilespmem:$0x1E800] =	vst v63  }
0x56: {  	_ =	swait.ge [sflag:s31], $0x800  }
0x57: {  	[sflag:s31] =	ssyncset.done $0x0  }
0x58: {  	s22 =	rddreg [dreg:$0xe];
	[sflag:s31] =	ssyncadd.s32 $0xFFFFF800  }
0x59: {  	[spmem:s22] =	stream.linear.scatter [tilespmem:s1], [sflag:$0xB], $0x800, $0x38;
	[tilespmem:$0x1E800] =	vst v63  }
0x5a: {  	_ =	swait.ge [sflag:s31], $0x800  }
0x5b: {  	[sflag:s31] =	ssyncset.done $0x0  }
0x5c: {  	s23 =	rddreg [dreg:$0xf];
	[sflag:s31] =	ssyncadd.s32 $0xFFFFF800  }
0x5d: {  	[spmem:s23] =	stream.linear.scatter [tilespmem:s1], [sflag:$0xB], $0x800, $0x38;
	[tilespmem:$0x1E800] =	vst v63  }
0x5e: {  	_ =	swait.ge [sflag:s31], $0x800  }
0x5f: {  	[sflag:s31] =	ssyncset.done $0x0  }
0x60: {  	s24 =	rddreg [dreg:$0x10];
	[sflag:s31] =	ssyncadd.s32 $0xFFFFF800  }
0x61: {  	[spmem:s24] =	stream.linear.scatter [tilespmem:s1], [sflag:$0xB], $0x800, $0x38;
	[tilespmem:$0x1E800] =	vst v63  }
0x62: {  	_ =	swait.ge [sflag:s31], $0x800  }
0x63: {  	[sflag:s31] =	ssyncset.done $0x0  }
0x64: {  	s25 =	rddreg [dreg:$0x11];
	[sflag:s31] =	ssyncadd.s32 $0xFFFFF800  }
0x65: {  	[spmem:s25] =	stream.linear.scatter [tilespmem:s1], [sflag:$0xB], $0x800, $0x38;
	[tilespmem:$0x1E800] =	vst v63  }
0x66: {  	_ =	swait.ge [sflag:s31], $0x800  }
0x67: {  	[sflag:s31] =	ssyncset.done $0x0  }
0x68: {  	s20 =	rddreg [dreg:$0x12];
	[sflag:s31] =	ssyncadd.s32 $0xFFFFF800  }
0x69: {  	[spmem:s20] =	stream.linear.scatter [tilespmem:s1], [sflag:$0xB], $0x800, $0x38;
	[tilespmem:$0x1E800] =	vst v63  }
0x6a: {  	_ =	swait.ge [sflag:s31], $0x800  }
0x6b: {  	[sflag:s31] =	ssyncset.done $0x0  }
0x6c: {  	s21 =	rddreg [dreg:$0x13];
	[sflag:s31] =	ssyncadd.s32 $0xFFFFF800  }
0x6d: {  	[spmem:s21] =	stream.linear.scatter [tilespmem:s1], [sflag:$0xB], $0x800, $0x38;
	[tilespmem:$0x1E800] =	vst v63  }
0x6e: {  	_ =	swait.ge [sflag:s31], $0x800  }
0x6f: {  	[sflag:s31] =	ssyncset.done $0x0  }
0x70: {  	s22 =	rddreg [dreg:$0x14];
	[sflag:s31] =	ssyncadd.s32 $0xFFFFF800  }
0x71: {  	[spmem:s22] =	stream.linear.scatter [tilespmem:s1], [sflag:$0xB], $0x800, $0x38;
	[tilespmem:$0x1E800] =	vst v63  }
0x72: {  	_ =	swait.ge [sflag:s31], $0x800  }
0x73: {  	[sflag:s31] =	ssyncset.done $0x0  }
0x74: {  	s23 =	rddreg [dreg:$0x15];
	[sflag:s31] =	ssyncadd.s32 $0xFFFFF800  }
0x75: {  	[spmem:s23] =	stream.linear.scatter [tilespmem:s1], [sflag:$0xB], $0x800, $0x38;
	[tilespmem:$0x1E800] =	vst v63  }
0x76: {  	_ =	swait.ge [sflag:s31], $0x800  }
0x77: {  	[sflag:s31] =	ssyncset.done $0x0  }
0x78: {  	s24 =	rddreg [dreg:$0x16];
	[sflag:s31] =	ssyncadd.s32 $0xFFFFF800  }
0x79: {  	[spmem:s24] =	stream.linear.scatter [tilespmem:s1], [sflag:$0xB], $0x800, $0x38;
	[tilespmem:$0x1E800] =	vst v63  }
0x7a: {  	_ =	swait.ge [sflag:s31], $0x800  }
0x7b: {  	[sflag:s31] =	ssyncset.done $0x0  }
0x7c: {  	s25 =	rddreg [dreg:$0x17];
	[sflag:s31] =	ssyncadd.s32 $0xFFFFF800  }
0x7d: {  	[spmem:s25] =	stream.linear.scatter [tilespmem:s1], [sflag:$0xB], $0x800, $0x38;
	[tilespmem:$0x1E800] =	vst v63  }
0x7e: {  	_ =	swait.ge [sflag:s31], $0x800  }
0x7f: {  	[sflag:s31] =	ssyncset.done $0x0  }
0x80: {  	[sflag:s31] =	ssyncadd.s32 $0xFFFFF800  }
0x81: {  	[spmem:s26] =	stream.linear.scatter [tilespmem:s1], [sflag:$0xB], $0x800, $0x38;
	[tilespmem:$0x1E800] =	vst v63  }
0x82: {  	_ =	swait.ge [sflag:s31], $0x800  }
0x83: {  	[sflag:s31] =	ssyncset.done $0x0  }
0x84: {  	[sflag:s31] =	ssyncadd.s32 $0xFFFFF800  }
0x85: {  	[spmem:s28] =	stream.linear.scatter [tilespmem:s1], [sflag:$0xB], $0x800, $0x38;
	[tilespmem:$0x1E800] =	vst v63  }
0x86: {  	_ =	swait.ge [sflag:s31], $0x800  }
0x87: {  	[sflag:s31] =	ssyncset.done $0x0  }
0x88: {  	[sflag:s31] =	ssyncadd.s32 $0xFFFFF800  }
0x89: {  	[spmem:s29] =	stream.linear.scatter [tilespmem:s1], [sflag:$0xB], $0x800, $0x38;
	[tilespmem:$0x1E800] =	vst v63  }
0x8a: {  	_ =	swait.ge [sflag:s31], $0x800  }
0x8b: {  	[sflag:s31] =	ssyncset.done $0x0  }
0x8c: {  	[sflag:s31] =	ssyncadd.s32 $0xFFFFF800  }
0x8d: {  	[spmem:s30] =	stream.linear.scatter [tilespmem:s1], [sflag:$0xB], $0x800, $0x38;
	[tilespmem:$0x1E800] =	vst v63  }
.Ltmp3:
0x8e: {  	_ =	swait.ge [sflag:s31], $0x800;
	(pc) =	sbr.rel .LBB2_4-.Ltmp3, $4  }
0x8f: {  	[sflag:s31] =	ssyncset.done $0x0  }
0x90: {  	[sflag:s31] =	ssyncadd.s32 $0xFFFFF800  }
0x91: {  	s19 =	simm.s32 $0x0;
	[bflag:$0x0] =	sbarrier.arrive $0xFFFF  }
0x92: {  	s20 =	simm.s32 $0x200;
	s21 =	simm.s32 $0x5000;
	s22 =	simm.s32 $0x1  }
.LBB2_18:
.Ltmp4:
0x93: {  	(pc) =	sbr.rel @p1 .LBB2_16-.Ltmp4, $2  }
0x94: {  	_ =	sdelay $0x2  }
0x95: {  	p3 =	por $0x1, $0x1  }
.LBB2_19:
0x96: {  	s24 =	sadd.s32 $0xFFFFFF80, s20  }
0x97: {  	[tilespmem:s8], [sflag:$0x4] =	stream.indirect.gather [hbm4b:s7+s3], $0x40, s24, s3, $0xb8;
	[tilespmem:$0x1E800] =	vst v63  }
0x98: {  	_ =	swait.ge [sflag:s14], $0x2000  }
0x99: {  	[sflag:s14] =	ssyncset.done $0x0  }
0x9a: {  	s24 =	simm.s32 @p3 $0xA;
	[sflag:s14] =	ssyncadd.s32 $0xFFFFE000  }
0x9b: {  	[spmem:s2] =	stream.indirect.scatter.add.f32 [tilespmem:s15], [sflag:$0x6], $0x40, s21, s3, $0xb8;
	[tilespmem:$0x1E800] =	vst v63  }
0x9c: {  	_ =	swait.ge @p3 [sflag:s24], $0x2000  }
0x9d: {  	[sflag:s24] =	ssyncset.done @p3 $0x0  }
0x9e: {  	s23 =	sshll.u32 s23, $0x7;
	[sflag:s24] =	ssyncadd.s32 @p3 $0xFFFFE000  }
0x9f: {  	[tilespmem:s11], [sflag:$0x5] =	stream.indirect.gather [hbm4b:s7+s3], $0x40, s20, s3, $0xb8;
	[tilespmem:$0x1E800] =	vst v63  }
0xa0: {  	s19 =	sadd.s32 $0x1, s19;
	s23 =	sand.u32 $0x3FFFFF80, s23;
	_ =	swait.ge [sflag:s16], $0x2000  }
0xa1: {  	s22 =	sadd.s32 $0x5, s22;
	s23 =	sadd.s32 $0x5000, s23;
	[sflag:s16] =	ssyncset.done $0x0  }
0xa2: {  	s21 =	sadd.s32 $0x280, s21;
	s20 =	sadd.s32 $0x280, s20;
	[sflag:s16] =	ssyncadd.s32 $0xFFFFE000  }
0xa3: {  	[spmem:s2] =	stream.indirect.scatter.add.f32 [tilespmem:s17], [sflag:$0x7], $0x40, s23, s3, $0xb8;
	[tilespmem:$0x1E800] =	vst v63  }
.LBB2_4:
0xa4: {  	s23 =	sadd.s32 $0xFFFFFFFA, s22  }
0xa5: {  	p1 =	sgt.u32 s23, $0x9F  }
0xa6: {  	s23 =	simm.s32 @!p1 $0x6  }
0xa7: {  	_ =	swait.ge @!p1 [sflag:s23], $0x2000  }
0xa8: {  	[sflag:s23] =	ssyncset.done @!p1 $0x0  }
0xa9: {  	[sflag:s23] =	ssyncadd.s32 @!p1 $0xFFFFE000;
	p1 =	seq.s32 s22, $0xA1  }
0xaa: {  	s23 =	sadd.s32 @!p1 $0xFFFFFE00, s20;
	s24 =	simm.s32 @!p1 $0x80;
	s25 =	simm.s32 @!p1 $0xA000  }
0xab: {  	[tilespmem:s25], [sflag:$0x1] =	stream.indirect.gather @!p1 [hbm4b:s7+s24], $0x40, s23, s24, $0xb8;
	[tilespmem:$0x1E800] =	vst v63  }
0xac: {  	s23 =	sadd.s32 @!p1 $0xFFFFFFFC, s22  }
0xad: {  	p2 =	sgt.u32 @!p1 s23, $0x9F  }
0xae: {  	p2 =	por p1, !p2  }
.Ltmp5:
0xaf: {  	_ = 	snop;
	(pc) =	sbr.rel @!p2 .LBB2_7-.Ltmp5, $2  }
0xb0: {  	_ =	sdelay $0x2  }
0xb1: {  	p3 =	por @!p1 $0x0, $0x0  }
0xb2: {  	s23 =	simm.s32 @p1 $0x9D  }
0xb3: {  	_ =	swait.ge [sflag:s0], $0x2000;
	s23 =	sshll.u32 s23, $0x7  }
0xb4: {  	[sflag:s0] =	ssyncset.done $0x0;
	s23 =	sand.u32 $0x3FFFFF80, s23  }
0xb5: {  	s25 =	sadd.s32 $0xFFFFFFFB, s22;
	[sflag:s0] =	ssyncadd.s32 $0xFFFFE000;
	s23 =	sadd.s32 $0x5000, s23  }
0xb6: {  	[spmem:s2] =	stream.indirect.scatter.add.f32 [tilespmem:s4], [sflag:$0x8], $0x40, s23, s3, $0xb8;
	[tilespmem:$0x1E800] =	vst v63  }
.Ltmp6:
0xb7: {  	p2 =	sgt.u32 s25, $0x9F;
	(pc) =	sbr.rel @!p1 .LBB2_7-.Ltmp6, $4  }
0xb8: {  	s23 =	simm.s32 @!p2 $0x7  }
0xb9: {  	_ =	swait.ge @!p2 [sflag:s23], $0x2000  }
0xba: {  	[sflag:s23] =	ssyncset.done @!p2 $0x0  }
0xbb: {  	p3 =	por $0x1, $0x1;
	[sflag:s23] =	ssyncadd.s32 @!p2 $0xFFFFE000  }
.Ltmp7:
0xbc: {  	(pc) =	sbr.rel .LBB2_9-.Ltmp7, $3  }
0xbd: {  	_ = 	snop  }
0xbe: {  	s23 =	smul.u32 $0x5, s19;
	_ =	sdelay $0x1  }
0xbf: {  	s24 =	simm.s32 $0x9E;
	s23 =	sadd.s32 $0x1, s23  }
.LBB2_7:
0xc0: {  	s24 =	sadd.s32 $0xFFFFFFFD, s22  }
0xc1: {  	p2 =	sgt.u32 s24, $0x9F  }
.Ltmp8:
0xc2: {  	_ = 	snop;
	(pc) =	sbr.rel @p2 .LBB2_10-.Ltmp8, $3  }
0xc3: {  	_ =	sdelay $0x1  }
0xc4: {  	s23 =	sadd.s32 $0xFFFFFE80, s20  }
0xc5: {  	[tilespmem:s17], [sflag:$0x2] =	stream.indirect.gather [hbm4b:s7+s3], $0x40, s23, s3, $0xb8;
	[tilespmem:$0x1E800] =	vst v63  }
0xc6: {  	s23 =	smov.u32 s22  }
.LBB2_9:
.Ltmp9:
0xc7: {  	(pc) =	sbr.rel @p3 .LBB2_11-.Ltmp9, $4  }
.Ltmp10:
0xc8: {  	_ =	swait.ge [sflag:s5], $0x2000;
	s24 =	sshll.u32 s24, $0x7;
	(pc) =	sbr.rel @!p3 .LBB2_12-.Ltmp10, $4  }
0xc9: {  	[sflag:s5] =	ssyncset.done $0x0;
	s24 =	sand.u32 $0x3FFFFF80, s24  }
0xca: {  	p2 =	por $0x1, $0x1;
	[sflag:s5] =	ssyncadd.s32 $0xFFFFE000;
	s24 =	sadd.s32 $0x5000, s24  }
0xcb: {  	[spmem:s2] =	stream.indirect.scatter.add.f32 [tilespmem:s8], [sflag:$0x9], $0x40, s24, s3, $0xb8;
	[tilespmem:$0x1E800] =	vst v63  }
0xcc: {  	_ = 	snop  }
.LBB2_10:
.Ltmp11:
0xcd: {  	(pc) =	sbr.rel @!p3 .LBB2_13-.Ltmp11, $2  }
0xce: {  	_ =	sdelay $0x2  }
0xcf: {  	p2 =	por $0x0, $0x0;
	s23 =	smov.u32 s22  }
.LBB2_11:
0xd0: {  	_ =	swait.ge [sflag:s9], $0x2000  }
0xd1: {  	[sflag:s9] =	ssyncset.done $0x0  }
0xd2: {  	[sflag:s9] =	ssyncadd.s32 $0xFFFFE000  }
.LBB2_12:
.Ltmp12:
0xd3: {  	(pc) =	sbr.rel @p1 .LBB2_14-.Ltmp12, $2  }
0xd4: {  	_ =	sdelay $0x2  }
0xd5: {  	s24 =	simm.s32 $0x9F  }
.LBB2_13:
0xd6: {  	s24 =	sadd.s32 $0xFFFFFF00, s20  }
0xd7: {  	[tilespmem:s4], [sflag:$0x3] =	stream.indirect.gather [hbm4b:s7+s3], $0x40, s24, s3, $0xb8;
	[tilespmem:$0x1E800] =	vst v63  }
0xd8: {  	s24 =	sadd.s32 $0xFFFFFFFE, s22  }
0xd9: {  	p3 =	sgt.u32 s24, $0x9F  }
.Ltmp13:
0xda: {  	_ = 	snop;
	(pc) =	sbr.rel @p3 .LBB2_20-.Ltmp13, $1  }
0xdb: {  	_ =	sdelay $0x3  }
.LBB2_14:
.Ltmp14:
0xdc: {  	(pc) =	sbr.rel @!p2 .LBB2_18-.Ltmp14, $4  }
0xdd: {  	_ =	swait.ge [sflag:s10], $0x2000;
	s24 =	sshll.u32 s24, $0x7  }
0xde: {  	[sflag:s10] =	ssyncset.done $0x0;
	s24 =	sand.u32 $0x3FFFFF80, s24  }
0xdf: {  	[sflag:s10] =	ssyncadd.s32 $0xFFFFE000;
	s24 =	sadd.s32 $0x5000, s24  }
0xe0: {  	[spmem:s2] =	stream.indirect.scatter.add.f32 [tilespmem:s11], [sflag:$0xA], $0x40, s24, s3, $0xb8;
	[tilespmem:$0x1E800] =	vst v63  }
.Ltmp15:
0xe1: {  	(pc) =	sbr.rel @!p1 .LBB2_19-.Ltmp15, $4  }
.Ltmp16:
0xe2: {  	(pc) =	sbr.rel @p1 .LBB2_16-.Ltmp16, $4  }
0xe3: {  	_ =	swait.ge [sflag:s12], $0x2000  }
0xe4: {  	[sflag:s12] =	ssyncset.done $0x0  }
0xe5: {  	p3 =	por $0x1, $0x1;
	[sflag:s12] =	ssyncadd.s32 $0xFFFFE000  }
0xe6: {  	_ = 	snop  }
.LBB2_20:
.Ltmp17:
0xe7: {  	(pc) =	sbr.rel .LBB2_19-.Ltmp17, $4  }
0xe8: {  	s24 =	simm.s32 @p2 $0x9  }
0xe9: {  	_ =	swait.ge @p2 [sflag:s24], $0x2000  }
0xea: {  	p3 =	por @p2 $0x0, $0x0;
	[sflag:s24] =	ssyncset.done @p2 $0x0  }
0xeb: {  	p3 =	por @!p2 p0, p0;
	[sflag:s24] =	ssyncadd.s32 @p2 $0xFFFFE000  }
.LBB2_17:
0xec: {  	_ =	sfence.sel $0x180000  }
0xed: {  	[bflag:$0x0] =	sbarrier.arrive $0xFFFF  }
0xee: {  	_ =	strace $0x90000050  }
0xef: {  	s0 =	stileid.u32;
	[bflag:$0x2] =	sbarrier.arrive $0xFFFF  }
0xf0: {  	p0 =	sne.s32 s0, $0x0;
	s0 =	rddreg [dreg:$0x4]  }
0xf1: {  	s0 =	sadd.s32 @!p0 $0x100000, s0  }
0xf2: {  	[sflag:s0] =	ssyncadd.tile.s32 @!p0 $0x1;
	_ =	shalt  }
.Lfunc_end2:
_tile_overlayer_lowered:
.L_overlay_start_2:
0xf3: {  	(tag) =	ssettag $0x2  }
0xf4: {  	s0 =	rddreg [dreg:$0x0];
	s2 =	stileid.u32  }
0xf5: {  	s1 =	rddreg [dreg:$0x1];
	p0 =	sne.s32 s2, $0x0  }
0xf6: {  	s3 =	rddreg [dreg:$0x2];
	[bflag:$0x3] =	sbarrier.arrive $0xFFFF;
	s2 =	simm.s32 @!p0 $0x1C0B  }
0xf7: {  	[timem:s3], [sflag:s2] =	dma.local @!p0 [hbm:s0], s1  }
0xf8: {  	s0 =	simm.s32 @!p0 $0xB  }
0xf9: {  	_ =	swait.ge @!p0 [sflag:s0], s1  }
0xfa: {  	s1 =	ssub.s32 @!p0 $0x0, s1;
	[sflag:s0] =	ssyncset.done @!p0 $0x0  }
0xfb: {  	[sflag:s0] =	ssyncadd.s32 @!p0 s1  }
0xfc: {  	[bflag:$0x3] =	sbarrier.arrive $0xFFFF  }
0xfd: {  	_ =	shalt  }

</sc_bundles>
